<compile_context>
chip_gen: v7x
topology: tpu7x:2x2x1
jax: 0.10.2.dev20260603
libtpu: 0.0.44.dev20260713+nightly
codegen_flags: <defaults>
</compile_context>

<pallas_src>
import jax
import jax.numpy as jnp
from jax import lax
from jax.experimental import pallas as pl
from jax.experimental.pallas import tpu as pltpu
from jax.experimental.pallas import tpu_sc as plsc

N_NODES = 10000
F_IN = 128
E_HID = 16
N_REL = 11
RN = N_REL * N_NODES
NE = 650000
GR = N_NODES // 8

NUM_CORES = 2
NUM_SUBCORES = 16

CHUNK = 256
STEPS = 160
DEG_BATCH = 8
EDGES_PER_TILE = CHUNK * STEPS
NE_PAD = NUM_SUBCORES * EDGES_PER_TILE

HALF = RN // 2
ACC_H = 55040
ROWS_PER_TILE = ACC_H // NUM_SUBCORES


def _sc_agg_body(colrow_hbm, table_hbm, acc_out,
                 crbuf, rowbuf, rows_v, onesbuf, accv, degv,
                 acc_sh, deg_sh, sem_cr0, sem_cr1, sem_g0, sem_g1):
    sem_cr = (sem_cr0, sem_cr1)
    sem_g = (sem_g0, sem_g1)
    c = lax.axis_index("c")
    s = lax.axis_index("s")

    def zacc(i, _):
        accv[i, :] = jnp.zeros((16,), jnp.float32)
        return 0
    lax.fori_loop(0, ROWS_PER_TILE, zacc, 0)

    def zdeg(i, _):
        degv[pl.ds(i * 16, 16)] = jnp.zeros((16,), jnp.float32)
        return 0
    lax.fori_loop(0, ROWS_PER_TILE // 16, zdeg, 0)

    def orow(i, _):
        onesbuf[pl.ds(i * 16, 16)] = jnp.ones((16,), jnp.float32)
        return 0
    lax.fori_loop(0, CHUNK // 16, orow, 0)

    pltpu.sync_copy(accv, acc_sh.at[pl.ds(s * ROWS_PER_TILE, ROWS_PER_TILE), :])
    pltpu.sync_copy(degv, deg_sh.at[pl.ds(s * ROWS_PER_TILE, ROWS_PER_TILE)])
    plsc.subcore_barrier()

    lo = c * HALF
    lanes = lax.iota(jnp.int32, 16)

    def start_cr(gk, slot):
        pltpu.async_copy(colrow_hbm.at[gk], crbuf.at[slot], sem_cr[slot])

    def wait_cr(gk, slot):
        pltpu.make_async_copy(colrow_hbm.at[gk], crbuf.at[slot],
                              sem_cr[slot]).wait()

    def start_g(slot):
        pltpu.async_copy(table_hbm.at[crbuf.at[slot, 0]],
                         rows_v.at[slot], sem_g[slot])

    def wait_g(slot):
        pltpu.make_async_copy(table_hbm.at[crbuf.at[slot, 0]],
                              rows_v.at[slot], sem_g[slot]).wait()

    base = s * STEPS
    start_cr(base, 0)
    start_cr(base + 1, 1)
    wait_cr(base, 0)
    start_g(0)

    def half_iter(i, slot, nslot):
        wait_g(slot)

        def remap(g, _):
            v = crbuf[slot, 1, pl.ds(g * 16, 16)] - lo
            ok = (v >= 0) & (v < HALF)
            rowbuf[slot, pl.ds(g * 16, 16)] = jnp.where(ok, v, HALF + lanes)
            return 0
        lax.fori_loop(0, CHUNK // 16, remap, 0)

        start_cr(base + i + 2, slot)
        wait_cr(base + i + 1, nslot)
        start_g(nslot)
        pltpu.sync_copy(rows_v.at[slot], acc_sh.at[rowbuf.at[slot]], add=True)
        pltpu.sync_copy(onesbuf, deg_sh.at[rowbuf.at[slot]], add=True)

    def step2(i2, _):
        half_iter(2 * i2, 0, 1)
        half_iter(2 * i2 + 1, 1, 0)
        return 0
    lax.fori_loop(0, STEPS // 2, step2, 0)
    wait_g(0)
    wait_cr(base + STEPS + 1, 1)
    plsc.subcore_barrier()

    pltpu.sync_copy(acc_sh.at[pl.ds(s * ROWS_PER_TILE, ROWS_PER_TILE), :], accv)
    pltpu.sync_copy(deg_sh.at[pl.ds(s * ROWS_PER_TILE, ROWS_PER_TILE)], degv)

    def scale(g, _):
        inv = 1.0 / jnp.maximum(degv[pl.ds(g * 16, 16)], 1.0)
        for j in range(16):
            r = g * 16 + j
            accv[r, :] = accv[r, :] * inv[j]
        return 0
    lax.fori_loop(0, ROWS_PER_TILE // 16, scale, 0)

    gbase = c * HALF + s * ROWS_PER_TILE
    nreal = HALF - 15 * ROWS_PER_TILE

    @pl.when(s < NUM_SUBCORES - 1)
    def _():
        pltpu.sync_copy(accv, acc_out.at[pl.ds(gbase, ROWS_PER_TILE), :])

    @pl.when(s == NUM_SUBCORES - 1)
    def _():
        pltpu.sync_copy(accv.at[pl.ds(0, nreal), :],
                        acc_out.at[pl.ds(gbase, nreal), :])


_sc_agg = pl.kernel(
    _sc_agg_body,
    out_type=jax.ShapeDtypeStruct((RN, E_HID), jnp.float32),
    name="sc_edge_agg",
    mesh=plsc.VectorSubcoreMesh(core_axis_name="c", subcore_axis_name="s"),
    scratch_types=[
        pltpu.VMEM((2, 2, CHUNK), jnp.int32),
        pltpu.VMEM((2, CHUNK), jnp.int32),
        pltpu.VMEM((2, CHUNK, E_HID), jnp.float32),
        pltpu.VMEM((CHUNK,), jnp.float32),
        pltpu.VMEM((ROWS_PER_TILE, E_HID), jnp.float32),
        pltpu.VMEM((ROWS_PER_TILE,), jnp.float32),
        pltpu.VMEM_SHARED((ACC_H, E_HID), jnp.float32),
        pltpu.VMEM_SHARED((ACC_H,), jnp.float32),
        pltpu.SemaphoreType.DMA,
        pltpu.SemaphoreType.DMA,
        pltpu.SemaphoreType.DMA,
        pltpu.SemaphoreType.DMA,
    ],
    compiler_params=pltpu.CompilerParams(use_tc_tiling_on_sc=False,
                                         needs_layout_passes=False),
)


def _proj_body(f_ref, w_ref, o_ref):
    o_ref[...] = jnp.dot(f_ref[...], w_ref[0],
                         preferred_element_type=jnp.float32)[None]


_proj1 = pl.pallas_call(
    _proj_body,
    grid=(N_REL,),
    in_specs=[
        pl.BlockSpec((GR, 8 * F_IN), lambda r: (0, 0)),
        pl.BlockSpec((1, 8 * F_IN, 128), lambda r: (r, 0, 0)),
    ],
    out_specs=pl.BlockSpec((1, GR, 128), lambda r: (r, 0, 0)),
    out_shape=jax.ShapeDtypeStruct((N_REL, GR, 128), jnp.float32),
)


def _mid_body(acc_ref, b1_ref, w2_ref, p2_ref):
    h = jnp.maximum(jnp.sum(acc_ref[...], axis=0) + b1_ref[...], 0.0)
    p2_ref[...] = jax.lax.dot_general(
        w2_ref[...], h, (((2,), (1,)), ((), ())),
        preferred_element_type=jnp.float32).transpose(0, 2, 1)


def _mid_body2(acc_ref, b1_ref, w2_ref, p2_ref):
    h = jnp.maximum(jnp.sum(acc_ref[...], axis=0) + b1_ref[...], 0.0)
    p2_ref[...] = jnp.einsum("nk,rkl->rnl", h, w2_ref[...],
                             preferred_element_type=jnp.float32)


_mid = pl.pallas_call(
    _mid_body2,
    grid=(1,),
    in_specs=[
        pl.BlockSpec((N_REL, GR, 128), lambda i: (0, 0, 0)),
        pl.BlockSpec((1, 128), lambda i: (0, 0)),
        pl.BlockSpec((N_REL, 128, 128), lambda i: (0, 0, 0)),
    ],
    out_specs=pl.BlockSpec((N_REL, GR, 128), lambda i: (0, 0, 0)),
    out_shape=jax.ShapeDtypeStruct((N_REL, GR, 128), jnp.float32),
)


def _final_body(acc_ref, b2_ref, o_ref):
    o_ref[...] = jnp.sum(acc_ref[...], axis=0) + b2_ref[...]


_final = pl.pallas_call(
    _final_body,
    grid=(1,),
    in_specs=[
        pl.BlockSpec((N_REL, GR, 128), lambda i: (0, 0, 0)),
        pl.BlockSpec((1, 128), lambda i: (0, 0)),
    ],
    out_specs=pl.BlockSpec((GR, 128), lambda i: (0, 0)),
    out_shape=jax.ShapeDtypeStruct((GR, 128), jnp.float32),
)


def _halves_to_dense(acc_flat):
    return acc_flat.reshape(N_REL, GR, 128)


def kernel(features, fr, to, rel, weights1, weights2, bias1, bias2):
    fr = fr.astype(jnp.int32)
    to = to.astype(jnp.int32)
    rel = rel.astype(jnp.int32)
    row = rel * N_NODES + fr
    col = rel * N_NODES + to
    npad = NE_PAD - NE
    col_pad = jnp.concatenate([col, jnp.zeros((npad,), jnp.int32)])
    row_pad = jnp.concatenate([row, jnp.full((npad,), RN, jnp.int32)])
    nchunks = NE_PAD // CHUNK
    colrow = jnp.stack([col_pad.reshape(nchunks, CHUNK),
                        row_pad.reshape(nchunks, CHUNK)], axis=1)
    colrow = jnp.concatenate(
        [colrow, jnp.zeros((2, 2, CHUNK), jnp.int32)], axis=0)

    eye8 = jnp.eye(8, dtype=jnp.float32)
    w1big = (eye8[None, :, None, :, None]
             * weights1[:, None, :, None, :]).reshape(N_REL, 8 * F_IN, 128)
    w2big = (eye8[None, :, None, :, None]
             * weights2[:, None, :, None, :]).reshape(N_REL, 128, 128)
    b1_lane = jnp.tile(bias1, 8).reshape(1, 128)
    b2_lane = jnp.tile(bias2, 8).reshape(1, 128)

    f_g = features.reshape(GR, 8 * F_IN)
    p1 = _proj1(f_g, w1big).reshape(RN, E_HID)
    acc1 = _sc_agg(colrow, p1)
    p2 = _mid(_halves_to_dense(acc1), b1_lane, w2big).reshape(RN, E_HID)
    acc2 = _sc_agg(colrow, p2)
    out = _final(_halves_to_dense(acc2), b2_lane)
    return out.reshape(N_NODES, E_HID)

# --- scband reference (transcript-rebuilt; emitter-appended) ---
"""Pipeline reference for scband-rgcn2-7627861918259 (READ-ONLY COPY).

The authoritative reference and input builder live on the scoring server;
editing this copy changes nothing except your own understanding.
"""

import jax, jax.numpy as jnp
import numpy as np

N = 10000
F_DIM = 128
E_DIM = 16
NUM_CLS = 16
R_ORIG = 5
R = 2 * R_ORIG + 1
E_ORIG = 320000

def setup_inputs(seed: int = 0) -> dict:
    key = jax.random.key(seed)
    ks = jax.random.split(key, 8)
    features = jax.random.normal(ks[0], (N, F_DIM), dtype=jnp.float32)
    fr0 = jax.random.randint(ks[1], (E_ORIG,), 0, N)
    to0 = jax.random.randint(ks[2], (E_ORIG,), 0, N)
    rel0 = jax.random.randint(ks[3], (E_ORIG,), 0, R_ORIG)
    loop = jnp.arange(N)
    # enrich_with_drop: add inverse relations and self-loops (self_loop_dropout=0.0)
    fr = jnp.concatenate([fr0, to0, loop])
    to = jnp.concatenate([to0, fr0, loop])
    rel = jnp.concatenate([rel0, rel0 + R_ORIG, jnp.full((N,), 2 * R_ORIG, dtype=rel0.dtype)])
    g1 = float(np.sqrt(2.0) * np.sqrt(6.0 / (F_DIM + E_DIM)))
    g2 = float(np.sqrt(2.0) * np.sqrt(6.0 / (E_DIM + NUM_CLS)))
    weights1 = jax.random.uniform(ks[4], (R, F_DIM, E_DIM), minval=-g1, maxval=g1, dtype=jnp.float32)
    weights2 = jax.random.uniform(ks[5], (R, E_DIM, NUM_CLS), minval=-g2, maxval=g2, dtype=jnp.float32)
    bias1 = jnp.zeros((E_DIM,), dtype=jnp.float32)
    bias2 = jnp.zeros((NUM_CLS,), dtype=jnp.float32)
    return {"features": features, "fr": fr, "to": to, "rel": rel,
            "weights1": weights1, "weights2": weights2, "bias1": bias1, "bias2": bias2}

def reference(features, fr, to, rel, weights1, weights2, bias1, bias2):
    n, f = features.shape
    r = weights1.shape[0]
    # vertical stacked adjacency: row = rel*n + src, col = dst; row-normalized (mean aggregation)
    row = rel * n + fr
    ones = jnp.ones(row.shape[0], dtype=jnp.float32)
    deg = jax.ops.segment_sum(ones, row, num_segments=r * n)
    vals = (1.0 / jnp.maximum(deg, 1.0))[row]
    # layer 1: h = ver_graph @ features -> [r*n, f]
    h = jax.ops.segment_sum(features[to] * vals[:, None], row, num_segments=r * n)
    h = h.reshape(r, n, f)
    h = jnp.einsum('rnf,rfe->ne', h, weights1)  # bmm + sum over relations
    h = jax.nn.relu(h + bias1)
    e = h.shape[1]
    # layer 2: h2 = ver_graph @ h -> [r*n, e]
    h2 = jax.ops.segment_sum(h[to] * vals[:, None], row, num_segments=r * n)
    h2 = h2.reshape(r, n, e)
    out = jnp.einsum('rne,rec->nc', h2, weights2) + bias2
    return out

if __name__ == "__main__":
    import jax
    _d = setup_inputs()
    print(jax.jit(kernel)(*tuple(_d.values())))

</pallas_src>

<mosaic_0001>
#map = affine_map<(d0, d1) -> (0, 0, 0)>
#map1 = affine_map<(d0, d1) -> (0, 0)>
module attributes {stable_mosaic.version = 14 : i64} {
  func.func @sc_edge_agg(%arg0: i32, %arg1: i32, %arg2: memref<2562x2x256xi32, #tpu.memory_space<hbm>>, %arg3: memref<110000x16xf32, #tpu.memory_space<hbm>>, %arg4: memref<110000x16xf32, #tpu.memory_space<hbm>>, %arg5: memref<2x2x256xi32, #tpu.memory_space<vmem>>, %arg6: memref<2x256xi32, #tpu.memory_space<vmem>>, %arg7: memref<2x256x16xf32, #tpu.memory_space<vmem>>, %arg8: memref<256xf32, #tpu.memory_space<vmem>>, %arg9: memref<3440x16xf32, #tpu.memory_space<vmem>>, %arg10: memref<3440xf32, #tpu.memory_space<vmem>>, %arg11: memref<55040x16xf32, #tpu.memory_space<vmem_shared>>, %arg12: memref<55040xf32, #tpu.memory_space<vmem_shared>>, %arg13: memref<!tpu.dma_semaphore, #tpu.memory_space<semaphore_mem>>, %arg14: memref<!tpu.dma_semaphore, #tpu.memory_space<semaphore_mem>>, %arg15: memref<!tpu.dma_semaphore, #tpu.memory_space<semaphore_mem>>, %arg16: memref<!tpu.dma_semaphore, #tpu.memory_space<semaphore_mem>>) attributes {dimension_semantics = [#tpu.dimension_semantics<core_parallel>, #tpu.dimension_semantics<subcore_parallel>], iteration_bounds = array<i64: 2, 16>, scalar_prefetch = 0 : i64, scratch_operands = 12 : i64, tpu.core_type = #tpu.core_type<sc_vector_subcore>, window_params = [{transform_indices = #map}, {transform_indices = #map1}, {transform_indices = #map1}]} {
    %scan3A = arith.constant 0 : i32
    %scan3A_0 = arith.constant 0 : i32
    %scan3A_1 = arith.constant 3440 : i32
    %scan3A_2 = arith.addi %scan3A_0, %scan3A_1 : i32
    %scan3A_3 = arith.constant 1 : i32
    %scan3A_4 = scf.for %scan3A_154 = %scan3A_0 to %scan3A_2 step %scan3A_3 iter_args(%scan3A_155 = %scan3A) -> (i32)  : i32 {
      %broadcast_in_dim3A = arith.constant 0.000000e+00 : f32
      %broadcast_in_dim3A_156 = vector.broadcast %broadcast_in_dim3A : f32 to vector<16xf32>
      %swap3A = arith.index_cast %scan3A_154 : i32 to index
      %swap3A_157 = arith.constant 0 : index
      %swap3A_158 = tpu.vector_load %arg9[%swap3A, %swap3A_157] {strides = array<i32>} : memref<3440x16xf32, #tpu.memory_space<vmem>>, vector<16xf32>,
      tpu.vector_store %arg9[%swap3A, %swap3A_157], %broadcast_in_dim3A_156 {strides = array<i32>} : memref<3440x16xf32, #tpu.memory_space<vmem>>, vector<16xf32>,
      %scan3A_159 = arith.constant 0 : i32
      scf.yield %scan3A_159 : i32
    }
    %scan3A_5 = arith.constant 3440 : i32
    %scan3A_6 = arith.constant 0 : i32
    %scan3A_7 = arith.constant 0 : i32
    %scan3A_8 = arith.constant 215 : i32
    %scan3A_9 = arith.addi %scan3A_7, %scan3A_8 : i32
    %scan3A_10 = arith.constant 1 : i32
    %scan3A_11 = scf.for %scan3A_154 = %scan3A_7 to %scan3A_9 step %scan3A_10 iter_args(%scan3A_155 = %scan3A_6) -> (i32)  : i32 {
      %broadcast_in_dim3A = arith.constant 0.000000e+00 : f32
      %broadcast_in_dim3A_156 = vector.broadcast %broadcast_in_dim3A : f32 to vector<16xf32>
      %mul3A_157 = arith.constant 16 : i32
      %mul3A_158 = arith.muli %scan3A_154, %mul3A_157 : i32
      %swap3A = arith.index_cast %mul3A_158 : i32 to index
      %swap3A_159 = tpu.vector_load %arg10[%swap3A] {strides = array<i32>} : memref<3440xf32, #tpu.memory_space<vmem>>, vector<16xf32>,
      tpu.vector_store %arg10[%swap3A], %broadcast_in_dim3A_156 {strides = array<i32>} : memref<3440xf32, #tpu.memory_space<vmem>>, vector<16xf32>,
      %scan3A_160 = arith.constant 0 : i32
      scf.yield %scan3A_160 : i32
    }
    %scan3A_12 = arith.constant 215 : i32
    %scan3A_13 = arith.constant 0 : i32
    %scan3A_14 = arith.constant 0 : i32
    %scan3A_15 = arith.constant 16 : i32
    %scan3A_16 = arith.addi %scan3A_14, %scan3A_15 : i32
    %scan3A_17 = arith.constant 1 : i32
    %scan3A_18 = scf.for %scan3A_154 = %scan3A_14 to %scan3A_16 step %scan3A_17 iter_args(%scan3A_155 = %scan3A_13) -> (i32)  : i32 {
      %broadcast_in_dim3A = arith.constant 1.000000e+00 : f32
      %broadcast_in_dim3A_156 = vector.broadcast %broadcast_in_dim3A : f32 to vector<16xf32>
      %mul3A_157 = arith.constant 16 : i32
      %mul3A_158 = arith.muli %scan3A_154, %mul3A_157 : i32
      %swap3A = arith.index_cast %mul3A_158 : i32 to index
      %swap3A_159 = tpu.vector_load %arg8[%swap3A] {strides = array<i32>} : memref<256xf32, #tpu.memory_space<vmem>>, vector<16xf32>,
      tpu.vector_store %arg8[%swap3A], %broadcast_in_dim3A_156 {strides = array<i32>} : memref<256xf32, #tpu.memory_space<vmem>>, vector<16xf32>,
      %scan3A_160 = arith.constant 0 : i32
      scf.yield %scan3A_160 : i32
    }
    %scan3A_19 = arith.constant 16 : i32
    %mul3A = arith.constant 3440 : i32
    %mul3A_20 = arith.muli %arg1, %mul3A : i32
    "tpu.region"() ({
      %run_scoped3A = tpu.sem_alloc : memref<!tpu.dma_semaphore, #tpu.memory_space<semaphore_mem>>
      %dma_start3A_154 = arith.constant 0 : i32
      %dma_start3A_155 = tpu.memref_slice %arg11[%mul3A_20, %dma_start3A_154] : memref<55040x16xf32, #tpu.memory_space<vmem_shared>> -> memref<3440x16xf32, #tpu.memory_space<vmem_shared>>
      %dma_start3A_156 = arith.constant 0 : i32
      %dma_start3A_157 = tpu.memref_slice %arg11[%mul3A_20, %dma_start3A_156] : memref<55040x16xf32, #tpu.memory_space<vmem_shared>> -> memref<3440x16xf32, #tpu.memory_space<vmem_shared>>
      tpu.enqueue_dma source(%arg9 : memref<3440x16xf32, #tpu.memory_space<vmem>>) target(%dma_start3A_157 : memref<3440x16xf32, #tpu.memory_space<vmem_shared>>) target_semaphore(%run_scoped3A : memref<!tpu.dma_semaphore, #tpu.memory_space<semaphore_mem>>)
      %dma_wait3A_158 = arith.constant 0 : i32
      %dma_wait3A_159 = tpu.memref_slice %arg11[%mul3A_20, %dma_wait3A_158] : memref<55040x16xf32, #tpu.memory_space<vmem_shared>> -> memref<3440x16xf32, #tpu.memory_space<vmem_shared>>
      %dma_wait3A_160 = arith.constant 0 : i32
      %dma_wait3A_161 = tpu.memref_slice %arg11[%mul3A_20, %dma_wait3A_160] : memref<55040x16xf32, #tpu.memory_space<vmem_shared>> -> memref<3440x16xf32, #tpu.memory_space<vmem_shared>>
      tpu.wait_dma2 semaphore(%run_scoped3A : memref<!tpu.dma_semaphore, #tpu.memory_space<semaphore_mem>>) src(%arg9 : memref<3440x16xf32, #tpu.memory_space<vmem>>) dst(%dma_wait3A_161 : memref<3440x16xf32, #tpu.memory_space<vmem_shared>>)
      tpu.yield
    }) : () -> ()
    %mul3A_21 = arith.constant 3440 : i32
    %mul3A_22 = arith.muli %arg1, %mul3A_21 : i32
    "tpu.region"() ({
      %run_scoped3A = tpu.sem_alloc : memref<!tpu.dma_semaphore, #tpu.memory_space<semaphore_mem>>
      %dma_start3A_154 = tpu.memref_slice %arg12[%mul3A_22] : memref<55040xf32, #tpu.memory_space<vmem_shared>> -> memref<3440xf32, #tpu.memory_space<vmem_shared>>
      %dma_start3A_155 = tpu.memref_slice %arg12[%mul3A_22] : memref<55040xf32, #tpu.memory_space<vmem_shared>> -> memref<3440xf32, #tpu.memory_space<vmem_shared>>
      tpu.enqueue_dma source(%arg10 : memref<3440xf32, #tpu.memory_space<vmem>>) target(%dma_start3A_155 : memref<3440xf32, #tpu.memory_space<vmem_shared>>) target_semaphore(%run_scoped3A : memref<!tpu.dma_semaphore, #tpu.memory_space<semaphore_mem>>)
      %dma_wait3A_156 = tpu.memref_slice %arg12[%mul3A_22] : memref<55040xf32, #tpu.memory_space<vmem_shared>> -> memref<3440xf32, #tpu.memory_space<vmem_shared>>
      %dma_wait3A_157 = tpu.memref_slice %arg12[%mul3A_22] : memref<55040xf32, #tpu.memory_space<vmem_shared>> -> memref<3440xf32, #tpu.memory_space<vmem_shared>>
      tpu.wait_dma2 semaphore(%run_scoped3A : memref<!tpu.dma_semaphore, #tpu.memory_space<semaphore_mem>>) src(%arg10 : memref<3440xf32, #tpu.memory_space<vmem>>) dst(%dma_wait3A_157 : memref<3440xf32, #tpu.memory_space<vmem_shared>>)
      tpu.yield
    }) : () -> ()
    %barrier3A = arith.constant 0 : index
    tpu.barrier barrier_id(%barrier3A)
    %mul3A_23 = arith.constant 55000 : i32
    %mul3A_24 = arith.muli %arg0, %mul3A_23 : i32
    %iota3A = tpu.iota {dimensions = array<i32: 0>} : vector<16xi32>
    %mul3A_25 = arith.constant 160 : i32
    %mul3A_26 = arith.muli %arg1, %mul3A_25 : i32
    %dma_start3A = arith.constant 0 : i32
    %dma_start3A_27 = arith.constant 0 : i32
    %dma_start3A_28 = arith.constant 0 : i32
    %dma_start3A_29 = tpu.memref_slice %arg5[%dma_start3A, %dma_start3A_27, %dma_start3A_28] : memref<2x2x256xi32, #tpu.memory_space<vmem>> -> memref<1x2x256xi32, #tpu.memory_space<vmem>>
    %dma_start3A_30 = tpu.memref_squeeze %dma_start3A_29 : memref<1x2x256xi32, #tpu.memory_space<vmem>> -> memref<2x256xi32, #tpu.memory_space<vmem>>
    %dma_start3A_31 = arith.constant 0 : i32
    %dma_start3A_32 = arith.constant 0 : i32
    %dma_start3A_33 = tpu.memref_slice %arg2[%mul3A_26, %dma_start3A_31, %dma_start3A_32] : memref<2562x2x256xi32, #tpu.memory_space<hbm>> -> memref<1x2x256xi32, #tpu.memory_space<hbm>>
    %dma_start3A_34 = tpu.memref_squeeze %dma_start3A_33 : memref<1x2x256xi32, #tpu.memory_space<hbm>> -> memref<2x256xi32, #tpu.memory_space<hbm>>
    %dma_start3A_35 = arith.constant 0 : i32
    %dma_start3A_36 = arith.constant 0 : i32
    %dma_start3A_37 = tpu.memref_slice %arg5[%dma_start3A, %dma_start3A_35, %dma_start3A_36] : memref<2x2x256xi32, #tpu.memory_space<vmem>> -> memref<1x2x256xi32, #tpu.memory_space<vmem>>
    %dma_start3A_38 = tpu.memref_squeeze %dma_start3A_37 : memref<1x2x256xi32, #tpu.memory_space<vmem>> -> memref<2x256xi32, #tpu.memory_space<vmem>>
    %dma_start3A_39 = arith.constant 0 : i32
    %dma_start3A_40 = arith.constant 0 : i32
    %dma_start3A_41 = tpu.memref_slice %arg2[%mul3A_26, %dma_start3A_39, %dma_start3A_40] : memref<2562x2x256xi32, #tpu.memory_space<hbm>> -> memref<1x2x256xi32, #tpu.memory_space<hbm>>
    %dma_start3A_42 = tpu.memref_squeeze %dma_start3A_41 : memref<1x2x256xi32, #tpu.memory_space<hbm>> -> memref<2x256xi32, #tpu.memory_space<hbm>>
    tpu.enqueue_dma source(%dma_start3A_42 : memref<2x256xi32, #tpu.memory_space<hbm>>) target(%dma_start3A_38 : memref<2x256xi32, #tpu.memory_space<vmem>>) target_semaphore(%arg13 : memref<!tpu.dma_semaphore, #tpu.memory_space<semaphore_mem>>)
    %add3A = arith.constant 1 : i32
    %add3A_43 = arith.addi %mul3A_26, %add3A : i32
    %dma_start3A_44 = arith.constant 1 : i32
    %dma_start3A_45 = arith.constant 0 : i32
    %dma_start3A_46 = arith.constant 0 : i32
    %dma_start3A_47 = tpu.memref_slice %arg5[%dma_start3A_44, %dma_start3A_45, %dma_start3A_46] : memref<2x2x256xi32, #tpu.memory_space<vmem>> -> memref<1x2x256xi32, #tpu.memory_space<vmem>>
    %dma_start3A_48 = tpu.memref_squeeze %dma_start3A_47 : memref<1x2x256xi32, #tpu.memory_space<vmem>> -> memref<2x256xi32, #tpu.memory_space<vmem>>
    %dma_start3A_49 = arith.constant 0 : i32
    %dma_start3A_50 = arith.constant 0 : i32
    %dma_start3A_51 = tpu.memref_slice %arg2[%add3A_43, %dma_start3A_49, %dma_start3A_50] : memref<2562x2x256xi32, #tpu.memory_space<hbm>> -> memref<1x2x256xi32, #tpu.memory_space<hbm>>
    %dma_start3A_52 = tpu.memref_squeeze %dma_start3A_51 : memref<1x2x256xi32, #tpu.memory_space<hbm>> -> memref<2x256xi32, #tpu.memory_space<hbm>>
    %dma_start3A_53 = arith.constant 0 : i32
    %dma_start3A_54 = arith.constant 0 : i32
    %dma_start3A_55 = tpu.memref_slice %arg5[%dma_start3A_44, %dma_start3A_53, %dma_start3A_54] : memref<2x2x256xi32, #tpu.memory_space<vmem>> -> memref<1x2x256xi32, #tpu.memory_space<vmem>>
    %dma_start3A_56 = tpu.memref_squeeze %dma_start3A_55 : memref<1x2x256xi32, #tpu.memory_space<vmem>> -> memref<2x256xi32, #tpu.memory_space<vmem>>
    %dma_start3A_57 = arith.constant 0 : i32
    %dma_start3A_58 = arith.constant 0 : i32
    %dma_start3A_59 = tpu.memref_slice %arg2[%add3A_43, %dma_start3A_57, %dma_start3A_58] : memref<2562x2x256xi32, #tpu.memory_space<hbm>> -> memref<1x2x256xi32, #tpu.memory_space<hbm>>
    %dma_start3A_60 = tpu.memref_squeeze %dma_start3A_59 : memref<1x2x256xi32, #tpu.memory_space<hbm>> -> memref<2x256xi32, #tpu.memory_space<hbm>>
    tpu.enqueue_dma source(%dma_start3A_60 : memref<2x256xi32, #tpu.memory_space<hbm>>) target(%dma_start3A_56 : memref<2x256xi32, #tpu.memory_space<vmem>>) target_semaphore(%arg14 : memref<!tpu.dma_semaphore, #tpu.memory_space<semaphore_mem>>)
    %dma_wait3A = arith.constant 0 : i32
    %dma_wait3A_61 = arith.constant 0 : i32
    %dma_wait3A_62 = arith.constant 0 : i32
    %dma_wait3A_63 = tpu.memref_slice %arg5[%dma_wait3A, %dma_wait3A_61, %dma_wait3A_62] : memref<2x2x256xi32, #tpu.memory_space<vmem>> -> memref<1x2x256xi32, #tpu.memory_space<vmem>>
    %dma_wait3A_64 = tpu.memref_squeeze %dma_wait3A_63 : memref<1x2x256xi32, #tpu.memory_space<vmem>> -> memref<2x256xi32, #tpu.memory_space<vmem>>
    %dma_wait3A_65 = arith.constant 0 : i32
    %dma_wait3A_66 = arith.constant 0 : i32
    %dma_wait3A_67 = tpu.memref_slice %arg2[%mul3A_26, %dma_wait3A_65, %dma_wait3A_66] : memref<2562x2x256xi32, #tpu.memory_space<hbm>> -> memref<1x2x256xi32, #tpu.memory_space<hbm>>
    %dma_wait3A_68 = tpu.memref_squeeze %dma_wait3A_67 : memref<1x2x256xi32, #tpu.memory_space<hbm>> -> memref<2x256xi32, #tpu.memory_space<hbm>>
    %dma_wait3A_69 = arith.constant 0 : i32
    %dma_wait3A_70 = arith.constant 0 : i32
    %dma_wait3A_71 = tpu.memref_slice %arg5[%dma_wait3A, %dma_wait3A_69, %dma_wait3A_70] : memref<2x2x256xi32, #tpu.memory_space<vmem>> -> memref<1x2x256xi32, #tpu.memory_space<vmem>>
    %dma_wait3A_72 = tpu.memref_squeeze %dma_wait3A_71 : memref<1x2x256xi32, #tpu.memory_space<vmem>> -> memref<2x256xi32, #tpu.memory_space<vmem>>
    %dma_wait3A_73 = arith.constant 0 : i32
    %dma_wait3A_74 = arith.constant 0 : i32
    %dma_wait3A_75 = tpu.memref_slice %arg2[%mul3A_26, %dma_wait3A_73, %dma_wait3A_74] : memref<2562x2x256xi32, #tpu.memory_space<hbm>> -> memref<1x2x256xi32, #tpu.memory_space<hbm>>
    %dma_wait3A_76 = tpu.memref_squeeze %dma_wait3A_75 : memref<1x2x256xi32, #tpu.memory_space<hbm>> -> memref<2x256xi32, #tpu.memory_space<hbm>>
    tpu.wait_dma2 semaphore(%arg13 : memref<!tpu.dma_semaphore, #tpu.memory_space<semaphore_mem>>) src(%dma_wait3A_76 : memref<2x256xi32, #tpu.memory_space<hbm>>) dst(%dma_wait3A_72 : memref<2x256xi32, #tpu.memory_space<vmem>>)
    %dma_start3A_77 = arith.constant 0 : i32
    %dma_start3A_78 = arith.constant 0 : i32
    %dma_start3A_79 = arith.constant 0 : i32
    %dma_start3A_80 = arith.constant 0 : i32
    %dma_start3A_81 = arith.constant 0 : i32
    %dma_start3A_82 = tpu.memref_slice %arg7[%dma_start3A_79, %dma_start3A_80, %dma_start3A_81] : memref<2x256x16xf32, #tpu.memory_space<vmem>> -> memref<1x256x16xf32, #tpu.memory_space<vmem>>
    %dma_start3A_83 = tpu.memref_squeeze %dma_start3A_82 : memref<1x256x16xf32, #tpu.memory_space<vmem>> -> memref<256x16xf32, #tpu.memory_space<vmem>>
    %dma_start3A_84 = arith.constant 0 : i32
    %dma_start3A_85 = tpu.memref_slice %arg5[%dma_start3A_77, %dma_start3A_78, %dma_start3A_84] : memref<2x2x256xi32, #tpu.memory_space<vmem>> -> memref<1x1x256xi32, #tpu.memory_space<vmem>>
    %dma_start3A_86 = tpu.memref_squeeze %dma_start3A_85 : memref<1x1x256xi32, #tpu.memory_space<vmem>> -> memref<256xi32, #tpu.memory_space<vmem>>
    %dma_start3A_87 = arith.constant 0 : i32
    %dma_start3A_88 = arith.constant 0 : i32
    %dma_start3A_89 = tpu.memref_slice %arg3[%dma_start3A_87, %dma_start3A_88] : memref<110000x16xf32, #tpu.memory_space<hbm>> -> memref<110000x16xf32, #tpu.memory_space<hbm>>
    tpu.enqueue_indirect_dma source(%dma_start3A_89 : memref<110000x16xf32, #tpu.memory_space<hbm>>) target(%dma_start3A_83 : memref<256x16xf32, #tpu.memory_space<vmem>>) offsets(%dma_start3A_86 : memref<256xi32, #tpu.memory_space<vmem>>) semaphore(%arg15 : memref<!tpu.dma_semaphore, #tpu.memory_space<semaphore_mem>>)
    %scan3A_90 = arith.constant 0 : i32
    %scan3A_91 = arith.constant 0 : i32
    %scan3A_92 = arith.constant 80 : i32
    %scan3A_93 = arith.addi %scan3A_91, %scan3A_92 : i32
    %scan3A_94 = arith.constant 1 : i32
    %scan3A_95 = scf.for %scan3A_154 = %scan3A_91 to %scan3A_93 step %scan3A_94 iter_args(%scan3A_155 = %scan3A_90) -> (i32)  : i32 {
      %mul3A_156 = arith.constant 2 : i32
      %mul3A_157 = arith.muli %mul3A_156, %scan3A_154 : i32
      %dma_wait3A_158 = arith.constant 0 : i32
      %dma_wait3A_159 = arith.constant 0 : i32
      %dma_wait3A_160 = arith.constant 0 : i32
      %dma_wait3A_161 = arith.constant 0 : i32
      %dma_wait3A_162 = arith.constant 0 : i32
      %dma_wait3A_163 = tpu.memref_slice %arg7[%dma_wait3A_160, %dma_wait3A_161, %dma_wait3A_162] : memref<2x256x16xf32, #tpu.memory_space<vmem>> -> memref<1x256x16xf32, #tpu.memory_space<vmem>>
      %dma_wait3A_164 = tpu.memref_squeeze %dma_wait3A_163 : memref<1x256x16xf32, #tpu.memory_space<vmem>> -> memref<256x16xf32, #tpu.memory_space<vmem>>
      %dma_wait3A_165 = arith.constant 0 : i32
      %dma_wait3A_166 = tpu.memref_slice %arg5[%dma_wait3A_158, %dma_wait3A_159, %dma_wait3A_165] : memref<2x2x256xi32, #tpu.memory_space<vmem>> -> memref<1x1x256xi32, #tpu.memory_space<vmem>>
      %dma_wait3A_167 = tpu.memref_squeeze %dma_wait3A_166 : memref<1x1x256xi32, #tpu.memory_space<vmem>> -> memref<256xi32, #tpu.memory_space<vmem>>
      %dma_wait3A_168 = arith.constant 0 : i32
      %dma_wait3A_169 = arith.constant 0 : i32
      %dma_wait3A_170 = tpu.memref_slice %arg3[%dma_wait3A_168, %dma_wait3A_169] : memref<110000x16xf32, #tpu.memory_space<hbm>> -> memref<110000x16xf32, #tpu.memory_space<hbm>>
      tpu.wait_indirect_dma semaphore(%arg15 : memref<!tpu.dma_semaphore, #tpu.memory_space<semaphore_mem>>) src(%dma_wait3A_170 : memref<110000x16xf32, #tpu.memory_space<hbm>>) dst(%dma_wait3A_164 : memref<256x16xf32, #tpu.memory_space<vmem>>)
      %scan3A_171 = arith.constant 0 : i32
      %scan3A_172 = arith.constant 0 : i32
      %scan3A_173 = arith.constant 16 : i32
      %scan3A_174 = arith.addi %scan3A_172, %scan3A_173 : i32
      %scan3A_175 = arith.constant 1 : i32
      %scan3A_176 = scf.for %scan3A_314 = %scan3A_172 to %scan3A_174 step %scan3A_175 iter_args(%scan3A_315 = %scan3A_171) -> (i32)  : i32 {
        %mul3A_316 = arith.constant 16 : i32
        %mul3A_317 = arith.muli %scan3A_314, %mul3A_316 : i32
        %get3A = arith.constant 0 : i32
        %get3A_318 = arith.constant 1 : i32
        %get3A_319 = arith.index_cast %get3A : i32 to index
        %get3A_320 = arith.index_cast %get3A_318 : i32 to index
        %get3A_321 = arith.index_cast %mul3A_317 : i32 to index
        %get3A_322 = tpu.vector_load %arg5[%get3A_319, %get3A_320, %get3A_321] {strides = array<i32>} : memref<2x2x256xi32, #tpu.memory_space<vmem>>, vector<16xi32>,
        %sub3A = vector.broadcast %mul3A_24 : i32 to vector<16xi32>
        %sub3A_323 = arith.subi %get3A_322, %sub3A : vector<16xi32>
        %ge3A = arith.constant 0 : i32
        %ge3A_324 = vector.broadcast %ge3A : i32 to vector<16xi32>
        %ge3A_325 = arith.cmpi sge, %sub3A_323, %ge3A_324 : vector<16xi32>
        %lt3A_326 = arith.constant 55000 : i32
        %lt3A_327 = vector.broadcast %lt3A_326 : i32 to vector<16xi32>
        %lt3A_328 = arith.cmpi slt, %sub3A_323, %lt3A_327 : vector<16xi32>
        %and3A = arith.andi %ge3A_325, %lt3A_328 : vector<16xi1>
        %add3A_329 = arith.constant 55000 : i32
        %add3A_330 = vector.broadcast %add3A_329 : i32 to vector<16xi32>
        %add3A_331 = arith.addi %add3A_330, %iota3A : vector<16xi32>
        %select_n3A = arith.select %and3A, %sub3A_323, %add3A_331 : vector<16xi1>, vector<16xi32>
        %mul3A_332 = arith.constant 16 : i32
        %mul3A_333 = arith.muli %scan3A_314, %mul3A_332 : i32
        %swap3A = arith.constant 0 : i32
        %swap3A_334 = arith.index_cast %swap3A : i32 to index
        %swap3A_335 = arith.index_cast %mul3A_333 : i32 to index
        %swap3A_336 = tpu.vector_load %arg6[%swap3A_334, %swap3A_335] {strides = array<i32>} : memref<2x256xi32, #tpu.memory_space<vmem>>, vector<16xi32>,
        tpu.vector_store %arg6[%swap3A_334, %swap3A_335], %select_n3A {strides = array<i32>} : memref<2x256xi32, #tpu.memory_space<vmem>>, vector<16xi32>,
        %scan3A_337 = arith.constant 0 : i32
        scf.yield %scan3A_337 : i32
      }
      %scan3A_177 = arith.constant 16 : i32
      %add3A_178 = arith.addi %mul3A_26, %mul3A_157 : i32
      %add3A_179 = arith.constant 2 : i32
      %add3A_180 = arith.addi %add3A_178, %add3A_179 : i32
      %dma_start3A_181 = arith.constant 0 : i32
      %dma_start3A_182 = arith.constant 0 : i32
      %dma_start3A_183 = arith.constant 0 : i32
      %dma_start3A_184 = tpu.memref_slice %arg5[%dma_start3A_181, %dma_start3A_182, %dma_start3A_183] : memref<2x2x256xi32, #tpu.memory_space<vmem>> -> memref<1x2x256xi32, #tpu.memory_space<vmem>>
      %dma_start3A_185 = tpu.memref_squeeze %dma_start3A_184 : memref<1x2x256xi32, #tpu.memory_space<vmem>> -> memref<2x256xi32, #tpu.memory_space<vmem>>
      %dma_start3A_186 = arith.constant 0 : i32
      %dma_start3A_187 = arith.constant 0 : i32
      %dma_start3A_188 = tpu.memref_slice %arg2[%add3A_180, %dma_start3A_186, %dma_start3A_187] : memref<2562x2x256xi32, #tpu.memory_space<hbm>> -> memref<1x2x256xi32, #tpu.memory_space<hbm>>
      %dma_start3A_189 = tpu.memref_squeeze %dma_start3A_188 : memref<1x2x256xi32, #tpu.memory_space<hbm>> -> memref<2x256xi32, #tpu.memory_space<hbm>>
      %dma_start3A_190 = arith.constant 0 : i32
      %dma_start3A_191 = arith.constant 0 : i32
      %dma_start3A_192 = tpu.memref_slice %arg5[%dma_start3A_181, %dma_start3A_190, %dma_start3A_191] : memref<2x2x256xi32, #tpu.memory_space<vmem>> -> memref<1x2x256xi32, #tpu.memory_space<vmem>>
      %dma_start3A_193 = tpu.memref_squeeze %dma_start3A_192 : memref<1x2x256xi32, #tpu.memory_space<vmem>> -> memref<2x256xi32, #tpu.memory_space<vmem>>
      %dma_start3A_194 = arith.constant 0 : i32
      %dma_start3A_195 = arith.constant 0 : i32
      %dma_start3A_196 = tpu.memref_slice %arg2[%add3A_180, %dma_start3A_194, %dma_start3A_195] : memref<2562x2x256xi32, #tpu.memory_space<hbm>> -> memref<1x2x256xi32, #tpu.memory_space<hbm>>
      %dma_start3A_197 = tpu.memref_squeeze %dma_start3A_196 : memref<1x2x256xi32, #tpu.memory_space<hbm>> -> memref<2x256xi32, #tpu.memory_space<hbm>>
      tpu.enqueue_dma source(%dma_start3A_197 : memref<2x256xi32, #tpu.memory_space<hbm>>) target(%dma_start3A_193 : memref<2x256xi32, #tpu.memory_space<vmem>>) target_semaphore(%arg13 : memref<!tpu.dma_semaphore, #tpu.memory_space<semaphore_mem>>)
      %add3A_198 = arith.addi %mul3A_26, %mul3A_157 : i32
      %add3A_199 = arith.constant 1 : i32
      %add3A_200 = arith.addi %add3A_198, %add3A_199 : i32
      %dma_wait3A_201 = arith.constant 1 : i32
      %dma_wait3A_202 = arith.constant 0 : i32
      %dma_wait3A_203 = arith.constant 0 : i32
      %dma_wait3A_204 = tpu.memref_slice %arg5[%dma_wait3A_201, %dma_wait3A_202, %dma_wait3A_203] : memref<2x2x256xi32, #tpu.memory_space<vmem>> -> memref<1x2x256xi32, #tpu.memory_space<vmem>>
      %dma_wait3A_205 = tpu.memref_squeeze %dma_wait3A_204 : memref<1x2x256xi32, #tpu.memory_space<vmem>> -> memref<2x256xi32, #tpu.memory_space<vmem>>
      %dma_wait3A_206 = arith.constant 0 : i32
      %dma_wait3A_207 = arith.constant 0 : i32
      %dma_wait3A_208 = tpu.memref_slice %arg2[%add3A_200, %dma_wait3A_206, %dma_wait3A_207] : memref<2562x2x256xi32, #tpu.memory_space<hbm>> -> memref<1x2x256xi32, #tpu.memory_space<hbm>>
      %dma_wait3A_209 = tpu.memref_squeeze %dma_wait3A_208 : memref<1x2x256xi32, #tpu.memory_space<hbm>> -> memref<2x256xi32, #tpu.memory_space<hbm>>
      %dma_wait3A_210 = arith.constant 0 : i32
      %dma_wait3A_211 = arith.constant 0 : i32
      %dma_wait3A_212 = tpu.memref_slice %arg5[%dma_wait3A_201, %dma_wait3A_210, %dma_wait3A_211] : memref<2x2x256xi32, #tpu.memory_space<vmem>> -> memref<1x2x256xi32, #tpu.memory_space<vmem>>
      %dma_wait3A_213 = tpu.memref_squeeze %dma_wait3A_212 : memref<1x2x256xi32, #tpu.memory_space<vmem>> -> memref<2x256xi32, #tpu.memory_space<vmem>>
      %dma_wait3A_214 = arith.constant 0 : i32
      %dma_wait3A_215 = arith.constant 0 : i32
      %dma_wait3A_216 = tpu.memref_slice %arg2[%add3A_200, %dma_wait3A_214, %dma_wait3A_215] : memref<2562x2x256xi32, #tpu.memory_space<hbm>> -> memref<1x2x256xi32, #tpu.memory_space<hbm>>
      %dma_wait3A_217 = tpu.memref_squeeze %dma_wait3A_216 : memref<1x2x256xi32, #tpu.memory_space<hbm>> -> memref<2x256xi32, #tpu.memory_space<hbm>>
      tpu.wait_dma2 semaphore(%arg14 : memref<!tpu.dma_semaphore, #tpu.memory_space<semaphore_mem>>) src(%dma_wait3A_217 : memref<2x256xi32, #tpu.memory_space<hbm>>) dst(%dma_wait3A_213 : memref<2x256xi32, #tpu.memory_space<vmem>>)
      %dma_start3A_218 = arith.constant 1 : i32
      %dma_start3A_219 = arith.constant 0 : i32
      %dma_start3A_220 = arith.constant 1 : i32
      %dma_start3A_221 = arith.constant 0 : i32
      %dma_start3A_222 = arith.constant 0 : i32
      %dma_start3A_223 = tpu.memref_slice %arg7[%dma_start3A_220, %dma_start3A_221, %dma_start3A_222] : memref<2x256x16xf32, #tpu.memory_space<vmem>> -> memref<1x256x16xf32, #tpu.memory_space<vmem>>
      %dma_start3A_224 = tpu.memref_squeeze %dma_start3A_223 : memref<1x256x16xf32, #tpu.memory_space<vmem>> -> memref<256x16xf32, #tpu.memory_space<vmem>>
      %dma_start3A_225 = arith.constant 0 : i32
      %dma_start3A_226 = tpu.memref_slice %arg5[%dma_start3A_218, %dma_start3A_219, %dma_start3A_225] : memref<2x2x256xi32, #tpu.memory_space<vmem>> -> memref<1x1x256xi32, #tpu.memory_space<vmem>>
      %dma_start3A_227 = tpu.memref_squeeze %dma_start3A_226 : memref<1x1x256xi32, #tpu.memory_space<vmem>> -> memref<256xi32, #tpu.memory_space<vmem>>
      %dma_start3A_228 = arith.constant 0 : i32
      %dma_start3A_229 = arith.constant 0 : i32
      %dma_start3A_230 = tpu.memref_slice %arg3[%dma_start3A_228, %dma_start3A_229] : memref<110000x16xf32, #tpu.memory_space<hbm>> -> memref<110000x16xf32, #tpu.memory_space<hbm>>
      tpu.enqueue_indirect_dma source(%dma_start3A_230 : memref<110000x16xf32, #tpu.memory_space<hbm>>) target(%dma_start3A_224 : memref<256x16xf32, #tpu.memory_space<vmem>>) offsets(%dma_start3A_227 : memref<256xi32, #tpu.memory_space<vmem>>) semaphore(%arg16 : memref<!tpu.dma_semaphore, #tpu.memory_space<semaphore_mem>>)
      %run_scoped3A = arith.constant 0 : i32
      %run_scoped3A_231 = arith.constant 0 : i32
      "tpu.region"() ({
        %run_scoped3A_314 = tpu.sem_alloc : memref<!tpu.dma_semaphore, #tpu.memory_space<semaphore_mem>>
        %dma_start3A_315 = arith.constant 0 : i32
        %dma_start3A_316 = arith.constant 0 : i32
        %dma_start3A_317 = tpu.memref_slice %arg7[%run_scoped3A, %dma_start3A_315, %dma_start3A_316] : memref<2x256x16xf32, #tpu.memory_space<vmem>> -> memref<1x256x16xf32, #tpu.memory_space<vmem>>
        %dma_start3A_318 = tpu.memref_squeeze %dma_start3A_317 : memref<1x256x16xf32, #tpu.memory_space<vmem>> -> memref<256x16xf32, #tpu.memory_space<vmem>>
        %dma_start3A_319 = arith.constant 0 : i32
        %dma_start3A_320 = tpu.memref_slice %arg6[%run_scoped3A_231, %dma_start3A_319] : memref<2x256xi32, #tpu.memory_space<vmem>> -> memref<1x256xi32, #tpu.memory_space<vmem>>
        %dma_start3A_321 = tpu.memref_squeeze %dma_start3A_320 : memref<1x256xi32, #tpu.memory_space<vmem>> -> memref<256xi32, #tpu.memory_space<vmem>>
        %dma_start3A_322 = arith.constant 0 : i32
        %dma_start3A_323 = arith.constant 0 : i32
        %dma_start3A_324 = tpu.memref_slice %arg11[%dma_start3A_322, %dma_start3A_323] : memref<55040x16xf32, #tpu.memory_space<vmem_shared>> -> memref<55040x16xf32, #tpu.memory_space<vmem_shared>>
        tpu.enqueue_indirect_dma source(%dma_start3A_318 : memref<256x16xf32, #tpu.memory_space<vmem>>) target(%dma_start3A_324 : memref<55040x16xf32, #tpu.memory_space<vmem_shared>>) offsets(%dma_start3A_321 : memref<256xi32, #tpu.memory_space<vmem>>) semaphore(%run_scoped3A_314 : memref<!tpu.dma_semaphore, #tpu.memory_space<semaphore_mem>>) {add = true}
        %dma_wait3A_325 = arith.constant 0 : i32
        %dma_wait3A_326 = arith.constant 0 : i32
        %dma_wait3A_327 = tpu.memref_slice %arg7[%run_scoped3A, %dma_wait3A_325, %dma_wait3A_326] : memref<2x256x16xf32, #tpu.memory_space<vmem>> -> memref<1x256x16xf32, #tpu.memory_space<vmem>>
        %dma_wait3A_328 = tpu.memref_squeeze %dma_wait3A_327 : memref<1x256x16xf32, #tpu.memory_space<vmem>> -> memref<256x16xf32, #tpu.memory_space<vmem>>
        %dma_wait3A_329 = arith.constant 0 : i32
        %dma_wait3A_330 = tpu.memref_slice %arg6[%run_scoped3A_231, %dma_wait3A_329] : memref<2x256xi32, #tpu.memory_space<vmem>> -> memref<1x256xi32, #tpu.memory_space<vmem>>
        %dma_wait3A_331 = tpu.memref_squeeze %dma_wait3A_330 : memref<1x256xi32, #tpu.memory_space<vmem>> -> memref<256xi32, #tpu.memory_space<vmem>>
        %dma_wait3A_332 = arith.constant 0 : i32
        %dma_wait3A_333 = arith.constant 0 : i32
        %dma_wait3A_334 = tpu.memref_slice %arg11[%dma_wait3A_332, %dma_wait3A_333] : memref<55040x16xf32, #tpu.memory_space<vmem_shared>> -> memref<55040x16xf32, #tpu.memory_space<vmem_shared>>
        tpu.wait_indirect_dma semaphore(%run_scoped3A_314 : memref<!tpu.dma_semaphore, #tpu.memory_space<semaphore_mem>>) src(%dma_wait3A_328 : memref<256x16xf32, #tpu.memory_space<vmem>>) dst(%dma_wait3A_334 : memref<55040x16xf32, #tpu.memory_space<vmem_shared>>)
        tpu.yield
      }) : () -> ()
      %run_scoped3A_232 = arith.constant 0 : i32
      "tpu.region"() ({
        %run_scoped3A_314 = tpu.sem_alloc : memref<!tpu.dma_semaphore, #tpu.memory_space<semaphore_mem>>
        %dma_start3A_315 = arith.constant 0 : i32
        %dma_start3A_316 = tpu.memref_slice %arg6[%run_scoped3A_232, %dma_start3A_315] : memref<2x256xi32, #tpu.memory_space<vmem>> -> memref<1x256xi32, #tpu.memory_space<vmem>>
        %dma_start3A_317 = tpu.memref_squeeze %dma_start3A_316 : memref<1x256xi32, #tpu.memory_space<vmem>> -> memref<256xi32, #tpu.memory_space<vmem>>
        %dma_start3A_318 = arith.constant 0 : i32
        %dma_start3A_319 = tpu.memref_slice %arg12[%dma_start3A_318] : memref<55040xf32, #tpu.memory_space<vmem_shared>> -> memref<55040xf32, #tpu.memory_space<vmem_shared>>
        tpu.enqueue_indirect_dma source(%arg8 : memref<256xf32, #tpu.memory_space<vmem>>) target(%dma_start3A_319 : memref<55040xf32, #tpu.memory_space<vmem_shared>>) offsets(%dma_start3A_317 : memref<256xi32, #tpu.memory_space<vmem>>) semaphore(%run_scoped3A_314 : memref<!tpu.dma_semaphore, #tpu.memory_space<semaphore_mem>>) {add = true}
        %dma_wait3A_320 = arith.constant 0 : i32
        %dma_wait3A_321 = tpu.memref_slice %arg6[%run_scoped3A_232, %dma_wait3A_320] : memref<2x256xi32, #tpu.memory_space<vmem>> -> memref<1x256xi32, #tpu.memory_space<vmem>>
        %dma_wait3A_322 = tpu.memref_squeeze %dma_wait3A_321 : memref<1x256xi32, #tpu.memory_space<vmem>> -> memref<256xi32, #tpu.memory_space<vmem>>
        %dma_wait3A_323 = arith.constant 0 : i32
        %dma_wait3A_324 = tpu.memref_slice %arg12[%dma_wait3A_323] : memref<55040xf32, #tpu.memory_space<vmem_shared>> -> memref<55040xf32, #tpu.memory_space<vmem_shared>>
        tpu.wait_indirect_dma semaphore(%run_scoped3A_314 : memref<!tpu.dma_semaphore, #tpu.memory_space<semaphore_mem>>) src(%arg8 : memref<256xf32, #tpu.memory_space<vmem>>) dst(%dma_wait3A_324 : memref<55040xf32, #tpu.memory_space<vmem_shared>>)
        tpu.yield
      }) : () -> ()
      %mul3A_233 = arith.constant 2 : i32
      %mul3A_234 = arith.muli %mul3A_233, %scan3A_154 : i32
      %add3A_235 = arith.constant 1 : i32
      %add3A_236 = arith.addi %mul3A_234, %add3A_235 : i32
      %dma_wait3A_237 = arith.constant 1 : i32
      %dma_wait3A_238 = arith.constant 0 : i32
      %dma_wait3A_239 = arith.constant 1 : i32
      %dma_wait3A_240 = arith.constant 0 : i32
      %dma_wait3A_241 = arith.constant 0 : i32
      %dma_wait3A_242 = tpu.memref_slice %arg7[%dma_wait3A_239, %dma_wait3A_240, %dma_wait3A_241] : memref<2x256x16xf32, #tpu.memory_space<vmem>> -> memref<1x256x16xf32, #tpu.memory_space<vmem>>
      %dma_wait3A_243 = tpu.memref_squeeze %dma_wait3A_242 : memref<1x256x16xf32, #tpu.memory_space<vmem>> -> memref<256x16xf32, #tpu.memory_space<vmem>>
      %dma_wait3A_244 = arith.constant 0 : i32
      %dma_wait3A_245 = tpu.memref_slice %arg5[%dma_wait3A_237, %dma_wait3A_238, %dma_wait3A_244] : memref<2x2x256xi32, #tpu.memory_space<vmem>> -> memref<1x1x256xi32, #tpu.memory_space<vmem>>
      %dma_wait3A_246 = tpu.memref_squeeze %dma_wait3A_245 : memref<1x1x256xi32, #tpu.memory_space<vmem>> -> memref<256xi32, #tpu.memory_space<vmem>>
      %dma_wait3A_247 = arith.constant 0 : i32
      %dma_wait3A_248 = arith.constant 0 : i32
      %dma_wait3A_249 = tpu.memref_slice %arg3[%dma_wait3A_247, %dma_wait3A_248] : memref<110000x16xf32, #tpu.memory_space<hbm>> -> memref<110000x16xf32, #tpu.memory_space<hbm>>
      tpu.wait_indirect_dma semaphore(%arg16 : memref<!tpu.dma_semaphore, #tpu.memory_space<semaphore_mem>>) src(%dma_wait3A_249 : memref<110000x16xf32, #tpu.memory_space<hbm>>) dst(%dma_wait3A_243 : memref<256x16xf32, #tpu.memory_space<vmem>>)
      %scan3A_250 = arith.constant 0 : i32
      %scan3A_251 = arith.constant 0 : i32
      %scan3A_252 = arith.constant 16 : i32
      %scan3A_253 = arith.addi %scan3A_251, %scan3A_252 : i32
      %scan3A_254 = arith.constant 1 : i32
      %scan3A_255 = scf.for %scan3A_314 = %scan3A_251 to %scan3A_253 step %scan3A_254 iter_args(%scan3A_315 = %scan3A_250) -> (i32)  : i32 {
        %mul3A_316 = arith.constant 16 : i32
        %mul3A_317 = arith.muli %scan3A_314, %mul3A_316 : i32
        %get3A = arith.constant 1 : i32
        %get3A_318 = arith.constant 1 : i32
        %get3A_319 = arith.index_cast %get3A : i32 to index
        %get3A_320 = arith.index_cast %get3A_318 : i32 to index
        %get3A_321 = arith.index_cast %mul3A_317 : i32 to index
        %get3A_322 = tpu.vector_load %arg5[%get3A_319, %get3A_320, %get3A_321] {strides = array<i32>} : memref<2x2x256xi32, #tpu.memory_space<vmem>>, vector<16xi32>,
        %sub3A = vector.broadcast %mul3A_24 : i32 to vector<16xi32>
        %sub3A_323 = arith.subi %get3A_322, %sub3A : vector<16xi32>
        %ge3A = arith.constant 0 : i32
        %ge3A_324 = vector.broadcast %ge3A : i32 to vector<16xi32>
        %ge3A_325 = arith.cmpi sge, %sub3A_323, %ge3A_324 : vector<16xi32>
        %lt3A_326 = arith.constant 55000 : i32
        %lt3A_327 = vector.broadcast %lt3A_326 : i32 to vector<16xi32>
        %lt3A_328 = arith.cmpi slt, %sub3A_323, %lt3A_327 : vector<16xi32>
        %and3A = arith.andi %ge3A_325, %lt3A_328 : vector<16xi1>
        %add3A_329 = arith.constant 55000 : i32
        %add3A_330 = vector.broadcast %add3A_329 : i32 to vector<16xi32>
        %add3A_331 = arith.addi %add3A_330, %iota3A : vector<16xi32>
        %select_n3A = arith.select %and3A, %sub3A_323, %add3A_331 : vector<16xi1>, vector<16xi32>
        %mul3A_332 = arith.constant 16 : i32
        %mul3A_333 = arith.muli %scan3A_314, %mul3A_332 : i32
        %swap3A = arith.constant 1 : i32
        %swap3A_334 = arith.index_cast %swap3A : i32 to index
        %swap3A_335 = arith.index_cast %mul3A_333 : i32 to index
        %swap3A_336 = tpu.vector_load %arg6[%swap3A_334, %swap3A_335] {strides = array<i32>} : memref<2x256xi32, #tpu.memory_space<vmem>>, vector<16xi32>,
        tpu.vector_store %arg6[%swap3A_334, %swap3A_335], %select_n3A {strides = array<i32>} : memref<2x256xi32, #tpu.memory_space<vmem>>, vector<16xi32>,
        %scan3A_337 = arith.constant 0 : i32
        scf.yield %scan3A_337 : i32
      }
      %scan3A_256 = arith.constant 16 : i32
      %add3A_257 = arith.addi %mul3A_26, %add3A_236 : i32
      %add3A_258 = arith.constant 2 : i32
      %add3A_259 = arith.addi %add3A_257, %add3A_258 : i32
      %dma_start3A_260 = arith.constant 1 : i32
      %dma_start3A_261 = arith.constant 0 : i32
      %dma_start3A_262 = arith.constant 0 : i32
      %dma_start3A_263 = tpu.memref_slice %arg5[%dma_start3A_260, %dma_start3A_261, %dma_start3A_262] : memref<2x2x256xi32, #tpu.memory_space<vmem>> -> memref<1x2x256xi32, #tpu.memory_space<vmem>>
      %dma_start3A_264 = tpu.memref_squeeze %dma_start3A_263 : memref<1x2x256xi32, #tpu.memory_space<vmem>> -> memref<2x256xi32, #tpu.memory_space<vmem>>
      %dma_start3A_265 = arith.constant 0 : i32
      %dma_start3A_266 = arith.constant 0 : i32
      %dma_start3A_267 = tpu.memref_slice %arg2[%add3A_259, %dma_start3A_265, %dma_start3A_266] : memref<2562x2x256xi32, #tpu.memory_space<hbm>> -> memref<1x2x256xi32, #tpu.memory_space<hbm>>
      %dma_start3A_268 = tpu.memref_squeeze %dma_start3A_267 : memref<1x2x256xi32, #tpu.memory_space<hbm>> -> memref<2x256xi32, #tpu.memory_space<hbm>>
      %dma_start3A_269 = arith.constant 0 : i32
      %dma_start3A_270 = arith.constant 0 : i32
      %dma_start3A_271 = tpu.memref_slice %arg5[%dma_start3A_260, %dma_start3A_269, %dma_start3A_270] : memref<2x2x256xi32, #tpu.memory_space<vmem>> -> memref<1x2x256xi32, #tpu.memory_space<vmem>>
      %dma_start3A_272 = tpu.memref_squeeze %dma_start3A_271 : memref<1x2x256xi32, #tpu.memory_space<vmem>> -> memref<2x256xi32, #tpu.memory_space<vmem>>
      %dma_start3A_273 = arith.constant 0 : i32
      %dma_start3A_274 = arith.constant 0 : i32
      %dma_start3A_275 = tpu.memref_slice %arg2[%add3A_259, %dma_start3A_273, %dma_start3A_274] : memref<2562x2x256xi32, #tpu.memory_space<hbm>> -> memref<1x2x256xi32, #tpu.memory_space<hbm>>
      %dma_start3A_276 = tpu.memref_squeeze %dma_start3A_275 : memref<1x2x256xi32, #tpu.memory_space<hbm>> -> memref<2x256xi32, #tpu.memory_space<hbm>>
      tpu.enqueue_dma source(%dma_start3A_276 : memref<2x256xi32, #tpu.memory_space<hbm>>) target(%dma_start3A_272 : memref<2x256xi32, #tpu.memory_space<vmem>>) target_semaphore(%arg14 : memref<!tpu.dma_semaphore, #tpu.memory_space<semaphore_mem>>)
      %add3A_277 = arith.addi %mul3A_26, %add3A_236 : i32
      %add3A_278 = arith.constant 1 : i32
      %add3A_279 = arith.addi %add3A_277, %add3A_278 : i32
      %dma_wait3A_280 = arith.constant 0 : i32
      %dma_wait3A_281 = arith.constant 0 : i32
      %dma_wait3A_282 = arith.constant 0 : i32
      %dma_wait3A_283 = tpu.memref_slice %arg5[%dma_wait3A_280, %dma_wait3A_281, %dma_wait3A_282] : memref<2x2x256xi32, #tpu.memory_space<vmem>> -> memref<1x2x256xi32, #tpu.memory_space<vmem>>
      %dma_wait3A_284 = tpu.memref_squeeze %dma_wait3A_283 : memref<1x2x256xi32, #tpu.memory_space<vmem>> -> memref<2x256xi32, #tpu.memory_space<vmem>>
      %dma_wait3A_285 = arith.constant 0 : i32
      %dma_wait3A_286 = arith.constant 0 : i32
      %dma_wait3A_287 = tpu.memref_slice %arg2[%add3A_279, %dma_wait3A_285, %dma_wait3A_286] : memref<2562x2x256xi32, #tpu.memory_space<hbm>> -> memref<1x2x256xi32, #tpu.memory_space<hbm>>
      %dma_wait3A_288 = tpu.memref_squeeze %dma_wait3A_287 : memref<1x2x256xi32, #tpu.memory_space<hbm>> -> memref<2x256xi32, #tpu.memory_space<hbm>>
      %dma_wait3A_289 = arith.constant 0 : i32
      %dma_wait3A_290 = arith.constant 0 : i32
      %dma_wait3A_291 = tpu.memref_slice %arg5[%dma_wait3A_280, %dma_wait3A_289, %dma_wait3A_290] : memref<2x2x256xi32, #tpu.memory_space<vmem>> -> memref<1x2x256xi32, #tpu.memory_space<vmem>>
      %dma_wait3A_292 = tpu.memref_squeeze %dma_wait3A_291 : memref<1x2x256xi32, #tpu.memory_space<vmem>> -> memref<2x256xi32, #tpu.memory_space<vmem>>
      %dma_wait3A_293 = arith.constant 0 : i32
      %dma_wait3A_294 = arith.constant 0 : i32
      %dma_wait3A_295 = tpu.memref_slice %arg2[%add3A_279, %dma_wait3A_293, %dma_wait3A_294] : memref<2562x2x256xi32, #tpu.memory_space<hbm>> -> memref<1x2x256xi32, #tpu.memory_space<hbm>>
      %dma_wait3A_296 = tpu.memref_squeeze %dma_wait3A_295 : memref<1x2x256xi32, #tpu.memory_space<hbm>> -> memref<2x256xi32, #tpu.memory_space<hbm>>
      tpu.wait_dma2 semaphore(%arg13 : memref<!tpu.dma_semaphore, #tpu.memory_space<semaphore_mem>>) src(%dma_wait3A_296 : memref<2x256xi32, #tpu.memory_space<hbm>>) dst(%dma_wait3A_292 : memref<2x256xi32, #tpu.memory_space<vmem>>)
      %dma_start3A_297 = arith.constant 0 : i32
      %dma_start3A_298 = arith.constant 0 : i32
      %dma_start3A_299 = arith.constant 0 : i32
      %dma_start3A_300 = arith.constant 0 : i32
      %dma_start3A_301 = arith.constant 0 : i32
      %dma_start3A_302 = tpu.memref_slice %arg7[%dma_start3A_299, %dma_start3A_300, %dma_start3A_301] : memref<2x256x16xf32, #tpu.memory_space<vmem>> -> memref<1x256x16xf32, #tpu.memory_space<vmem>>
      %dma_start3A_303 = tpu.memref_squeeze %dma_start3A_302 : memref<1x256x16xf32, #tpu.memory_space<vmem>> -> memref<256x16xf32, #tpu.memory_space<vmem>>
      %dma_start3A_304 = arith.constant 0 : i32
      %dma_start3A_305 = tpu.memref_slice %arg5[%dma_start3A_297, %dma_start3A_298, %dma_start3A_304] : memref<2x2x256xi32, #tpu.memory_space<vmem>> -> memref<1x1x256xi32, #tpu.memory_space<vmem>>
      %dma_start3A_306 = tpu.memref_squeeze %dma_start3A_305 : memref<1x1x256xi32, #tpu.memory_space<vmem>> -> memref<256xi32, #tpu.memory_space<vmem>>
      %dma_start3A_307 = arith.constant 0 : i32
      %dma_start3A_308 = arith.constant 0 : i32
      %dma_start3A_309 = tpu.memref_slice %arg3[%dma_start3A_307, %dma_start3A_308] : memref<110000x16xf32, #tpu.memory_space<hbm>> -> memref<110000x16xf32, #tpu.memory_space<hbm>>
      tpu.enqueue_indirect_dma source(%dma_start3A_309 : memref<110000x16xf32, #tpu.memory_space<hbm>>) target(%dma_start3A_303 : memref<256x16xf32, #tpu.memory_space<vmem>>) offsets(%dma_start3A_306 : memref<256xi32, #tpu.memory_space<vmem>>) semaphore(%arg15 : memref<!tpu.dma_semaphore, #tpu.memory_space<semaphore_mem>>)
      %run_scoped3A_310 = arith.constant 1 : i32
      %run_scoped3A_311 = arith.constant 1 : i32
      "tpu.region"() ({
        %run_scoped3A_314 = tpu.sem_alloc : memref<!tpu.dma_semaphore, #tpu.memory_space<semaphore_mem>>
        %dma_start3A_315 = arith.constant 0 : i32
        %dma_start3A_316 = arith.constant 0 : i32
        %dma_start3A_317 = tpu.memref_slice %arg7[%run_scoped3A_310, %dma_start3A_315, %dma_start3A_316] : memref<2x256x16xf32, #tpu.memory_space<vmem>> -> memref<1x256x16xf32, #tpu.memory_space<vmem>>
        %dma_start3A_318 = tpu.memref_squeeze %dma_start3A_317 : memref<1x256x16xf32, #tpu.memory_space<vmem>> -> memref<256x16xf32, #tpu.memory_space<vmem>>
        %dma_start3A_319 = arith.constant 0 : i32
        %dma_start3A_320 = tpu.memref_slice %arg6[%run_scoped3A_311, %dma_start3A_319] : memref<2x256xi32, #tpu.memory_space<vmem>> -> memref<1x256xi32, #tpu.memory_space<vmem>>
        %dma_start3A_321 = tpu.memref_squeeze %dma_start3A_320 : memref<1x256xi32, #tpu.memory_space<vmem>> -> memref<256xi32, #tpu.memory_space<vmem>>
        %dma_start3A_322 = arith.constant 0 : i32
        %dma_start3A_323 = arith.constant 0 : i32
        %dma_start3A_324 = tpu.memref_slice %arg11[%dma_start3A_322, %dma_start3A_323] : memref<55040x16xf32, #tpu.memory_space<vmem_shared>> -> memref<55040x16xf32, #tpu.memory_space<vmem_shared>>
        tpu.enqueue_indirect_dma source(%dma_start3A_318 : memref<256x16xf32, #tpu.memory_space<vmem>>) target(%dma_start3A_324 : memref<55040x16xf32, #tpu.memory_space<vmem_shared>>) offsets(%dma_start3A_321 : memref<256xi32, #tpu.memory_space<vmem>>) semaphore(%run_scoped3A_314 : memref<!tpu.dma_semaphore, #tpu.memory_space<semaphore_mem>>) {add = true}
        %dma_wait3A_325 = arith.constant 0 : i32
        %dma_wait3A_326 = arith.constant 0 : i32
        %dma_wait3A_327 = tpu.memref_slice %arg7[%run_scoped3A_310, %dma_wait3A_325, %dma_wait3A_326] : memref<2x256x16xf32, #tpu.memory_space<vmem>> -> memref<1x256x16xf32, #tpu.memory_space<vmem>>
        %dma_wait3A_328 = tpu.memref_squeeze %dma_wait3A_327 : memref<1x256x16xf32, #tpu.memory_space<vmem>> -> memref<256x16xf32, #tpu.memory_space<vmem>>
        %dma_wait3A_329 = arith.constant 0 : i32
        %dma_wait3A_330 = tpu.memref_slice %arg6[%run_scoped3A_311, %dma_wait3A_329] : memref<2x256xi32, #tpu.memory_space<vmem>> -> memref<1x256xi32, #tpu.memory_space<vmem>>
        %dma_wait3A_331 = tpu.memref_squeeze %dma_wait3A_330 : memref<1x256xi32, #tpu.memory_space<vmem>> -> memref<256xi32, #tpu.memory_space<vmem>>
        %dma_wait3A_332 = arith.constant 0 : i32
        %dma_wait3A_333 = arith.constant 0 : i32
        %dma_wait3A_334 = tpu.memref_slice %arg11[%dma_wait3A_332, %dma_wait3A_333] : memref<55040x16xf32, #tpu.memory_space<vmem_shared>> -> memref<55040x16xf32, #tpu.memory_space<vmem_shared>>
        tpu.wait_indirect_dma semaphore(%run_scoped3A_314 : memref<!tpu.dma_semaphore, #tpu.memory_space<semaphore_mem>>) src(%dma_wait3A_328 : memref<256x16xf32, #tpu.memory_space<vmem>>) dst(%dma_wait3A_334 : memref<55040x16xf32, #tpu.memory_space<vmem_shared>>)
        tpu.yield
      }) : () -> ()
      %run_scoped3A_312 = arith.constant 1 : i32
      "tpu.region"() ({
        %run_scoped3A_314 = tpu.sem_alloc : memref<!tpu.dma_semaphore, #tpu.memory_space<semaphore_mem>>
        %dma_start3A_315 = arith.constant 0 : i32
        %dma_start3A_316 = tpu.memref_slice %arg6[%run_scoped3A_312, %dma_start3A_315] : memref<2x256xi32, #tpu.memory_space<vmem>> -> memref<1x256xi32, #tpu.memory_space<vmem>>
        %dma_start3A_317 = tpu.memref_squeeze %dma_start3A_316 : memref<1x256xi32, #tpu.memory_space<vmem>> -> memref<256xi32, #tpu.memory_space<vmem>>
        %dma_start3A_318 = arith.constant 0 : i32
        %dma_start3A_319 = tpu.memref_slice %arg12[%dma_start3A_318] : memref<55040xf32, #tpu.memory_space<vmem_shared>> -> memref<55040xf32, #tpu.memory_space<vmem_shared>>
        tpu.enqueue_indirect_dma source(%arg8 : memref<256xf32, #tpu.memory_space<vmem>>) target(%dma_start3A_319 : memref<55040xf32, #tpu.memory_space<vmem_shared>>) offsets(%dma_start3A_317 : memref<256xi32, #tpu.memory_space<vmem>>) semaphore(%run_scoped3A_314 : memref<!tpu.dma_semaphore, #tpu.memory_space<semaphore_mem>>) {add = true}
        %dma_wait3A_320 = arith.constant 0 : i32
        %dma_wait3A_321 = tpu.memref_slice %arg6[%run_scoped3A_312, %dma_wait3A_320] : memref<2x256xi32, #tpu.memory_space<vmem>> -> memref<1x256xi32, #tpu.memory_space<vmem>>
        %dma_wait3A_322 = tpu.memref_squeeze %dma_wait3A_321 : memref<1x256xi32, #tpu.memory_space<vmem>> -> memref<256xi32, #tpu.memory_space<vmem>>
        %dma_wait3A_323 = arith.constant 0 : i32
        %dma_wait3A_324 = tpu.memref_slice %arg12[%dma_wait3A_323] : memref<55040xf32, #tpu.memory_space<vmem_shared>> -> memref<55040xf32, #tpu.memory_space<vmem_shared>>
        tpu.wait_indirect_dma semaphore(%run_scoped3A_314 : memref<!tpu.dma_semaphore, #tpu.memory_space<semaphore_mem>>) src(%arg8 : memref<256xf32, #tpu.memory_space<vmem>>) dst(%dma_wait3A_324 : memref<55040xf32, #tpu.memory_space<vmem_shared>>)
        tpu.yield
      }) : () -> ()
      %scan3A_313 = arith.constant 0 : i32
      scf.yield %scan3A_313 : i32
    }
    %scan3A_96 = arith.constant 80 : i32
    %dma_wait3A_97 = arith.constant 0 : i32
    %dma_wait3A_98 = arith.constant 0 : i32
    %dma_wait3A_99 = arith.constant 0 : i32
    %dma_wait3A_100 = arith.constant 0 : i32
    %dma_wait3A_101 = arith.constant 0 : i32
    %dma_wait3A_102 = tpu.memref_slice %arg7[%dma_wait3A_99, %dma_wait3A_100, %dma_wait3A_101] : memref<2x256x16xf32, #tpu.memory_space<vmem>> -> memref<1x256x16xf32, #tpu.memory_space<vmem>>
    %dma_wait3A_103 = tpu.memref_squeeze %dma_wait3A_102 : memref<1x256x16xf32, #tpu.memory_space<vmem>> -> memref<256x16xf32, #tpu.memory_space<vmem>>
    %dma_wait3A_104 = arith.constant 0 : i32
    %dma_wait3A_105 = tpu.memref_slice %arg5[%dma_wait3A_97, %dma_wait3A_98, %dma_wait3A_104] : memref<2x2x256xi32, #tpu.memory_space<vmem>> -> memref<1x1x256xi32, #tpu.memory_space<vmem>>
    %dma_wait3A_106 = tpu.memref_squeeze %dma_wait3A_105 : memref<1x1x256xi32, #tpu.memory_space<vmem>> -> memref<256xi32, #tpu.memory_space<vmem>>
    %dma_wait3A_107 = arith.constant 0 : i32
    %dma_wait3A_108 = arith.constant 0 : i32
    %dma_wait3A_109 = tpu.memref_slice %arg3[%dma_wait3A_107, %dma_wait3A_108] : memref<110000x16xf32, #tpu.memory_space<hbm>> -> memref<110000x16xf32, #tpu.memory_space<hbm>>
    tpu.wait_indirect_dma semaphore(%arg15 : memref<!tpu.dma_semaphore, #tpu.memory_space<semaphore_mem>>) src(%dma_wait3A_109 : memref<110000x16xf32, #tpu.memory_space<hbm>>) dst(%dma_wait3A_103 : memref<256x16xf32, #tpu.memory_space<vmem>>)
    %add3A_110 = arith.constant 160 : i32
    %add3A_111 = arith.addi %mul3A_26, %add3A_110 : i32
    %add3A_112 = arith.constant 1 : i32
    %add3A_113 = arith.addi %add3A_111, %add3A_112 : i32
    %dma_wait3A_114 = arith.constant 1 : i32
    %dma_wait3A_115 = arith.constant 0 : i32
    %dma_wait3A_116 = arith.constant 0 : i32
    %dma_wait3A_117 = tpu.memref_slice %arg5[%dma_wait3A_114, %dma_wait3A_115, %dma_wait3A_116] : memref<2x2x256xi32, #tpu.memory_space<vmem>> -> memref<1x2x256xi32, #tpu.memory_space<vmem>>
    %dma_wait3A_118 = tpu.memref_squeeze %dma_wait3A_117 : memref<1x2x256xi32, #tpu.memory_space<vmem>> -> memref<2x256xi32, #tpu.memory_space<vmem>>
    %dma_wait3A_119 = arith.constant 0 : i32
    %dma_wait3A_120 = arith.constant 0 : i32
    %dma_wait3A_121 = tpu.memref_slice %arg2[%add3A_113, %dma_wait3A_119, %dma_wait3A_120] : memref<2562x2x256xi32, #tpu.memory_space<hbm>> -> memref<1x2x256xi32, #tpu.memory_space<hbm>>
    %dma_wait3A_122 = tpu.memref_squeeze %dma_wait3A_121 : memref<1x2x256xi32, #tpu.memory_space<hbm>> -> memref<2x256xi32, #tpu.memory_space<hbm>>
    %dma_wait3A_123 = arith.constant 0 : i32
    %dma_wait3A_124 = arith.constant 0 : i32
    %dma_wait3A_125 = tpu.memref_slice %arg5[%dma_wait3A_114, %dma_wait3A_123, %dma_wait3A_124] : memref<2x2x256xi32, #tpu.memory_space<vmem>> -> memref<1x2x256xi32, #tpu.memory_space<vmem>>
    %dma_wait3A_126 = tpu.memref_squeeze %dma_wait3A_125 : memref<1x2x256xi32, #tpu.memory_space<vmem>> -> memref<2x256xi32, #tpu.memory_space<vmem>>
    %dma_wait3A_127 = arith.constant 0 : i32
    %dma_wait3A_128 = arith.constant 0 : i32
    %dma_wait3A_129 = tpu.memref_slice %arg2[%add3A_113, %dma_wait3A_127, %dma_wait3A_128] : memref<2562x2x256xi32, #tpu.memory_space<hbm>> -> memref<1x2x256xi32, #tpu.memory_space<hbm>>
    %dma_wait3A_130 = tpu.memref_squeeze %dma_wait3A_129 : memref<1x2x256xi32, #tpu.memory_space<hbm>> -> memref<2x256xi32, #tpu.memory_space<hbm>>
    tpu.wait_dma2 semaphore(%arg14 : memref<!tpu.dma_semaphore, #tpu.memory_space<semaphore_mem>>) src(%dma_wait3A_130 : memref<2x256xi32, #tpu.memory_space<hbm>>) dst(%dma_wait3A_126 : memref<2x256xi32, #tpu.memory_space<vmem>>)
    %barrier3A_131 = arith.constant 0 : index
    tpu.barrier barrier_id(%barrier3A_131)
    %mul3A_132 = arith.constant 3440 : i32
    %mul3A_133 = arith.muli %arg1, %mul3A_132 : i32
    "tpu.region"() ({
      %run_scoped3A = tpu.sem_alloc : memref<!tpu.dma_semaphore, #tpu.memory_space<semaphore_mem>>
      %dma_start3A_154 = arith.constant 0 : i32
      %dma_start3A_155 = tpu.memref_slice %arg11[%mul3A_133, %dma_start3A_154] : memref<55040x16xf32, #tpu.memory_space<vmem_shared>> -> memref<3440x16xf32, #tpu.memory_space<vmem_shared>>
      %dma_start3A_156 = arith.constant 0 : i32
      %dma_start3A_157 = tpu.memref_slice %arg11[%mul3A_133, %dma_start3A_156] : memref<55040x16xf32, #tpu.memory_space<vmem_shared>> -> memref<3440x16xf32, #tpu.memory_space<vmem_shared>>
      tpu.enqueue_dma source(%dma_start3A_157 : memref<3440x16xf32, #tpu.memory_space<vmem_shared>>) target(%arg9 : memref<3440x16xf32, #tpu.memory_space<vmem>>) target_semaphore(%run_scoped3A : memref<!tpu.dma_semaphore, #tpu.memory_space<semaphore_mem>>)
      %dma_wait3A_158 = arith.constant 0 : i32
      %dma_wait3A_159 = tpu.memref_slice %arg11[%mul3A_133, %dma_wait3A_158] : memref<55040x16xf32, #tpu.memory_space<vmem_shared>> -> memref<3440x16xf32, #tpu.memory_space<vmem_shared>>
      %dma_wait3A_160 = arith.constant 0 : i32
      %dma_wait3A_161 = tpu.memref_slice %arg11[%mul3A_133, %dma_wait3A_160] : memref<55040x16xf32, #tpu.memory_space<vmem_shared>> -> memref<3440x16xf32, #tpu.memory_space<vmem_shared>>
      tpu.wait_dma2 semaphore(%run_scoped3A : memref<!tpu.dma_semaphore, #tpu.memory_space<semaphore_mem>>) src(%dma_wait3A_161 : memref<3440x16xf32, #tpu.memory_space<vmem_shared>>) dst(%arg9 : memref<3440x16xf32, #tpu.memory_space<vmem>>)
      tpu.yield
    }) : () -> ()
    %mul3A_134 = arith.constant 3440 : i32
    %mul3A_135 = arith.muli %arg1, %mul3A_134 : i32
    "tpu.region"() ({
      %run_scoped3A = tpu.sem_alloc : memref<!tpu.dma_semaphore, #tpu.memory_space<semaphore_mem>>
      %dma_start3A_154 = tpu.memref_slice %arg12[%mul3A_135] : memref<55040xf32, #tpu.memory_space<vmem_shared>> -> memref<3440xf32, #tpu.memory_space<vmem_shared>>
      %dma_start3A_155 = tpu.memref_slice %arg12[%mul3A_135] : memref<55040xf32, #tpu.memory_space<vmem_shared>> -> memref<3440xf32, #tpu.memory_space<vmem_shared>>
      tpu.enqueue_dma source(%dma_start3A_155 : memref<3440xf32, #tpu.memory_space<vmem_shared>>) target(%arg10 : memref<3440xf32, #tpu.memory_space<vmem>>) target_semaphore(%run_scoped3A : memref<!tpu.dma_semaphore, #tpu.memory_space<semaphore_mem>>)
      %dma_wait3A_156 = tpu.memref_slice %arg12[%mul3A_135] : memref<55040xf32, #tpu.memory_space<vmem_shared>> -> memref<3440xf32, #tpu.memory_space<vmem_shared>>
      %dma_wait3A_157 = tpu.memref_slice %arg12[%mul3A_135] : memref<55040xf32, #tpu.memory_space<vmem_shared>> -> memref<3440xf32, #tpu.memory_space<vmem_shared>>
      tpu.wait_dma2 semaphore(%run_scoped3A : memref<!tpu.dma_semaphore, #tpu.memory_space<semaphore_mem>>) src(%dma_wait3A_157 : memref<3440xf32, #tpu.memory_space<vmem_shared>>) dst(%arg10 : memref<3440xf32, #tpu.memory_space<vmem>>)
      tpu.yield
    }) : () -> ()
    %scan3A_136 = arith.constant 0 : i32
    %scan3A_137 = arith.constant 0 : i32
    %scan3A_138 = arith.constant 215 : i32
    %scan3A_139 = arith.addi %scan3A_137, %scan3A_138 : i32
    %scan3A_140 = arith.constant 1 : i32
    %scan3A_141 = scf.for %scan3A_154 = %scan3A_137 to %scan3A_139 step %scan3A_140 iter_args(%scan3A_155 = %scan3A_136) -> (i32)  : i32 {
      %mul3A_156 = arith.constant 16 : i32
      %mul3A_157 = arith.muli %scan3A_154, %mul3A_156 : i32
      %get3A = arith.index_cast %mul3A_157 : i32 to index
      %get3A_158 = tpu.vector_load %arg10[%get3A] {strides = array<i32>} : memref<3440xf32, #tpu.memory_space<vmem>>, vector<16xf32>,
      %max3A = arith.constant 1.000000e+00 : f32
      %max3A_159 = vector.broadcast %max3A : f32 to vector<16xf32>
      %max3A_160 = arith.maximumf %get3A_158, %max3A_159 : vector<16xf32>
      %div3A = arith.constant 1.000000e+00 : f32
      %div3A_161 = vector.broadcast %div3A : f32 to vector<16xf32>
      %div3A_162 = arith.divf %div3A_161, %max3A_160 : vector<16xf32>
      %mul3A_163 = arith.constant 16 : i32
      %mul3A_164 = arith.muli %scan3A_154, %mul3A_163 : i32
      %add3A_165 = arith.constant 0 : i32
      %add3A_166 = arith.addi %mul3A_164, %add3A_165 : i32
      %get3A_167 = arith.index_cast %add3A_166 : i32 to index
      %get3A_168 = arith.constant 0 : index
      %get3A_169 = tpu.vector_load %arg9[%get3A_167, %get3A_168] {strides = array<i32>} : memref<3440x16xf32, #tpu.memory_space<vmem>>, vector<16xf32>,
      %slice3A = vector.extract_strided_slice %div3A_162 {offsets = [0], sizes = [1], strides = [1]} : vector<16xf32> to vector<1xf32>
      %squeeze3A = vector.extract %slice3A[0] : f32 from vector<1xf32>
      %mul3A_170 = vector.broadcast %squeeze3A : f32 to vector<16xf32>
      %mul3A_171 = arith.mulf %get3A_169, %mul3A_170 : vector<16xf32>
      %swap3A = arith.index_cast %add3A_166 : i32 to index
      %swap3A_172 = arith.constant 0 : index
      %swap3A_173 = tpu.vector_load %arg9[%swap3A, %swap3A_172] {strides = array<i32>} : memref<3440x16xf32, #tpu.memory_space<vmem>>, vector<16xf32>,
      tpu.vector_store %arg9[%swap3A, %swap3A_172], %mul3A_171 {strides = array<i32>} : memref<3440x16xf32, #tpu.memory_space<vmem>>, vector<16xf32>,
      %mul3A_174 = arith.constant 16 : i32
      %mul3A_175 = arith.muli %scan3A_154, %mul3A_174 : i32
      %add3A_176 = arith.constant 1 : i32
      %add3A_177 = arith.addi %mul3A_175, %add3A_176 : i32
      %get3A_178 = arith.index_cast %add3A_177 : i32 to index
      %get3A_179 = arith.constant 0 : index
      %get3A_180 = tpu.vector_load %arg9[%get3A_178, %get3A_179] {strides = array<i32>} : memref<3440x16xf32, #tpu.memory_space<vmem>>, vector<16xf32>,
      %slice3A_181 = vector.extract_strided_slice %div3A_162 {offsets = [1], sizes = [1], strides = [1]} : vector<16xf32> to vector<1xf32>
      %squeeze3A_182 = vector.extract %slice3A_181[0] : f32 from vector<1xf32>
      %mul3A_183 = vector.broadcast %squeeze3A_182 : f32 to vector<16xf32>
      %mul3A_184 = arith.mulf %get3A_180, %mul3A_183 : vector<16xf32>
      %swap3A_185 = arith.index_cast %add3A_177 : i32 to index
      %swap3A_186 = arith.constant 0 : index
      %swap3A_187 = tpu.vector_load %arg9[%swap3A_185, %swap3A_186] {strides = array<i32>} : memref<3440x16xf32, #tpu.memory_space<vmem>>, vector<16xf32>,
      tpu.vector_store %arg9[%swap3A_185, %swap3A_186], %mul3A_184 {strides = array<i32>} : memref<3440x16xf32, #tpu.memory_space<vmem>>, vector<16xf32>,
      %mul3A_188 = arith.constant 16 : i32
      %mul3A_189 = arith.muli %scan3A_154, %mul3A_188 : i32
      %add3A_190 = arith.constant 2 : i32
      %add3A_191 = arith.addi %mul3A_189, %add3A_190 : i32
      %get3A_192 = arith.index_cast %add3A_191 : i32 to index
      %get3A_193 = arith.constant 0 : index
      %get3A_194 = tpu.vector_load %arg9[%get3A_192, %get3A_193] {strides = array<i32>} : memref<3440x16xf32, #tpu.memory_space<vmem>>, vector<16xf32>,
      %slice3A_195 = vector.extract_strided_slice %div3A_162 {offsets = [2], sizes = [1], strides = [1]} : vector<16xf32> to vector<1xf32>
      %squeeze3A_196 = vector.extract %slice3A_195[0] : f32 from vector<1xf32>
      %mul3A_197 = vector.broadcast %squeeze3A_196 : f32 to vector<16xf32>
      %mul3A_198 = arith.mulf %get3A_194, %mul3A_197 : vector<16xf32>
      %swap3A_199 = arith.index_cast %add3A_191 : i32 to index
      %swap3A_200 = arith.constant 0 : index
      %swap3A_201 = tpu.vector_load %arg9[%swap3A_199, %swap3A_200] {strides = array<i32>} : memref<3440x16xf32, #tpu.memory_space<vmem>>, vector<16xf32>,
      tpu.vector_store %arg9[%swap3A_199, %swap3A_200], %mul3A_198 {strides = array<i32>} : memref<3440x16xf32, #tpu.memory_space<vmem>>, vector<16xf32>,
      %mul3A_202 = arith.constant 16 : i32
      %mul3A_203 = arith.muli %scan3A_154, %mul3A_202 : i32
      %add3A_204 = arith.constant 3 : i32
      %add3A_205 = arith.addi %mul3A_203, %add3A_204 : i32
      %get3A_206 = arith.index_cast %add3A_205 : i32 to index
      %get3A_207 = arith.constant 0 : index
      %get3A_208 = tpu.vector_load %arg9[%get3A_206, %get3A_207] {strides = array<i32>} : memref<3440x16xf32, #tpu.memory_space<vmem>>, vector<16xf32>,
      %slice3A_209 = vector.extract_strided_slice %div3A_162 {offsets = [3], sizes = [1], strides = [1]} : vector<16xf32> to vector<1xf32>
      %squeeze3A_210 = vector.extract %slice3A_209[0] : f32 from vector<1xf32>
      %mul3A_211 = vector.broadcast %squeeze3A_210 : f32 to vector<16xf32>
      %mul3A_212 = arith.mulf %get3A_208, %mul3A_211 : vector<16xf32>
      %swap3A_213 = arith.index_cast %add3A_205 : i32 to index
      %swap3A_214 = arith.constant 0 : index
      %swap3A_215 = tpu.vector_load %arg9[%swap3A_213, %swap3A_214] {strides = array<i32>} : memref<3440x16xf32, #tpu.memory_space<vmem>>, vector<16xf32>,
      tpu.vector_store %arg9[%swap3A_213, %swap3A_214], %mul3A_212 {strides = array<i32>} : memref<3440x16xf32, #tpu.memory_space<vmem>>, vector<16xf32>,
      %mul3A_216 = arith.constant 16 : i32
      %mul3A_217 = arith.muli %scan3A_154, %mul3A_216 : i32
      %add3A_218 = arith.constant 4 : i32
      %add3A_219 = arith.addi %mul3A_217, %add3A_218 : i32
      %get3A_220 = arith.index_cast %add3A_219 : i32 to index
      %get3A_221 = arith.constant 0 : index
      %get3A_222 = tpu.vector_load %arg9[%get3A_220, %get3A_221] {strides = array<i32>} : memref<3440x16xf32, #tpu.memory_space<vmem>>, vector<16xf32>,
      %slice3A_223 = vector.extract_strided_slice %div3A_162 {offsets = [4], sizes = [1], strides = [1]} : vector<16xf32> to vector<1xf32>
      %squeeze3A_224 = vector.extract %slice3A_223[0] : f32 from vector<1xf32>
      %mul3A_225 = vector.broadcast %squeeze3A_224 : f32 to vector<16xf32>
      %mul3A_226 = arith.mulf %get3A_222, %mul3A_225 : vector<16xf32>
      %swap3A_227 = arith.index_cast %add3A_219 : i32 to index
      %swap3A_228 = arith.constant 0 : index
      %swap3A_229 = tpu.vector_load %arg9[%swap3A_227, %swap3A_228] {strides = array<i32>} : memref<3440x16xf32, #tpu.memory_space<vmem>>, vector<16xf32>,
      tpu.vector_store %arg9[%swap3A_227, %swap3A_228], %mul3A_226 {strides = array<i32>} : memref<3440x16xf32, #tpu.memory_space<vmem>>, vector<16xf32>,
      %mul3A_230 = arith.constant 16 : i32
      %mul3A_231 = arith.muli %scan3A_154, %mul3A_230 : i32
      %add3A_232 = arith.constant 5 : i32
      %add3A_233 = arith.addi %mul3A_231, %add3A_232 : i32
      %get3A_234 = arith.index_cast %add3A_233 : i32 to index
      %get3A_235 = arith.constant 0 : index
      %get3A_236 = tpu.vector_load %arg9[%get3A_234, %get3A_235] {strides = array<i32>} : memref<3440x16xf32, #tpu.memory_space<vmem>>, vector<16xf32>,
      %slice3A_237 = vector.extract_strided_slice %div3A_162 {offsets = [5], sizes = [1], strides = [1]} : vector<16xf32> to vector<1xf32>
      %squeeze3A_238 = vector.extract %slice3A_237[0] : f32 from vector<1xf32>
      %mul3A_239 = vector.broadcast %squeeze3A_238 : f32 to vector<16xf32>
      %mul3A_240 = arith.mulf %get3A_236, %mul3A_239 : vector<16xf32>
      %swap3A_241 = arith.index_cast %add3A_233 : i32 to index
      %swap3A_242 = arith.constant 0 : index
      %swap3A_243 = tpu.vector_load %arg9[%swap3A_241, %swap3A_242] {strides = array<i32>} : memref<3440x16xf32, #tpu.memory_space<vmem>>, vector<16xf32>,
      tpu.vector_store %arg9[%swap3A_241, %swap3A_242], %mul3A_240 {strides = array<i32>} : memref<3440x16xf32, #tpu.memory_space<vmem>>, vector<16xf32>,
      %mul3A_244 = arith.constant 16 : i32
      %mul3A_245 = arith.muli %scan3A_154, %mul3A_244 : i32
      %add3A_246 = arith.constant 6 : i32
      %add3A_247 = arith.addi %mul3A_245, %add3A_246 : i32
      %get3A_248 = arith.index_cast %add3A_247 : i32 to index
      %get3A_249 = arith.constant 0 : index
      %get3A_250 = tpu.vector_load %arg9[%get3A_248, %get3A_249] {strides = array<i32>} : memref<3440x16xf32, #tpu.memory_space<vmem>>, vector<16xf32>,
      %slice3A_251 = vector.extract_strided_slice %div3A_162 {offsets = [6], sizes = [1], strides = [1]} : vector<16xf32> to vector<1xf32>
      %squeeze3A_252 = vector.extract %slice3A_251[0] : f32 from vector<1xf32>
      %mul3A_253 = vector.broadcast %squeeze3A_252 : f32 to vector<16xf32>
      %mul3A_254 = arith.mulf %get3A_250, %mul3A_253 : vector<16xf32>
      %swap3A_255 = arith.index_cast %add3A_247 : i32 to index
      %swap3A_256 = arith.constant 0 : index
      %swap3A_257 = tpu.vector_load %arg9[%swap3A_255, %swap3A_256] {strides = array<i32>} : memref<3440x16xf32, #tpu.memory_space<vmem>>, vector<16xf32>,
      tpu.vector_store %arg9[%swap3A_255, %swap3A_256], %mul3A_254 {strides = array<i32>} : memref<3440x16xf32, #tpu.memory_space<vmem>>, vector<16xf32>,
      %mul3A_258 = arith.constant 16 : i32
      %mul3A_259 = arith.muli %scan3A_154, %mul3A_258 : i32
      %add3A_260 = arith.constant 7 : i32
      %add3A_261 = arith.addi %mul3A_259, %add3A_260 : i32
      %get3A_262 = arith.index_cast %add3A_261 : i32 to index
      %get3A_263 = arith.constant 0 : index
      %get3A_264 = tpu.vector_load %arg9[%get3A_262, %get3A_263] {strides = array<i32>} : memref<3440x16xf32, #tpu.memory_space<vmem>>, vector<16xf32>,
      %slice3A_265 = vector.extract_strided_slice %div3A_162 {offsets = [7], sizes = [1], strides = [1]} : vector<16xf32> to vector<1xf32>
      %squeeze3A_266 = vector.extract %slice3A_265[0] : f32 from vector<1xf32>
      %mul3A_267 = vector.broadcast %squeeze3A_266 : f32 to vector<16xf32>
      %mul3A_268 = arith.mulf %get3A_264, %mul3A_267 : vector<16xf32>
      %swap3A_269 = arith.index_cast %add3A_261 : i32 to index
      %swap3A_270 = arith.constant 0 : index
      %swap3A_271 = tpu.vector_load %arg9[%swap3A_269, %swap3A_270] {strides = array<i32>} : memref<3440x16xf32, #tpu.memory_space<vmem>>, vector<16xf32>,
      tpu.vector_store %arg9[%swap3A_269, %swap3A_270], %mul3A_268 {strides = array<i32>} : memref<3440x16xf32, #tpu.memory_space<vmem>>, vector<16xf32>,
      %mul3A_272 = arith.constant 16 : i32
      %mul3A_273 = arith.muli %scan3A_154, %mul3A_272 : i32
      %add3A_274 = arith.constant 8 : i32
      %add3A_275 = arith.addi %mul3A_273, %add3A_274 : i32
      %get3A_276 = arith.index_cast %add3A_275 : i32 to index
      %get3A_277 = arith.constant 0 : index
      %get3A_278 = tpu.vector_load %arg9[%get3A_276, %get3A_277] {strides = array<i32>} : memref<3440x16xf32, #tpu.memory_space<vmem>>, vector<16xf32>,
      %slice3A_279 = vector.extract_strided_slice %div3A_162 {offsets = [8], sizes = [1], strides = [1]} : vector<16xf32> to vector<1xf32>
      %squeeze3A_280 = vector.extract %slice3A_279[0] : f32 from vector<1xf32>
      %mul3A_281 = vector.broadcast %squeeze3A_280 : f32 to vector<16xf32>
      %mul3A_282 = arith.mulf %get3A_278, %mul3A_281 : vector<16xf32>
      %swap3A_283 = arith.index_cast %add3A_275 : i32 to index
      %swap3A_284 = arith.constant 0 : index
      %swap3A_285 = tpu.vector_load %arg9[%swap3A_283, %swap3A_284] {strides = array<i32>} : memref<3440x16xf32, #tpu.memory_space<vmem>>, vector<16xf32>,
      tpu.vector_store %arg9[%swap3A_283, %swap3A_284], %mul3A_282 {strides = array<i32>} : memref<3440x16xf32, #tpu.memory_space<vmem>>, vector<16xf32>,
      %mul3A_286 = arith.constant 16 : i32
      %mul3A_287 = arith.muli %scan3A_154, %mul3A_286 : i32
      %add3A_288 = arith.constant 9 : i32
      %add3A_289 = arith.addi %mul3A_287, %add3A_288 : i32
      %get3A_290 = arith.index_cast %add3A_289 : i32 to index
      %get3A_291 = arith.constant 0 : index
      %get3A_292 = tpu.vector_load %arg9[%get3A_290, %get3A_291] {strides = array<i32>} : memref<3440x16xf32, #tpu.memory_space<vmem>>, vector<16xf32>,
      %slice3A_293 = vector.extract_strided_slice %div3A_162 {offsets = [9], sizes = [1], strides = [1]} : vector<16xf32> to vector<1xf32>
      %squeeze3A_294 = vector.extract %slice3A_293[0] : f32 from vector<1xf32>
      %mul3A_295 = vector.broadcast %squeeze3A_294 : f32 to vector<16xf32>
      %mul3A_296 = arith.mulf %get3A_292, %mul3A_295 : vector<16xf32>
      %swap3A_297 = arith.index_cast %add3A_289 : i32 to index
      %swap3A_298 = arith.constant 0 : index
      %swap3A_299 = tpu.vector_load %arg9[%swap3A_297, %swap3A_298] {strides = array<i32>} : memref<3440x16xf32, #tpu.memory_space<vmem>>, vector<16xf32>,
      tpu.vector_store %arg9[%swap3A_297, %swap3A_298], %mul3A_296 {strides = array<i32>} : memref<3440x16xf32, #tpu.memory_space<vmem>>, vector<16xf32>,
      %mul3A_300 = arith.constant 16 : i32
      %mul3A_301 = arith.muli %scan3A_154, %mul3A_300 : i32
      %add3A_302 = arith.constant 10 : i32
      %add3A_303 = arith.addi %mul3A_301, %add3A_302 : i32
      %get3A_304 = arith.index_cast %add3A_303 : i32 to index
      %get3A_305 = arith.constant 0 : index
      %get3A_306 = tpu.vector_load %arg9[%get3A_304, %get3A_305] {strides = array<i32>} : memref<3440x16xf32, #tpu.memory_space<vmem>>, vector<16xf32>,
      %slice3A_307 = vector.extract_strided_slice %div3A_162 {offsets = [10], sizes = [1], strides = [1]} : vector<16xf32> to vector<1xf32>
      %squeeze3A_308 = vector.extract %slice3A_307[0] : f32 from vector<1xf32>
      %mul3A_309 = vector.broadcast %squeeze3A_308 : f32 to vector<16xf32>
      %mul3A_310 = arith.mulf %get3A_306, %mul3A_309 : vector<16xf32>
      %swap3A_311 = arith.index_cast %add3A_303 : i32 to index
      %swap3A_312 = arith.constant 0 : index
      %swap3A_313 = tpu.vector_load %arg9[%swap3A_311, %swap3A_312] {strides = array<i32>} : memref<3440x16xf32, #tpu.memory_space<vmem>>, vector<16xf32>,
      tpu.vector_store %arg9[%swap3A_311, %swap3A_312], %mul3A_310 {strides = array<i32>} : memref<3440x16xf32, #tpu.memory_space<vmem>>, vector<16xf32>,
      %mul3A_314 = arith.constant 16 : i32
      %mul3A_315 = arith.muli %scan3A_154, %mul3A_314 : i32
      %add3A_316 = arith.constant 11 : i32
      %add3A_317 = arith.addi %mul3A_315, %add3A_316 : i32
      %get3A_318 = arith.index_cast %add3A_317 : i32 to index
      %get3A_319 = arith.constant 0 : index
      %get3A_320 = tpu.vector_load %arg9[%get3A_318, %get3A_319] {strides = array<i32>} : memref<3440x16xf32, #tpu.memory_space<vmem>>, vector<16xf32>,
      %slice3A_321 = vector.extract_strided_slice %div3A_162 {offsets = [11], sizes = [1], strides = [1]} : vector<16xf32> to vector<1xf32>
      %squeeze3A_322 = vector.extract %slice3A_321[0] : f32 from vector<1xf32>
      %mul3A_323 = vector.broadcast %squeeze3A_322 : f32 to vector<16xf32>
      %mul3A_324 = arith.mulf %get3A_320, %mul3A_323 : vector<16xf32>
      %swap3A_325 = arith.index_cast %add3A_317 : i32 to index
      %swap3A_326 = arith.constant 0 : index
      %swap3A_327 = tpu.vector_load %arg9[%swap3A_325, %swap3A_326] {strides = array<i32>} : memref<3440x16xf32, #tpu.memory_space<vmem>>, vector<16xf32>,
      tpu.vector_store %arg9[%swap3A_325, %swap3A_326], %mul3A_324 {strides = array<i32>} : memref<3440x16xf32, #tpu.memory_space<vmem>>, vector<16xf32>,
      %mul3A_328 = arith.constant 16 : i32
      %mul3A_329 = arith.muli %scan3A_154, %mul3A_328 : i32
      %add3A_330 = arith.constant 12 : i32
      %add3A_331 = arith.addi %mul3A_329, %add3A_330 : i32
      %get3A_332 = arith.index_cast %add3A_331 : i32 to index
      %get3A_333 = arith.constant 0 : index
      %get3A_334 = tpu.vector_load %arg9[%get3A_332, %get3A_333] {strides = array<i32>} : memref<3440x16xf32, #tpu.memory_space<vmem>>, vector<16xf32>,
      %slice3A_335 = vector.extract_strided_slice %div3A_162 {offsets = [12], sizes = [1], strides = [1]} : vector<16xf32> to vector<1xf32>
      %squeeze3A_336 = vector.extract %slice3A_335[0] : f32 from vector<1xf32>
      %mul3A_337 = vector.broadcast %squeeze3A_336 : f32 to vector<16xf32>
      %mul3A_338 = arith.mulf %get3A_334, %mul3A_337 : vector<16xf32>
      %swap3A_339 = arith.index_cast %add3A_331 : i32 to index
      %swap3A_340 = arith.constant 0 : index
      %swap3A_341 = tpu.vector_load %arg9[%swap3A_339, %swap3A_340] {strides = array<i32>} : memref<3440x16xf32, #tpu.memory_space<vmem>>, vector<16xf32>,
      tpu.vector_store %arg9[%swap3A_339, %swap3A_340], %mul3A_338 {strides = array<i32>} : memref<3440x16xf32, #tpu.memory_space<vmem>>, vector<16xf32>,
      %mul3A_342 = arith.constant 16 : i32
      %mul3A_343 = arith.muli %scan3A_154, %mul3A_342 : i32
      %add3A_344 = arith.constant 13 : i32
      %add3A_345 = arith.addi %mul3A_343, %add3A_344 : i32
      %get3A_346 = arith.index_cast %add3A_345 : i32 to index
      %get3A_347 = arith.constant 0 : index
      %get3A_348 = tpu.vector_load %arg9[%get3A_346, %get3A_347] {strides = array<i32>} : memref<3440x16xf32, #tpu.memory_space<vmem>>, vector<16xf32>,
      %slice3A_349 = vector.extract_strided_slice %div3A_162 {offsets = [13], sizes = [1], strides = [1]} : vector<16xf32> to vector<1xf32>
      %squeeze3A_350 = vector.extract %slice3A_349[0] : f32 from vector<1xf32>
      %mul3A_351 = vector.broadcast %squeeze3A_350 : f32 to vector<16xf32>
      %mul3A_352 = arith.mulf %get3A_348, %mul3A_351 : vector<16xf32>
      %swap3A_353 = arith.index_cast %add3A_345 : i32 to index
      %swap3A_354 = arith.constant 0 : index
      %swap3A_355 = tpu.vector_load %arg9[%swap3A_353, %swap3A_354] {strides = array<i32>} : memref<3440x16xf32, #tpu.memory_space<vmem>>, vector<16xf32>,
      tpu.vector_store %arg9[%swap3A_353, %swap3A_354], %mul3A_352 {strides = array<i32>} : memref<3440x16xf32, #tpu.memory_space<vmem>>, vector<16xf32>,
      %mul3A_356 = arith.constant 16 : i32
      %mul3A_357 = arith.muli %scan3A_154, %mul3A_356 : i32
      %add3A_358 = arith.constant 14 : i32
      %add3A_359 = arith.addi %mul3A_357, %add3A_358 : i32
      %get3A_360 = arith.index_cast %add3A_359 : i32 to index
      %get3A_361 = arith.constant 0 : index
      %get3A_362 = tpu.vector_load %arg9[%get3A_360, %get3A_361] {strides = array<i32>} : memref<3440x16xf32, #tpu.memory_space<vmem>>, vector<16xf32>,
      %slice3A_363 = vector.extract_strided_slice %div3A_162 {offsets = [14], sizes = [1], strides = [1]} : vector<16xf32> to vector<1xf32>
      %squeeze3A_364 = vector.extract %slice3A_363[0] : f32 from vector<1xf32>
      %mul3A_365 = vector.broadcast %squeeze3A_364 : f32 to vector<16xf32>
      %mul3A_366 = arith.mulf %get3A_362, %mul3A_365 : vector<16xf32>
      %swap3A_367 = arith.index_cast %add3A_359 : i32 to index
      %swap3A_368 = arith.constant 0 : index
      %swap3A_369 = tpu.vector_load %arg9[%swap3A_367, %swap3A_368] {strides = array<i32>} : memref<3440x16xf32, #tpu.memory_space<vmem>>, vector<16xf32>,
      tpu.vector_store %arg9[%swap3A_367, %swap3A_368], %mul3A_366 {strides = array<i32>} : memref<3440x16xf32, #tpu.memory_space<vmem>>, vector<16xf32>,
      %mul3A_370 = arith.constant 16 : i32
      %mul3A_371 = arith.muli %scan3A_154, %mul3A_370 : i32
      %add3A_372 = arith.constant 15 : i32
      %add3A_373 = arith.addi %mul3A_371, %add3A_372 : i32
      %get3A_374 = arith.index_cast %add3A_373 : i32 to index
      %get3A_375 = arith.constant 0 : index
      %get3A_376 = tpu.vector_load %arg9[%get3A_374, %get3A_375] {strides = array<i32>} : memref<3440x16xf32, #tpu.memory_space<vmem>>, vector<16xf32>,
      %slice3A_377 = vector.extract_strided_slice %div3A_162 {offsets = [15], sizes = [1], strides = [1]} : vector<16xf32> to vector<1xf32>
      %squeeze3A_378 = vector.extract %slice3A_377[0] : f32 from vector<1xf32>
      %mul3A_379 = vector.broadcast %squeeze3A_378 : f32 to vector<16xf32>
      %mul3A_380 = arith.mulf %get3A_376, %mul3A_379 : vector<16xf32>
      %swap3A_381 = arith.index_cast %add3A_373 : i32 to index
      %swap3A_382 = arith.constant 0 : index
      %swap3A_383 = tpu.vector_load %arg9[%swap3A_381, %swap3A_382] {strides = array<i32>} : memref<3440x16xf32, #tpu.memory_space<vmem>>, vector<16xf32>,
      tpu.vector_store %arg9[%swap3A_381, %swap3A_382], %mul3A_380 {strides = array<i32>} : memref<3440x16xf32, #tpu.memory_space<vmem>>, vector<16xf32>,
      %scan3A_384 = arith.constant 0 : i32
      scf.yield %scan3A_384 : i32
    }
    %scan3A_142 = arith.constant 215 : i32
    %mul3A_143 = arith.constant 55000 : i32
    %mul3A_144 = arith.muli %arg0, %mul3A_143 : i32
    %mul3A_145 = arith.constant 3440 : i32
    %mul3A_146 = arith.muli %arg1, %mul3A_145 : i32
    %add3A_147 = arith.addi %mul3A_144, %mul3A_146 : i32
    %lt3A = arith.constant 15 : i32
    %lt3A_148 = arith.cmpi slt, %arg1, %lt3A : i32
    %convert_element_type3A = arith.extui %lt3A_148 : i1 to i32
    %cond3A = arith.constant 0 : i32
    %cond3A_149 = arith.cmpi ne, %convert_element_type3A, %cond3A : i32
    scf.if %cond3A_149 {
      "tpu.region"() ({
        %run_scoped3A = tpu.sem_alloc : memref<!tpu.dma_semaphore, #tpu.memory_space<semaphore_mem>>
        %dma_start3A_154 = arith.constant 0 : i32
        %dma_start3A_155 = tpu.memref_slice %arg4[%add3A_147, %dma_start3A_154] : memref<110000x16xf32, #tpu.memory_space<hbm>> -> memref<3440x16xf32, #tpu.memory_space<hbm>>
        %dma_start3A_156 = arith.constant 0 : i32
        %dma_start3A_157 = tpu.memref_slice %arg4[%add3A_147, %dma_start3A_156] : memref<110000x16xf32, #tpu.memory_space<hbm>> -> memref<3440x16xf32, #tpu.memory_space<hbm>>
        tpu.enqueue_dma source(%arg9 : memref<3440x16xf32, #tpu.memory_space<vmem>>) target(%dma_start3A_157 : memref<3440x16xf32, #tpu.memory_space<hbm>>) target_semaphore(%run_scoped3A : memref<!tpu.dma_semaphore, #tpu.memory_space<semaphore_mem>>)
        %dma_wait3A_158 = arith.constant 0 : i32
        %dma_wait3A_159 = tpu.memref_slice %arg4[%add3A_147, %dma_wait3A_158] : memref<110000x16xf32, #tpu.memory_space<hbm>> -> memref<3440x16xf32, #tpu.memory_space<hbm>>
        %dma_wait3A_160 = arith.constant 0 : i32
        %dma_wait3A_161 = tpu.memref_slice %arg4[%add3A_147, %dma_wait3A_160] : memref<110000x16xf32, #tpu.memory_space<hbm>> -> memref<3440x16xf32, #tpu.memory_space<hbm>>
        tpu.wait_dma2 semaphore(%run_scoped3A : memref<!tpu.dma_semaphore, #tpu.memory_space<semaphore_mem>>) src(%arg9 : memref<3440x16xf32, #tpu.memory_space<vmem>>) dst(%dma_wait3A_161 : memref<3440x16xf32, #tpu.memory_space<hbm>>)
        tpu.yield
      }) : () -> ()
    } else {
    }
    %eq3A = arith.constant 15 : i32
    %eq3A_150 = arith.cmpi eq, %arg1, %eq3A : i32
    %convert_element_type3A_151 = arith.extui %eq3A_150 : i1 to i32
    %cond3A_152 = arith.constant 0 : i32
    %cond3A_153 = arith.cmpi ne, %convert_element_type3A_151, %cond3A_152 : i32
    scf.if %cond3A_153 {
      "tpu.region"() ({
        %run_scoped3A = tpu.sem_alloc : memref<!tpu.dma_semaphore, #tpu.memory_space<semaphore_mem>>
        %dma_start3A_154 = arith.constant 0 : i32
        %dma_start3A_155 = arith.constant 0 : i32
        %dma_start3A_156 = tpu.memref_slice %arg9[%dma_start3A_154, %dma_start3A_155] : memref<3440x16xf32, #tpu.memory_space<vmem>> -> memref<3400x16xf32, #tpu.memory_space<vmem>>
        %dma_start3A_157 = arith.constant 0 : i32
        %dma_start3A_158 = tpu.memref_slice %arg4[%add3A_147, %dma_start3A_157] : memref<110000x16xf32, #tpu.memory_space<hbm>> -> memref<3400x16xf32, #tpu.memory_space<hbm>>
        %dma_start3A_159 = arith.constant 0 : i32
        %dma_start3A_160 = tpu.memref_slice %arg4[%add3A_147, %dma_start3A_159] : memref<110000x16xf32, #tpu.memory_space<hbm>> -> memref<3400x16xf32, #tpu.memory_space<hbm>>
        %dma_start3A_161 = arith.constant 0 : i32
        %dma_start3A_162 = arith.constant 0 : i32
        %dma_start3A_163 = tpu.memref_slice %arg9[%dma_start3A_161, %dma_start3A_162] : memref<3440x16xf32, #tpu.memory_space<vmem>> -> memref<3400x16xf32, #tpu.memory_space<vmem>>
        tpu.enqueue_dma source(%dma_start3A_163 : memref<3400x16xf32, #tpu.memory_space<vmem>>) target(%dma_start3A_160 : memref<3400x16xf32, #tpu.memory_space<hbm>>) target_semaphore(%run_scoped3A : memref<!tpu.dma_semaphore, #tpu.memory_space<semaphore_mem>>)
        %dma_wait3A_164 = arith.constant 0 : i32
        %dma_wait3A_165 = arith.constant 0 : i32
        %dma_wait3A_166 = tpu.memref_slice %arg9[%dma_wait3A_164, %dma_wait3A_165] : memref<3440x16xf32, #tpu.memory_space<vmem>> -> memref<3400x16xf32, #tpu.memory_space<vmem>>
        %dma_wait3A_167 = arith.constant 0 : i32
        %dma_wait3A_168 = tpu.memref_slice %arg4[%add3A_147, %dma_wait3A_167] : memref<110000x16xf32, #tpu.memory_space<hbm>> -> memref<3400x16xf32, #tpu.memory_space<hbm>>
        %dma_wait3A_169 = arith.constant 0 : i32
        %dma_wait3A_170 = tpu.memref_slice %arg4[%add3A_147, %dma_wait3A_169] : memref<110000x16xf32, #tpu.memory_space<hbm>> -> memref<3400x16xf32, #tpu.memory_space<hbm>>
        %dma_wait3A_171 = arith.constant 0 : i32
        %dma_wait3A_172 = arith.constant 0 : i32
        %dma_wait3A_173 = tpu.memref_slice %arg9[%dma_wait3A_171, %dma_wait3A_172] : memref<3440x16xf32, #tpu.memory_space<vmem>> -> memref<3400x16xf32, #tpu.memory_space<vmem>>
        tpu.wait_dma2 semaphore(%run_scoped3A : memref<!tpu.dma_semaphore, #tpu.memory_space<semaphore_mem>>) src(%dma_wait3A_173 : memref<3400x16xf32, #tpu.memory_space<vmem>>) dst(%dma_wait3A_170 : memref<3400x16xf32, #tpu.memory_space<hbm>>)
        tpu.yield
      }) : () -> ()
    } else {
    }
    return
  }
}

#map = affine_map<(d0, d1) -> (0, 0, 0)>
#map1 = affine_map<(d0, d1) -> (0, 0)>
module attributes {stable_mosaic.version = 14 : i64} {
  func.func @sc_edge_agg(%arg0: i32, %arg1: i32, %arg2: memref<2562x2x256xi32, #tpu.memory_space<hbm>>, %arg3: memref<110000x16xf32, #tpu.memory_space<hbm>>, %arg4: memref<110000x16xf32, #tpu.memory_space<hbm>>, %arg5: memref<2x2x256xi32, #tpu.memory_space<vmem>>, %arg6: memref<2x256xi32, #tpu.memory_space<vmem>>, %arg7: memref<2x256x16xf32, #tpu.memory_space<vmem>>, %arg8: memref<256xf32, #tpu.memory_space<vmem>>, %arg9: memref<3440x16xf32, #tpu.memory_space<vmem>>, %arg10: memref<3440xf32, #tpu.memory_space<vmem>>, %arg11: memref<55040x16xf32, #tpu.memory_space<vmem_shared>>, %arg12: memref<55040xf32, #tpu.memory_space<vmem_shared>>, %arg13: memref<!tpu.dma_semaphore, #tpu.memory_space<semaphore_mem>>, %arg14: memref<!tpu.dma_semaphore, #tpu.memory_space<semaphore_mem>>, %arg15: memref<!tpu.dma_semaphore, #tpu.memory_space<semaphore_mem>>, %arg16: memref<!tpu.dma_semaphore, #tpu.memory_space<semaphore_mem>>) attributes {dimension_semantics = [#tpu.dimension_semantics<core_parallel>, #tpu.dimension_semantics<subcore_parallel>], iteration_bounds = array<i64: 2, 16>, scalar_prefetch = 0 : i64, scratch_operands = 12 : i64, tpu.core_type = #tpu.core_type<sc_vector_subcore>, window_params = [{transform_indices = #map}, {transform_indices = #map1}, {transform_indices = #map1}]} {
    %scan3A = arith.constant 0 : i32
    %scan3A_0 = arith.constant 0 : i32
    %scan3A_1 = arith.constant 3440 : i32
    %scan3A_2 = arith.addi %scan3A_0, %scan3A_1 : i32
    %scan3A_3 = arith.constant 1 : i32
    %scan3A_4 = scf.for %scan3A_154 = %scan3A_0 to %scan3A_2 step %scan3A_3 iter_args(%scan3A_155 = %scan3A) -> (i32)  : i32 {
      %broadcast_in_dim3A = arith.constant 0.000000e+00 : f32
      %broadcast_in_dim3A_156 = vector.broadcast %broadcast_in_dim3A : f32 to vector<16xf32>
      %swap3A = arith.index_cast %scan3A_154 : i32 to index
      %swap3A_157 = arith.constant 0 : index
      %swap3A_158 = tpu.vector_load %arg9[%swap3A, %swap3A_157] {strides = array<i32>} : memref<3440x16xf32, #tpu.memory_space<vmem>>, vector<16xf32>,
      tpu.vector_store %arg9[%swap3A, %swap3A_157], %broadcast_in_dim3A_156 {strides = array<i32>} : memref<3440x16xf32, #tpu.memory_space<vmem>>, vector<16xf32>,
      %scan3A_159 = arith.constant 0 : i32
      scf.yield %scan3A_159 : i32
    }
    %scan3A_5 = arith.constant 3440 : i32
    %scan3A_6 = arith.constant 0 : i32
    %scan3A_7 = arith.constant 0 : i32
    %scan3A_8 = arith.constant 215 : i32
    %scan3A_9 = arith.addi %scan3A_7, %scan3A_8 : i32
    %scan3A_10 = arith.constant 1 : i32
    %scan3A_11 = scf.for %scan3A_154 = %scan3A_7 to %scan3A_9 step %scan3A_10 iter_args(%scan3A_155 = %scan3A_6) -> (i32)  : i32 {
      %broadcast_in_dim3A = arith.constant 0.000000e+00 : f32
      %broadcast_in_dim3A_156 = vector.broadcast %broadcast_in_dim3A : f32 to vector<16xf32>
      %mul3A_157 = arith.constant 16 : i32
      %mul3A_158 = arith.muli %scan3A_154, %mul3A_157 : i32
      %swap3A = arith.index_cast %mul3A_158 : i32 to index
      %swap3A_159 = tpu.vector_load %arg10[%swap3A] {strides = array<i32>} : memref<3440xf32, #tpu.memory_space<vmem>>, vector<16xf32>,
      tpu.vector_store %arg10[%swap3A], %broadcast_in_dim3A_156 {strides = array<i32>} : memref<3440xf32, #tpu.memory_space<vmem>>, vector<16xf32>,
      %scan3A_160 = arith.constant 0 : i32
      scf.yield %scan3A_160 : i32
    }
    %scan3A_12 = arith.constant 215 : i32
    %scan3A_13 = arith.constant 0 : i32
    %scan3A_14 = arith.constant 0 : i32
    %scan3A_15 = arith.constant 16 : i32
    %scan3A_16 = arith.addi %scan3A_14, %scan3A_15 : i32
    %scan3A_17 = arith.constant 1 : i32
    %scan3A_18 = scf.for %scan3A_154 = %scan3A_14 to %scan3A_16 step %scan3A_17 iter_args(%scan3A_155 = %scan3A_13) -> (i32)  : i32 {
      %broadcast_in_dim3A = arith.constant 1.000000e+00 : f32
      %broadcast_in_dim3A_156 = vector.broadcast %broadcast_in_dim3A : f32 to vector<16xf32>
      %mul3A_157 = arith.constant 16 : i32
      %mul3A_158 = arith.muli %scan3A_154, %mul3A_157 : i32
      %swap3A = arith.index_cast %mul3A_158 : i32 to index
      %swap3A_159 = tpu.vector_load %arg8[%swap3A] {strides = array<i32>} : memref<256xf32, #tpu.memory_space<vmem>>, vector<16xf32>,
      tpu.vector_store %arg8[%swap3A], %broadcast_in_dim3A_156 {strides = array<i32>} : memref<256xf32, #tpu.memory_space<vmem>>, vector<16xf32>,
      %scan3A_160 = arith.constant 0 : i32
      scf.yield %scan3A_160 : i32
    }
    %scan3A_19 = arith.constant 16 : i32
    %mul3A = arith.constant 3440 : i32
    %mul3A_20 = arith.muli %arg1, %mul3A : i32
    "tpu.region"() ({
      %run_scoped3A = tpu.sem_alloc : memref<!tpu.dma_semaphore, #tpu.memory_space<semaphore_mem>>
      %dma_start3A_154 = arith.constant 0 : i32
      %dma_start3A_155 = tpu.memref_slice %arg11[%mul3A_20, %dma_start3A_154] : memref<55040x16xf32, #tpu.memory_space<vmem_shared>> -> memref<3440x16xf32, #tpu.memory_space<vmem_shared>>
      %dma_start3A_156 = arith.constant 0 : i32
      %dma_start3A_157 = tpu.memref_slice %arg11[%mul3A_20, %dma_start3A_156] : memref<55040x16xf32, #tpu.memory_space<vmem_shared>> -> memref<3440x16xf32, #tpu.memory_space<vmem_shared>>
      tpu.enqueue_dma source(%arg9 : memref<3440x16xf32, #tpu.memory_space<vmem>>) target(%dma_start3A_157 : memref<3440x16xf32, #tpu.memory_space<vmem_shared>>) target_semaphore(%run_scoped3A : memref<!tpu.dma_semaphore, #tpu.memory_space<semaphore_mem>>)
      %dma_wait3A_158 = arith.constant 0 : i32
      %dma_wait3A_159 = tpu.memref_slice %arg11[%mul3A_20, %dma_wait3A_158] : memref<55040x16xf32, #tpu.memory_space<vmem_shared>> -> memref<3440x16xf32, #tpu.memory_space<vmem_shared>>
      %dma_wait3A_160 = arith.constant 0 : i32
      %dma_wait3A_161 = tpu.memref_slice %arg11[%mul3A_20, %dma_wait3A_160] : memref<55040x16xf32, #tpu.memory_space<vmem_shared>> -> memref<3440x16xf32, #tpu.memory_space<vmem_shared>>
      tpu.wait_dma2 semaphore(%run_scoped3A : memref<!tpu.dma_semaphore, #tpu.memory_space<semaphore_mem>>) src(%arg9 : memref<3440x16xf32, #tpu.memory_space<vmem>>) dst(%dma_wait3A_161 : memref<3440x16xf32, #tpu.memory_space<vmem_shared>>)
      tpu.yield
    }) : () -> ()
    %mul3A_21 = arith.constant 3440 : i32
    %mul3A_22 = arith.muli %arg1, %mul3A_21 : i32
    "tpu.region"() ({
      %run_scoped3A = tpu.sem_alloc : memref<!tpu.dma_semaphore, #tpu.memory_space<semaphore_mem>>
      %dma_start3A_154 = tpu.memref_slice %arg12[%mul3A_22] : memref<55040xf32, #tpu.memory_space<vmem_shared>> -> memref<3440xf32, #tpu.memory_space<vmem_shared>>
      %dma_start3A_155 = tpu.memref_slice %arg12[%mul3A_22] : memref<55040xf32, #tpu.memory_space<vmem_shared>> -> memref<3440xf32, #tpu.memory_space<vmem_shared>>
      tpu.enqueue_dma source(%arg10 : memref<3440xf32, #tpu.memory_space<vmem>>) target(%dma_start3A_155 : memref<3440xf32, #tpu.memory_space<vmem_shared>>) target_semaphore(%run_scoped3A : memref<!tpu.dma_semaphore, #tpu.memory_space<semaphore_mem>>)
      %dma_wait3A_156 = tpu.memref_slice %arg12[%mul3A_22] : memref<55040xf32, #tpu.memory_space<vmem_shared>> -> memref<3440xf32, #tpu.memory_space<vmem_shared>>
      %dma_wait3A_157 = tpu.memref_slice %arg12[%mul3A_22] : memref<55040xf32, #tpu.memory_space<vmem_shared>> -> memref<3440xf32, #tpu.memory_space<vmem_shared>>
      tpu.wait_dma2 semaphore(%run_scoped3A : memref<!tpu.dma_semaphore, #tpu.memory_space<semaphore_mem>>) src(%arg10 : memref<3440xf32, #tpu.memory_space<vmem>>) dst(%dma_wait3A_157 : memref<3440xf32, #tpu.memory_space<vmem_shared>>)
      tpu.yield
    }) : () -> ()
    %barrier3A = arith.constant 0 : index
    tpu.barrier barrier_id(%barrier3A)
    %mul3A_23 = arith.constant 55000 : i32
    %mul3A_24 = arith.muli %arg0, %mul3A_23 : i32
    %iota3A = tpu.iota {dimensions = array<i32: 0>} : vector<16xi32>
    %mul3A_25 = arith.constant 160 : i32
    %mul3A_26 = arith.muli %arg1, %mul3A_25 : i32
    %dma_start3A = arith.constant 0 : i32
    %dma_start3A_27 = arith.constant 0 : i32
    %dma_start3A_28 = arith.constant 0 : i32
    %dma_start3A_29 = tpu.memref_slice %arg5[%dma_start3A, %dma_start3A_27, %dma_start3A_28] : memref<2x2x256xi32, #tpu.memory_space<vmem>> -> memref<1x2x256xi32, #tpu.memory_space<vmem>>
    %dma_start3A_30 = tpu.memref_squeeze %dma_start3A_29 : memref<1x2x256xi32, #tpu.memory_space<vmem>> -> memref<2x256xi32, #tpu.memory_space<vmem>>
    %dma_start3A_31 = arith.constant 0 : i32
    %dma_start3A_32 = arith.constant 0 : i32
    %dma_start3A_33 = tpu.memref_slice %arg2[%mul3A_26, %dma_start3A_31, %dma_start3A_32] : memref<2562x2x256xi32, #tpu.memory_space<hbm>> -> memref<1x2x256xi32, #tpu.memory_space<hbm>>
    %dma_start3A_34 = tpu.memref_squeeze %dma_start3A_33 : memref<1x2x256xi32, #tpu.memory_space<hbm>> -> memref<2x256xi32, #tpu.memory_space<hbm>>
    %dma_start3A_35 = arith.constant 0 : i32
    %dma_start3A_36 = arith.constant 0 : i32
    %dma_start3A_37 = tpu.memref_slice %arg5[%dma_start3A, %dma_start3A_35, %dma_start3A_36] : memref<2x2x256xi32, #tpu.memory_space<vmem>> -> memref<1x2x256xi32, #tpu.memory_space<vmem>>
    %dma_start3A_38 = tpu.memref_squeeze %dma_start3A_37 : memref<1x2x256xi32, #tpu.memory_space<vmem>> -> memref<2x256xi32, #tpu.memory_space<vmem>>
    %dma_start3A_39 = arith.constant 0 : i32
    %dma_start3A_40 = arith.constant 0 : i32
    %dma_start3A_41 = tpu.memref_slice %arg2[%mul3A_26, %dma_start3A_39, %dma_start3A_40] : memref<2562x2x256xi32, #tpu.memory_space<hbm>> -> memref<1x2x256xi32, #tpu.memory_space<hbm>>
    %dma_start3A_42 = tpu.memref_squeeze %dma_start3A_41 : memref<1x2x256xi32, #tpu.memory_space<hbm>> -> memref<2x256xi32, #tpu.memory_space<hbm>>
    tpu.enqueue_dma source(%dma_start3A_42 : memref<2x256xi32, #tpu.memory_space<hbm>>) target(%dma_start3A_38 : memref<2x256xi32, #tpu.memory_space<vmem>>) target_semaphore(%arg13 : memref<!tpu.dma_semaphore, #tpu.memory_space<semaphore_mem>>)
    %add3A = arith.constant 1 : i32
    %add3A_43 = arith.addi %mul3A_26, %add3A : i32
    %dma_start3A_44 = arith.constant 1 : i32
    %dma_start3A_45 = arith.constant 0 : i32
    %dma_start3A_46 = arith.constant 0 : i32
    %dma_start3A_47 = tpu.memref_slice %arg5[%dma_start3A_44, %dma_start3A_45, %dma_start3A_46] : memref<2x2x256xi32, #tpu.memory_space<vmem>> -> memref<1x2x256xi32, #tpu.memory_space<vmem>>
    %dma_start3A_48 = tpu.memref_squeeze %dma_start3A_47 : memref<1x2x256xi32, #tpu.memory_space<vmem>> -> memref<2x256xi32, #tpu.memory_space<vmem>>
    %dma_start3A_49 = arith.constant 0 : i32
    %dma_start3A_50 = arith.constant 0 : i32
    %dma_start3A_51 = tpu.memref_slice %arg2[%add3A_43, %dma_start3A_49, %dma_start3A_50] : memref<2562x2x256xi32, #tpu.memory_space<hbm>> -> memref<1x2x256xi32, #tpu.memory_space<hbm>>
    %dma_start3A_52 = tpu.memref_squeeze %dma_start3A_51 : memref<1x2x256xi32, #tpu.memory_space<hbm>> -> memref<2x256xi32, #tpu.memory_space<hbm>>
    %dma_start3A_53 = arith.constant 0 : i32
    %dma_start3A_54 = arith.constant 0 : i32
    %dma_start3A_55 = tpu.memref_slice %arg5[%dma_start3A_44, %dma_start3A_53, %dma_start3A_54] : memref<2x2x256xi32, #tpu.memory_space<vmem>> -> memref<1x2x256xi32, #tpu.memory_space<vmem>>
    %dma_start3A_56 = tpu.memref_squeeze %dma_start3A_55 : memref<1x2x256xi32, #tpu.memory_space<vmem>> -> memref<2x256xi32, #tpu.memory_space<vmem>>
    %dma_start3A_57 = arith.constant 0 : i32
    %dma_start3A_58 = arith.constant 0 : i32
    %dma_start3A_59 = tpu.memref_slice %arg2[%add3A_43, %dma_start3A_57, %dma_start3A_58] : memref<2562x2x256xi32, #tpu.memory_space<hbm>> -> memref<1x2x256xi32, #tpu.memory_space<hbm>>
    %dma_start3A_60 = tpu.memref_squeeze %dma_start3A_59 : memref<1x2x256xi32, #tpu.memory_space<hbm>> -> memref<2x256xi32, #tpu.memory_space<hbm>>
    tpu.enqueue_dma source(%dma_start3A_60 : memref<2x256xi32, #tpu.memory_space<hbm>>) target(%dma_start3A_56 : memref<2x256xi32, #tpu.memory_space<vmem>>) target_semaphore(%arg14 : memref<!tpu.dma_semaphore, #tpu.memory_space<semaphore_mem>>)
    %dma_wait3A = arith.constant 0 : i32
    %dma_wait3A_61 = arith.constant 0 : i32
    %dma_wait3A_62 = arith.constant 0 : i32
    %dma_wait3A_63 = tpu.memref_slice %arg5[%dma_wait3A, %dma_wait3A_61, %dma_wait3A_62] : memref<2x2x256xi32, #tpu.memory_space<vmem>> -> memref<1x2x256xi32, #tpu.memory_space<vmem>>
    %dma_wait3A_64 = tpu.memref_squeeze %dma_wait3A_63 : memref<1x2x256xi32, #tpu.memory_space<vmem>> -> memref<2x256xi32, #tpu.memory_space<vmem>>
    %dma_wait3A_65 = arith.constant 0 : i32
    %dma_wait3A_66 = arith.constant 0 : i32
    %dma_wait3A_67 = tpu.memref_slice %arg2[%mul3A_26, %dma_wait3A_65, %dma_wait3A_66] : memref<2562x2x256xi32, #tpu.memory_space<hbm>> -> memref<1x2x256xi32, #tpu.memory_space<hbm>>
    %dma_wait3A_68 = tpu.memref_squeeze %dma_wait3A_67 : memref<1x2x256xi32, #tpu.memory_space<hbm>> -> memref<2x256xi32, #tpu.memory_space<hbm>>
    %dma_wait3A_69 = arith.constant 0 : i32
    %dma_wait3A_70 = arith.constant 0 : i32
    %dma_wait3A_71 = tpu.memref_slice %arg5[%dma_wait3A, %dma_wait3A_69, %dma_wait3A_70] : memref<2x2x256xi32, #tpu.memory_space<vmem>> -> memref<1x2x256xi32, #tpu.memory_space<vmem>>
    %dma_wait3A_72 = tpu.memref_squeeze %dma_wait3A_71 : memref<1x2x256xi32, #tpu.memory_space<vmem>> -> memref<2x256xi32, #tpu.memory_space<vmem>>
    %dma_wait3A_73 = arith.constant 0 : i32
    %dma_wait3A_74 = arith.constant 0 : i32
    %dma_wait3A_75 = tpu.memref_slice %arg2[%mul3A_26, %dma_wait3A_73, %dma_wait3A_74] : memref<2562x2x256xi32, #tpu.memory_space<hbm>> -> memref<1x2x256xi32, #tpu.memory_space<hbm>>
    %dma_wait3A_76 = tpu.memref_squeeze %dma_wait3A_75 : memref<1x2x256xi32, #tpu.memory_space<hbm>> -> memref<2x256xi32, #tpu.memory_space<hbm>>
    tpu.wait_dma2 semaphore(%arg13 : memref<!tpu.dma_semaphore, #tpu.memory_space<semaphore_mem>>) src(%dma_wait3A_76 : memref<2x256xi32, #tpu.memory_space<hbm>>) dst(%dma_wait3A_72 : memref<2x256xi32, #tpu.memory_space<vmem>>)
    %dma_start3A_77 = arith.constant 0 : i32
    %dma_start3A_78 = arith.constant 0 : i32
    %dma_start3A_79 = arith.constant 0 : i32
    %dma_start3A_80 = arith.constant 0 : i32
    %dma_start3A_81 = arith.constant 0 : i32
    %dma_start3A_82 = tpu.memref_slice %arg7[%dma_start3A_79, %dma_start3A_80, %dma_start3A_81] : memref<2x256x16xf32, #tpu.memory_space<vmem>> -> memref<1x256x16xf32, #tpu.memory_space<vmem>>
    %dma_start3A_83 = tpu.memref_squeeze %dma_start3A_82 : memref<1x256x16xf32, #tpu.memory_space<vmem>> -> memref<256x16xf32, #tpu.memory_space<vmem>>
    %dma_start3A_84 = arith.constant 0 : i32
    %dma_start3A_85 = tpu.memref_slice %arg5[%dma_start3A_77, %dma_start3A_78, %dma_start3A_84] : memref<2x2x256xi32, #tpu.memory_space<vmem>> -> memref<1x1x256xi32, #tpu.memory_space<vmem>>
    %dma_start3A_86 = tpu.memref_squeeze %dma_start3A_85 : memref<1x1x256xi32, #tpu.memory_space<vmem>> -> memref<256xi32, #tpu.memory_space<vmem>>
    %dma_start3A_87 = arith.constant 0 : i32
    %dma_start3A_88 = arith.constant 0 : i32
    %dma_start3A_89 = tpu.memref_slice %arg3[%dma_start3A_87, %dma_start3A_88] : memref<110000x16xf32, #tpu.memory_space<hbm>> -> memref<110000x16xf32, #tpu.memory_space<hbm>>
    tpu.enqueue_indirect_dma source(%dma_start3A_89 : memref<110000x16xf32, #tpu.memory_space<hbm>>) target(%dma_start3A_83 : memref<256x16xf32, #tpu.memory_space<vmem>>) offsets(%dma_start3A_86 : memref<256xi32, #tpu.memory_space<vmem>>) semaphore(%arg15 : memref<!tpu.dma_semaphore, #tpu.memory_space<semaphore_mem>>)
    %scan3A_90 = arith.constant 0 : i32
    %scan3A_91 = arith.constant 0 : i32
    %scan3A_92 = arith.constant 80 : i32
    %scan3A_93 = arith.addi %scan3A_91, %scan3A_92 : i32
    %scan3A_94 = arith.constant 1 : i32
    %scan3A_95 = scf.for %scan3A_154 = %scan3A_91 to %scan3A_93 step %scan3A_94 iter_args(%scan3A_155 = %scan3A_90) -> (i32)  : i32 {
      %mul3A_156 = arith.constant 2 : i32
      %mul3A_157 = arith.muli %mul3A_156, %scan3A_154 : i32
      %dma_wait3A_158 = arith.constant 0 : i32
      %dma_wait3A_159 = arith.constant 0 : i32
      %dma_wait3A_160 = arith.constant 0 : i32
      %dma_wait3A_161 = arith.constant 0 : i32
      %dma_wait3A_162 = arith.constant 0 : i32
      %dma_wait3A_163 = tpu.memref_slice %arg7[%dma_wait3A_160, %dma_wait3A_161, %dma_wait3A_162] : memref<2x256x16xf32, #tpu.memory_space<vmem>> -> memref<1x256x16xf32, #tpu.memory_space<vmem>>
      %dma_wait3A_164 = tpu.memref_squeeze %dma_wait3A_163 : memref<1x256x16xf32, #tpu.memory_space<vmem>> -> memref<256x16xf32, #tpu.memory_space<vmem>>
      %dma_wait3A_165 = arith.constant 0 : i32
      %dma_wait3A_166 = tpu.memref_slice %arg5[%dma_wait3A_158, %dma_wait3A_159, %dma_wait3A_165] : memref<2x2x256xi32, #tpu.memory_space<vmem>> -> memref<1x1x256xi32, #tpu.memory_space<vmem>>
      %dma_wait3A_167 = tpu.memref_squeeze %dma_wait3A_166 : memref<1x1x256xi32, #tpu.memory_space<vmem>> -> memref<256xi32, #tpu.memory_space<vmem>>
      %dma_wait3A_168 = arith.constant 0 : i32
      %dma_wait3A_169 = arith.constant 0 : i32
      %dma_wait3A_170 = tpu.memref_slice %arg3[%dma_wait3A_168, %dma_wait3A_169] : memref<110000x16xf32, #tpu.memory_space<hbm>> -> memref<110000x16xf32, #tpu.memory_space<hbm>>
      tpu.wait_indirect_dma semaphore(%arg15 : memref<!tpu.dma_semaphore, #tpu.memory_space<semaphore_mem>>) src(%dma_wait3A_170 : memref<110000x16xf32, #tpu.memory_space<hbm>>) dst(%dma_wait3A_164 : memref<256x16xf32, #tpu.memory_space<vmem>>)
      %scan3A_171 = arith.constant 0 : i32
      %scan3A_172 = arith.constant 0 : i32
      %scan3A_173 = arith.constant 16 : i32
      %scan3A_174 = arith.addi %scan3A_172, %scan3A_173 : i32
      %scan3A_175 = arith.constant 1 : i32
      %scan3A_176 = scf.for %scan3A_314 = %scan3A_172 to %scan3A_174 step %scan3A_175 iter_args(%scan3A_315 = %scan3A_171) -> (i32)  : i32 {
        %mul3A_316 = arith.constant 16 : i32
        %mul3A_317 = arith.muli %scan3A_314, %mul3A_316 : i32
        %get3A = arith.constant 0 : i32
        %get3A_318 = arith.constant 1 : i32
        %get3A_319 = arith.index_cast %get3A : i32 to index
        %get3A_320 = arith.index_cast %get3A_318 : i32 to index
        %get3A_321 = arith.index_cast %mul3A_317 : i32 to index
        %get3A_322 = tpu.vector_load %arg5[%get3A_319, %get3A_320, %get3A_321] {strides = array<i32>} : memref<2x2x256xi32, #tpu.memory_space<vmem>>, vector<16xi32>,
        %sub3A = vector.broadcast %mul3A_24 : i32 to vector<16xi32>
        %sub3A_323 = arith.subi %get3A_322, %sub3A : vector<16xi32>
        %ge3A = arith.constant 0 : i32
        %ge3A_324 = vector.broadcast %ge3A : i32 to vector<16xi32>
        %ge3A_325 = arith.cmpi sge, %sub3A_323, %ge3A_324 : vector<16xi32>
        %lt3A_326 = arith.constant 55000 : i32
        %lt3A_327 = vector.broadcast %lt3A_326 : i32 to vector<16xi32>
        %lt3A_328 = arith.cmpi slt, %sub3A_323, %lt3A_327 : vector<16xi32>
        %and3A = arith.andi %ge3A_325, %lt3A_328 : vector<16xi1>
        %add3A_329 = arith.constant 55000 : i32
        %add3A_330 = vector.broadcast %add3A_329 : i32 to vector<16xi32>
        %add3A_331 = arith.addi %add3A_330, %iota3A : vector<16xi32>
        %select_n3A = arith.select %and3A, %sub3A_323, %add3A_331 : vector<16xi1>, vector<16xi32>
        %mul3A_332 = arith.constant 16 : i32
        %mul3A_333 = arith.muli %scan3A_314, %mul3A_332 : i32
        %swap3A = arith.constant 0 : i32
        %swap3A_334 = arith.index_cast %swap3A : i32 to index
        %swap3A_335 = arith.index_cast %mul3A_333 : i32 to index
        %swap3A_336 = tpu.vector_load %arg6[%swap3A_334, %swap3A_335] {strides = array<i32>} : memref<2x256xi32, #tpu.memory_space<vmem>>, vector<16xi32>,
        tpu.vector_store %arg6[%swap3A_334, %swap3A_335], %select_n3A {strides = array<i32>} : memref<2x256xi32, #tpu.memory_space<vmem>>, vector<16xi32>,
        %scan3A_337 = arith.constant 0 : i32
        scf.yield %scan3A_337 : i32
      }
      %scan3A_177 = arith.constant 16 : i32
      %add3A_178 = arith.addi %mul3A_26, %mul3A_157 : i32
      %add3A_179 = arith.constant 2 : i32
      %add3A_180 = arith.addi %add3A_178, %add3A_179 : i32
      %dma_start3A_181 = arith.constant 0 : i32
      %dma_start3A_182 = arith.constant 0 : i32
      %dma_start3A_183 = arith.constant 0 : i32
      %dma_start3A_184 = tpu.memref_slice %arg5[%dma_start3A_181, %dma_start3A_182, %dma_start3A_183] : memref<2x2x256xi32, #tpu.memory_space<vmem>> -> memref<1x2x256xi32, #tpu.memory_space<vmem>>
      %dma_start3A_185 = tpu.memref_squeeze %dma_start3A_184 : memref<1x2x256xi32, #tpu.memory_space<vmem>> -> memref<2x256xi32, #tpu.memory_space<vmem>>
      %dma_start3A_186 = arith.constant 0 : i32
      %dma_start3A_187 = arith.constant 0 : i32
      %dma_start3A_188 = tpu.memref_slice %arg2[%add3A_180, %dma_start3A_186, %dma_start3A_187] : memref<2562x2x256xi32, #tpu.memory_space<hbm>> -> memref<1x2x256xi32, #tpu.memory_space<hbm>>
      %dma_start3A_189 = tpu.memref_squeeze %dma_start3A_188 : memref<1x2x256xi32, #tpu.memory_space<hbm>> -> memref<2x256xi32, #tpu.memory_space<hbm>>
      %dma_start3A_190 = arith.constant 0 : i32
      %dma_start3A_191 = arith.constant 0 : i32
      %dma_start3A_192 = tpu.memref_slice %arg5[%dma_start3A_181, %dma_start3A_190, %dma_start3A_191] : memref<2x2x256xi32, #tpu.memory_space<vmem>> -> memref<1x2x256xi32, #tpu.memory_space<vmem>>
      %dma_start3A_193 = tpu.memref_squeeze %dma_start3A_192 : memref<1x2x256xi32, #tpu.memory_space<vmem>> -> memref<2x256xi32, #tpu.memory_space<vmem>>
      %dma_start3A_194 = arith.constant 0 : i32
      %dma_start3A_195 = arith.constant 0 : i32
      %dma_start3A_196 = tpu.memref_slice %arg2[%add3A_180, %dma_start3A_194, %dma_start3A_195] : memref<2562x2x256xi32, #tpu.memory_space<hbm>> -> memref<1x2x256xi32, #tpu.memory_space<hbm>>
      %dma_start3A_197 = tpu.memref_squeeze %dma_start3A_196 : memref<1x2x256xi32, #tpu.memory_space<hbm>> -> memref<2x256xi32, #tpu.memory_space<hbm>>
      tpu.enqueue_dma source(%dma_start3A_197 : memref<2x256xi32, #tpu.memory_space<hbm>>) target(%dma_start3A_193 : memref<2x256xi32, #tpu.memory_space<vmem>>) target_semaphore(%arg13 : memref<!tpu.dma_semaphore, #tpu.memory_space<semaphore_mem>>)
      %add3A_198 = arith.addi %mul3A_26, %mul3A_157 : i32
      %add3A_199 = arith.constant 1 : i32
      %add3A_200 = arith.addi %add3A_198, %add3A_199 : i32
      %dma_wait3A_201 = arith.constant 1 : i32
      %dma_wait3A_202 = arith.constant 0 : i32
      %dma_wait3A_203 = arith.constant 0 : i32
      %dma_wait3A_204 = tpu.memref_slice %arg5[%dma_wait3A_201, %dma_wait3A_202, %dma_wait3A_203] : memref<2x2x256xi32, #tpu.memory_space<vmem>> -> memref<1x2x256xi32, #tpu.memory_space<vmem>>
      %dma_wait3A_205 = tpu.memref_squeeze %dma_wait3A_204 : memref<1x2x256xi32, #tpu.memory_space<vmem>> -> memref<2x256xi32, #tpu.memory_space<vmem>>
      %dma_wait3A_206 = arith.constant 0 : i32
      %dma_wait3A_207 = arith.constant 0 : i32
      %dma_wait3A_208 = tpu.memref_slice %arg2[%add3A_200, %dma_wait3A_206, %dma_wait3A_207] : memref<2562x2x256xi32, #tpu.memory_space<hbm>> -> memref<1x2x256xi32, #tpu.memory_space<hbm>>
      %dma_wait3A_209 = tpu.memref_squeeze %dma_wait3A_208 : memref<1x2x256xi32, #tpu.memory_space<hbm>> -> memref<2x256xi32, #tpu.memory_space<hbm>>
      %dma_wait3A_210 = arith.constant 0 : i32
      %dma_wait3A_211 = arith.constant 0 : i32
      %dma_wait3A_212 = tpu.memref_slice %arg5[%dma_wait3A_201, %dma_wait3A_210, %dma_wait3A_211] : memref<2x2x256xi32, #tpu.memory_space<vmem>> -> memref<1x2x256xi32, #tpu.memory_space<vmem>>
      %dma_wait3A_213 = tpu.memref_squeeze %dma_wait3A_212 : memref<1x2x256xi32, #tpu.memory_space<vmem>> -> memref<2x256xi32, #tpu.memory_space<vmem>>
      %dma_wait3A_214 = arith.constant 0 : i32
      %dma_wait3A_215 = arith.constant 0 : i32
      %dma_wait3A_216 = tpu.memref_slice %arg2[%add3A_200, %dma_wait3A_214, %dma_wait3A_215] : memref<2562x2x256xi32, #tpu.memory_space<hbm>> -> memref<1x2x256xi32, #tpu.memory_space<hbm>>
      %dma_wait3A_217 = tpu.memref_squeeze %dma_wait3A_216 : memref<1x2x256xi32, #tpu.memory_space<hbm>> -> memref<2x256xi32, #tpu.memory_space<hbm>>
      tpu.wait_dma2 semaphore(%arg14 : memref<!tpu.dma_semaphore, #tpu.memory_space<semaphore_mem>>) src(%dma_wait3A_217 : memref<2x256xi32, #tpu.memory_space<hbm>>) dst(%dma_wait3A_213 : memref<2x256xi32, #tpu.memory_space<vmem>>)
      %dma_start3A_218 = arith.constant 1 : i32
      %dma_start3A_219 = arith.constant 0 : i32
      %dma_start3A_220 = arith.constant 1 : i32
      %dma_start3A_221 = arith.constant 0 : i32
      %dma_start3A_222 = arith.constant 0 : i32
      %dma_start3A_223 = tpu.memref_slice %arg7[%dma_start3A_220, %dma_start3A_221, %dma_start3A_222] : memref<2x256x16xf32, #tpu.memory_space<vmem>> -> memref<1x256x16xf32, #tpu.memory_space<vmem>>
      %dma_start3A_224 = tpu.memref_squeeze %dma_start3A_223 : memref<1x256x16xf32, #tpu.memory_space<vmem>> -> memref<256x16xf32, #tpu.memory_space<vmem>>
      %dma_start3A_225 = arith.constant 0 : i32
      %dma_start3A_226 = tpu.memref_slice %arg5[%dma_start3A_218, %dma_start3A_219, %dma_start3A_225] : memref<2x2x256xi32, #tpu.memory_space<vmem>> -> memref<1x1x256xi32, #tpu.memory_space<vmem>>
      %dma_start3A_227 = tpu.memref_squeeze %dma_start3A_226 : memref<1x1x256xi32, #tpu.memory_space<vmem>> -> memref<256xi32, #tpu.memory_space<vmem>>
      %dma_start3A_228 = arith.constant 0 : i32
      %dma_start3A_229 = arith.constant 0 : i32
      %dma_start3A_230 = tpu.memref_slice %arg3[%dma_start3A_228, %dma_start3A_229] : memref<110000x16xf32, #tpu.memory_space<hbm>> -> memref<110000x16xf32, #tpu.memory_space<hbm>>
      tpu.enqueue_indirect_dma source(%dma_start3A_230 : memref<110000x16xf32, #tpu.memory_space<hbm>>) target(%dma_start3A_224 : memref<256x16xf32, #tpu.memory_space<vmem>>) offsets(%dma_start3A_227 : memref<256xi32, #tpu.memory_space<vmem>>) semaphore(%arg16 : memref<!tpu.dma_semaphore, #tpu.memory_space<semaphore_mem>>)
      %run_scoped3A = arith.constant 0 : i32
      %run_scoped3A_231 = arith.constant 0 : i32
      "tpu.region"() ({
        %run_scoped3A_314 = tpu.sem_alloc : memref<!tpu.dma_semaphore, #tpu.memory_space<semaphore_mem>>
        %dma_start3A_315 = arith.constant 0 : i32
        %dma_start3A_316 = arith.constant 0 : i32
        %dma_start3A_317 = tpu.memref_slice %arg7[%run_scoped3A, %dma_start3A_315, %dma_start3A_316] : memref<2x256x16xf32, #tpu.memory_space<vmem>> -> memref<1x256x16xf32, #tpu.memory_space<vmem>>
        %dma_start3A_318 = tpu.memref_squeeze %dma_start3A_317 : memref<1x256x16xf32, #tpu.memory_space<vmem>> -> memref<256x16xf32, #tpu.memory_space<vmem>>
        %dma_start3A_319 = arith.constant 0 : i32
        %dma_start3A_320 = tpu.memref_slice %arg6[%run_scoped3A_231, %dma_start3A_319] : memref<2x256xi32, #tpu.memory_space<vmem>> -> memref<1x256xi32, #tpu.memory_space<vmem>>
        %dma_start3A_321 = tpu.memref_squeeze %dma_start3A_320 : memref<1x256xi32, #tpu.memory_space<vmem>> -> memref<256xi32, #tpu.memory_space<vmem>>
        %dma_start3A_322 = arith.constant 0 : i32
        %dma_start3A_323 = arith.constant 0 : i32
        %dma_start3A_324 = tpu.memref_slice %arg11[%dma_start3A_322, %dma_start3A_323] : memref<55040x16xf32, #tpu.memory_space<vmem_shared>> -> memref<55040x16xf32, #tpu.memory_space<vmem_shared>>
        tpu.enqueue_indirect_dma source(%dma_start3A_318 : memref<256x16xf32, #tpu.memory_space<vmem>>) target(%dma_start3A_324 : memref<55040x16xf32, #tpu.memory_space<vmem_shared>>) offsets(%dma_start3A_321 : memref<256xi32, #tpu.memory_space<vmem>>) semaphore(%run_scoped3A_314 : memref<!tpu.dma_semaphore, #tpu.memory_space<semaphore_mem>>) {add = true}
        %dma_wait3A_325 = arith.constant 0 : i32
        %dma_wait3A_326 = arith.constant 0 : i32
        %dma_wait3A_327 = tpu.memref_slice %arg7[%run_scoped3A, %dma_wait3A_325, %dma_wait3A_326] : memref<2x256x16xf32, #tpu.memory_space<vmem>> -> memref<1x256x16xf32, #tpu.memory_space<vmem>>
        %dma_wait3A_328 = tpu.memref_squeeze %dma_wait3A_327 : memref<1x256x16xf32, #tpu.memory_space<vmem>> -> memref<256x16xf32, #tpu.memory_space<vmem>>
        %dma_wait3A_329 = arith.constant 0 : i32
        %dma_wait3A_330 = tpu.memref_slice %arg6[%run_scoped3A_231, %dma_wait3A_329] : memref<2x256xi32, #tpu.memory_space<vmem>> -> memref<1x256xi32, #tpu.memory_space<vmem>>
        %dma_wait3A_331 = tpu.memref_squeeze %dma_wait3A_330 : memref<1x256xi32, #tpu.memory_space<vmem>> -> memref<256xi32, #tpu.memory_space<vmem>>
        %dma_wait3A_332 = arith.constant 0 : i32
        %dma_wait3A_333 = arith.constant 0 : i32
        %dma_wait3A_334 = tpu.memref_slice %arg11[%dma_wait3A_332, %dma_wait3A_333] : memref<55040x16xf32, #tpu.memory_space<vmem_shared>> -> memref<55040x16xf32, #tpu.memory_space<vmem_shared>>
        tpu.wait_indirect_dma semaphore(%run_scoped3A_314 : memref<!tpu.dma_semaphore, #tpu.memory_space<semaphore_mem>>) src(%dma_wait3A_328 : memref<256x16xf32, #tpu.memory_space<vmem>>) dst(%dma_wait3A_334 : memref<55040x16xf32, #tpu.memory_space<vmem_shared>>)
        tpu.yield
      }) : () -> ()
      %run_scoped3A_232 = arith.constant 0 : i32
      "tpu.region"() ({
        %run_scoped3A_314 = tpu.sem_alloc : memref<!tpu.dma_semaphore, #tpu.memory_space<semaphore_mem>>
        %dma_start3A_315 = arith.constant 0 : i32
        %dma_start3A_316 = tpu.memref_slice %arg6[%run_scoped3A_232, %dma_start3A_315] : memref<2x256xi32, #tpu.memory_space<vmem>> -> memref<1x256xi32, #tpu.memory_space<vmem>>
        %dma_start3A_317 = tpu.memref_squeeze %dma_start3A_316 : memref<1x256xi32, #tpu.memory_space<vmem>> -> memref<256xi32, #tpu.memory_space<vmem>>
        %dma_start3A_318 = arith.constant 0 : i32
        %dma_start3A_319 = tpu.memref_slice %arg12[%dma_start3A_318] : memref<55040xf32, #tpu.memory_space<vmem_shared>> -> memref<55040xf32, #tpu.memory_space<vmem_shared>>
        tpu.enqueue_indirect_dma source(%arg8 : memref<256xf32, #tpu.memory_space<vmem>>) target(%dma_start3A_319 : memref<55040xf32, #tpu.memory_space<vmem_shared>>) offsets(%dma_start3A_317 : memref<256xi32, #tpu.memory_space<vmem>>) semaphore(%run_scoped3A_314 : memref<!tpu.dma_semaphore, #tpu.memory_space<semaphore_mem>>) {add = true}
        %dma_wait3A_320 = arith.constant 0 : i32
        %dma_wait3A_321 = tpu.memref_slice %arg6[%run_scoped3A_232, %dma_wait3A_320] : memref<2x256xi32, #tpu.memory_space<vmem>> -> memref<1x256xi32, #tpu.memory_space<vmem>>
        %dma_wait3A_322 = tpu.memref_squeeze %dma_wait3A_321 : memref<1x256xi32, #tpu.memory_space<vmem>> -> memref<256xi32, #tpu.memory_space<vmem>>
        %dma_wait3A_323 = arith.constant 0 : i32
        %dma_wait3A_324 = tpu.memref_slice %arg12[%dma_wait3A_323] : memref<55040xf32, #tpu.memory_space<vmem_shared>> -> memref<55040xf32, #tpu.memory_space<vmem_shared>>
        tpu.wait_indirect_dma semaphore(%run_scoped3A_314 : memref<!tpu.dma_semaphore, #tpu.memory_space<semaphore_mem>>) src(%arg8 : memref<256xf32, #tpu.memory_space<vmem>>) dst(%dma_wait3A_324 : memref<55040xf32, #tpu.memory_space<vmem_shared>>)
        tpu.yield
      }) : () -> ()
      %mul3A_233 = arith.constant 2 : i32
      %mul3A_234 = arith.muli %mul3A_233, %scan3A_154 : i32
      %add3A_235 = arith.constant 1 : i32
      %add3A_236 = arith.addi %mul3A_234, %add3A_235 : i32
      %dma_wait3A_237 = arith.constant 1 : i32
      %dma_wait3A_238 = arith.constant 0 : i32
      %dma_wait3A_239 = arith.constant 1 : i32
      %dma_wait3A_240 = arith.constant 0 : i32
      %dma_wait3A_241 = arith.constant 0 : i32
      %dma_wait3A_242 = tpu.memref_slice %arg7[%dma_wait3A_239, %dma_wait3A_240, %dma_wait3A_241] : memref<2x256x16xf32, #tpu.memory_space<vmem>> -> memref<1x256x16xf32, #tpu.memory_space<vmem>>
      %dma_wait3A_243 = tpu.memref_squeeze %dma_wait3A_242 : memref<1x256x16xf32, #tpu.memory_space<vmem>> -> memref<256x16xf32, #tpu.memory_space<vmem>>
      %dma_wait3A_244 = arith.constant 0 : i32
      %dma_wait3A_245 = tpu.memref_slice %arg5[%dma_wait3A_237, %dma_wait3A_238, %dma_wait3A_244] : memref<2x2x256xi32, #tpu.memory_space<vmem>> -> memref<1x1x256xi32, #tpu.memory_space<vmem>>
      %dma_wait3A_246 = tpu.memref_squeeze %dma_wait3A_245 : memref<1x1x256xi32, #tpu.memory_space<vmem>> -> memref<256xi32, #tpu.memory_space<vmem>>
      %dma_wait3A_247 = arith.constant 0 : i32
      %dma_wait3A_248 = arith.constant 0 : i32
      %dma_wait3A_249 = tpu.memref_slice %arg3[%dma_wait3A_247, %dma_wait3A_248] : memref<110000x16xf32, #tpu.memory_space<hbm>> -> memref<110000x16xf32, #tpu.memory_space<hbm>>
      tpu.wait_indirect_dma semaphore(%arg16 : memref<!tpu.dma_semaphore, #tpu.memory_space<semaphore_mem>>) src(%dma_wait3A_249 : memref<110000x16xf32, #tpu.memory_space<hbm>>) dst(%dma_wait3A_243 : memref<256x16xf32, #tpu.memory_space<vmem>>)
      %scan3A_250 = arith.constant 0 : i32
      %scan3A_251 = arith.constant 0 : i32
      %scan3A_252 = arith.constant 16 : i32
      %scan3A_253 = arith.addi %scan3A_251, %scan3A_252 : i32
      %scan3A_254 = arith.constant 1 : i32
      %scan3A_255 = scf.for %scan3A_314 = %scan3A_251 to %scan3A_253 step %scan3A_254 iter_args(%scan3A_315 = %scan3A_250) -> (i32)  : i32 {
        %mul3A_316 = arith.constant 16 : i32
        %mul3A_317 = arith.muli %scan3A_314, %mul3A_316 : i32
        %get3A = arith.constant 1 : i32
        %get3A_318 = arith.constant 1 : i32
        %get3A_319 = arith.index_cast %get3A : i32 to index
        %get3A_320 = arith.index_cast %get3A_318 : i32 to index
        %get3A_321 = arith.index_cast %mul3A_317 : i32 to index
        %get3A_322 = tpu.vector_load %arg5[%get3A_319, %get3A_320, %get3A_321] {strides = array<i32>} : memref<2x2x256xi32, #tpu.memory_space<vmem>>, vector<16xi32>,
        %sub3A = vector.broadcast %mul3A_24 : i32 to vector<16xi32>
        %sub3A_323 = arith.subi %get3A_322, %sub3A : vector<16xi32>
        %ge3A = arith.constant 0 : i32
        %ge3A_324 = vector.broadcast %ge3A : i32 to vector<16xi32>
        %ge3A_325 = arith.cmpi sge, %sub3A_323, %ge3A_324 : vector<16xi32>
        %lt3A_326 = arith.constant 55000 : i32
        %lt3A_327 = vector.broadcast %lt3A_326 : i32 to vector<16xi32>
        %lt3A_328 = arith.cmpi slt, %sub3A_323, %lt3A_327 : vector<16xi32>
        %and3A = arith.andi %ge3A_325, %lt3A_328 : vector<16xi1>
        %add3A_329 = arith.constant 55000 : i32
        %add3A_330 = vector.broadcast %add3A_329 : i32 to vector<16xi32>
        %add3A_331 = arith.addi %add3A_330, %iota3A : vector<16xi32>
        %select_n3A = arith.select %and3A, %sub3A_323, %add3A_331 : vector<16xi1>, vector<16xi32>
        %mul3A_332 = arith.constant 16 : i32
        %mul3A_333 = arith.muli %scan3A_314, %mul3A_332 : i32
        %swap3A = arith.constant 1 : i32
        %swap3A_334 = arith.index_cast %swap3A : i32 to index
        %swap3A_335 = arith.index_cast %mul3A_333 : i32 to index
        %swap3A_336 = tpu.vector_load %arg6[%swap3A_334, %swap3A_335] {strides = array<i32>} : memref<2x256xi32, #tpu.memory_space<vmem>>, vector<16xi32>,
        tpu.vector_store %arg6[%swap3A_334, %swap3A_335], %select_n3A {strides = array<i32>} : memref<2x256xi32, #tpu.memory_space<vmem>>, vector<16xi32>,
        %scan3A_337 = arith.constant 0 : i32
        scf.yield %scan3A_337 : i32
      }
      %scan3A_256 = arith.constant 16 : i32
      %add3A_257 = arith.addi %mul3A_26, %add3A_236 : i32
      %add3A_258 = arith.constant 2 : i32
      %add3A_259 = arith.addi %add3A_257, %add3A_258 : i32
      %dma_start3A_260 = arith.constant 1 : i32
      %dma_start3A_261 = arith.constant 0 : i32
      %dma_start3A_262 = arith.constant 0 : i32
      %dma_start3A_263 = tpu.memref_slice %arg5[%dma_start3A_260, %dma_start3A_261, %dma_start3A_262] : memref<2x2x256xi32, #tpu.memory_space<vmem>> -> memref<1x2x256xi32, #tpu.memory_space<vmem>>
      %dma_start3A_264 = tpu.memref_squeeze %dma_start3A_263 : memref<1x2x256xi32, #tpu.memory_space<vmem>> -> memref<2x256xi32, #tpu.memory_space<vmem>>
      %dma_start3A_265 = arith.constant 0 : i32
      %dma_start3A_266 = arith.constant 0 : i32
      %dma_start3A_267 = tpu.memref_slice %arg2[%add3A_259, %dma_start3A_265, %dma_start3A_266] : memref<2562x2x256xi32, #tpu.memory_space<hbm>> -> memref<1x2x256xi32, #tpu.memory_space<hbm>>
      %dma_start3A_268 = tpu.memref_squeeze %dma_start3A_267 : memref<1x2x256xi32, #tpu.memory_space<hbm>> -> memref<2x256xi32, #tpu.memory_space<hbm>>
      %dma_start3A_269 = arith.constant 0 : i32
      %dma_start3A_270 = arith.constant 0 : i32
      %dma_start3A_271 = tpu.memref_slice %arg5[%dma_start3A_260, %dma_start3A_269, %dma_start3A_270] : memref<2x2x256xi32, #tpu.memory_space<vmem>> -> memref<1x2x256xi32, #tpu.memory_space<vmem>>
      %dma_start3A_272 = tpu.memref_squeeze %dma_start3A_271 : memref<1x2x256xi32, #tpu.memory_space<vmem>> -> memref<2x256xi32, #tpu.memory_space<vmem>>
      %dma_start3A_273 = arith.constant 0 : i32
      %dma_start3A_274 = arith.constant 0 : i32
      %dma_start3A_275 = tpu.memref_slice %arg2[%add3A_259, %dma_start3A_273, %dma_start3A_274] : memref<2562x2x256xi32, #tpu.memory_space<hbm>> -> memref<1x2x256xi32, #tpu.memory_space<hbm>>
      %dma_start3A_276 = tpu.memref_squeeze %dma_start3A_275 : memref<1x2x256xi32, #tpu.memory_space<hbm>> -> memref<2x256xi32, #tpu.memory_space<hbm>>
      tpu.enqueue_dma source(%dma_start3A_276 : memref<2x256xi32, #tpu.memory_space<hbm>>) target(%dma_start3A_272 : memref<2x256xi32, #tpu.memory_space<vmem>>) target_semaphore(%arg14 : memref<!tpu.dma_semaphore, #tpu.memory_space<semaphore_mem>>)
      %add3A_277 = arith.addi %mul3A_26, %add3A_236 : i32
      %add3A_278 = arith.constant 1 : i32
      %add3A_279 = arith.addi %add3A_277, %add3A_278 : i32
      %dma_wait3A_280 = arith.constant 0 : i32
      %dma_wait3A_281 = arith.constant 0 : i32
      %dma_wait3A_282 = arith.constant 0 : i32
      %dma_wait3A_283 = tpu.memref_slice %arg5[%dma_wait3A_280, %dma_wait3A_281, %dma_wait3A_282] : memref<2x2x256xi32, #tpu.memory_space<vmem>> -> memref<1x2x256xi32, #tpu.memory_space<vmem>>
      %dma_wait3A_284 = tpu.memref_squeeze %dma_wait3A_283 : memref<1x2x256xi32, #tpu.memory_space<vmem>> -> memref<2x256xi32, #tpu.memory_space<vmem>>
      %dma_wait3A_285 = arith.constant 0 : i32
      %dma_wait3A_286 = arith.constant 0 : i32
      %dma_wait3A_287 = tpu.memref_slice %arg2[%add3A_279, %dma_wait3A_285, %dma_wait3A_286] : memref<2562x2x256xi32, #tpu.memory_space<hbm>> -> memref<1x2x256xi32, #tpu.memory_space<hbm>>
      %dma_wait3A_288 = tpu.memref_squeeze %dma_wait3A_287 : memref<1x2x256xi32, #tpu.memory_space<hbm>> -> memref<2x256xi32, #tpu.memory_space<hbm>>
      %dma_wait3A_289 = arith.constant 0 : i32
      %dma_wait3A_290 = arith.constant 0 : i32
      %dma_wait3A_291 = tpu.memref_slice %arg5[%dma_wait3A_280, %dma_wait3A_289, %dma_wait3A_290] : memref<2x2x256xi32, #tpu.memory_space<vmem>> -> memref<1x2x256xi32, #tpu.memory_space<vmem>>
      %dma_wait3A_292 = tpu.memref_squeeze %dma_wait3A_291 : memref<1x2x256xi32, #tpu.memory_space<vmem>> -> memref<2x256xi32, #tpu.memory_space<vmem>>
      %dma_wait3A_293 = arith.constant 0 : i32
      %dma_wait3A_294 = arith.constant 0 : i32
      %dma_wait3A_295 = tpu.memref_slice %arg2[%add3A_279, %dma_wait3A_293, %dma_wait3A_294] : memref<2562x2x256xi32, #tpu.memory_space<hbm>> -> memref<1x2x256xi32, #tpu.memory_space<hbm>>
      %dma_wait3A_296 = tpu.memref_squeeze %dma_wait3A_295 : memref<1x2x256xi32, #tpu.memory_space<hbm>> -> memref<2x256xi32, #tpu.memory_space<hbm>>
      tpu.wait_dma2 semaphore(%arg13 : memref<!tpu.dma_semaphore, #tpu.memory_space<semaphore_mem>>) src(%dma_wait3A_296 : memref<2x256xi32, #tpu.memory_space<hbm>>) dst(%dma_wait3A_292 : memref<2x256xi32, #tpu.memory_space<vmem>>)
      %dma_start3A_297 = arith.constant 0 : i32
      %dma_start3A_298 = arith.constant 0 : i32
      %dma_start3A_299 = arith.constant 0 : i32
      %dma_start3A_300 = arith.constant 0 : i32
      %dma_start3A_301 = arith.constant 0 : i32
      %dma_start3A_302 = tpu.memref_slice %arg7[%dma_start3A_299, %dma_start3A_300, %dma_start3A_301] : memref<2x256x16xf32, #tpu.memory_space<vmem>> -> memref<1x256x16xf32, #tpu.memory_space<vmem>>
      %dma_start3A_303 = tpu.memref_squeeze %dma_start3A_302 : memref<1x256x16xf32, #tpu.memory_space<vmem>> -> memref<256x16xf32, #tpu.memory_space<vmem>>
      %dma_start3A_304 = arith.constant 0 : i32
      %dma_start3A_305 = tpu.memref_slice %arg5[%dma_start3A_297, %dma_start3A_298, %dma_start3A_304] : memref<2x2x256xi32, #tpu.memory_space<vmem>> -> memref<1x1x256xi32, #tpu.memory_space<vmem>>
      %dma_start3A_306 = tpu.memref_squeeze %dma_start3A_305 : memref<1x1x256xi32, #tpu.memory_space<vmem>> -> memref<256xi32, #tpu.memory_space<vmem>>
      %dma_start3A_307 = arith.constant 0 : i32
      %dma_start3A_308 = arith.constant 0 : i32
      %dma_start3A_309 = tpu.memref_slice %arg3[%dma_start3A_307, %dma_start3A_308] : memref<110000x16xf32, #tpu.memory_space<hbm>> -> memref<110000x16xf32, #tpu.memory_space<hbm>>
      tpu.enqueue_indirect_dma source(%dma_start3A_309 : memref<110000x16xf32, #tpu.memory_space<hbm>>) target(%dma_start3A_303 : memref<256x16xf32, #tpu.memory_space<vmem>>) offsets(%dma_start3A_306 : memref<256xi32, #tpu.memory_space<vmem>>) semaphore(%arg15 : memref<!tpu.dma_semaphore, #tpu.memory_space<semaphore_mem>>)
      %run_scoped3A_310 = arith.constant 1 : i32
      %run_scoped3A_311 = arith.constant 1 : i32
      "tpu.region"() ({
        %run_scoped3A_314 = tpu.sem_alloc : memref<!tpu.dma_semaphore, #tpu.memory_space<semaphore_mem>>
        %dma_start3A_315 = arith.constant 0 : i32
        %dma_start3A_316 = arith.constant 0 : i32
        %dma_start3A_317 = tpu.memref_slice %arg7[%run_scoped3A_310, %dma_start3A_315, %dma_start3A_316] : memref<2x256x16xf32, #tpu.memory_space<vmem>> -> memref<1x256x16xf32, #tpu.memory_space<vmem>>
        %dma_start3A_318 = tpu.memref_squeeze %dma_start3A_317 : memref<1x256x16xf32, #tpu.memory_space<vmem>> -> memref<256x16xf32, #tpu.memory_space<vmem>>
        %dma_start3A_319 = arith.constant 0 : i32
        %dma_start3A_320 = tpu.memref_slice %arg6[%run_scoped3A_311, %dma_start3A_319] : memref<2x256xi32, #tpu.memory_space<vmem>> -> memref<1x256xi32, #tpu.memory_space<vmem>>
        %dma_start3A_321 = tpu.memref_squeeze %dma_start3A_320 : memref<1x256xi32, #tpu.memory_space<vmem>> -> memref<256xi32, #tpu.memory_space<vmem>>
        %dma_start3A_322 = arith.constant 0 : i32
        %dma_start3A_323 = arith.constant 0 : i32
        %dma_start3A_324 = tpu.memref_slice %arg11[%dma_start3A_322, %dma_start3A_323] : memref<55040x16xf32, #tpu.memory_space<vmem_shared>> -> memref<55040x16xf32, #tpu.memory_space<vmem_shared>>
        tpu.enqueue_indirect_dma source(%dma_start3A_318 : memref<256x16xf32, #tpu.memory_space<vmem>>) target(%dma_start3A_324 : memref<55040x16xf32, #tpu.memory_space<vmem_shared>>) offsets(%dma_start3A_321 : memref<256xi32, #tpu.memory_space<vmem>>) semaphore(%run_scoped3A_314 : memref<!tpu.dma_semaphore, #tpu.memory_space<semaphore_mem>>) {add = true}
        %dma_wait3A_325 = arith.constant 0 : i32
        %dma_wait3A_326 = arith.constant 0 : i32
        %dma_wait3A_327 = tpu.memref_slice %arg7[%run_scoped3A_310, %dma_wait3A_325, %dma_wait3A_326] : memref<2x256x16xf32, #tpu.memory_space<vmem>> -> memref<1x256x16xf32, #tpu.memory_space<vmem>>
        %dma_wait3A_328 = tpu.memref_squeeze %dma_wait3A_327 : memref<1x256x16xf32, #tpu.memory_space<vmem>> -> memref<256x16xf32, #tpu.memory_space<vmem>>
        %dma_wait3A_329 = arith.constant 0 : i32
        %dma_wait3A_330 = tpu.memref_slice %arg6[%run_scoped3A_311, %dma_wait3A_329] : memref<2x256xi32, #tpu.memory_space<vmem>> -> memref<1x256xi32, #tpu.memory_space<vmem>>
        %dma_wait3A_331 = tpu.memref_squeeze %dma_wait3A_330 : memref<1x256xi32, #tpu.memory_space<vmem>> -> memref<256xi32, #tpu.memory_space<vmem>>
        %dma_wait3A_332 = arith.constant 0 : i32
        %dma_wait3A_333 = arith.constant 0 : i32
        %dma_wait3A_334 = tpu.memref_slice %arg11[%dma_wait3A_332, %dma_wait3A_333] : memref<55040x16xf32, #tpu.memory_space<vmem_shared>> -> memref<55040x16xf32, #tpu.memory_space<vmem_shared>>
        tpu.wait_indirect_dma semaphore(%run_scoped3A_314 : memref<!tpu.dma_semaphore, #tpu.memory_space<semaphore_mem>>) src(%dma_wait3A_328 : memref<256x16xf32, #tpu.memory_space<vmem>>) dst(%dma_wait3A_334 : memref<55040x16xf32, #tpu.memory_space<vmem_shared>>)
        tpu.yield
      }) : () -> ()
      %run_scoped3A_312 = arith.constant 1 : i32
      "tpu.region"() ({
        %run_scoped3A_314 = tpu.sem_alloc : memref<!tpu.dma_semaphore, #tpu.memory_space<semaphore_mem>>
        %dma_start3A_315 = arith.constant 0 : i32
        %dma_start3A_316 = tpu.memref_slice %arg6[%run_scoped3A_312, %dma_start3A_315] : memref<2x256xi32, #tpu.memory_space<vmem>> -> memref<1x256xi32, #tpu.memory_space<vmem>>
        %dma_start3A_317 = tpu.memref_squeeze %dma_start3A_316 : memref<1x256xi32, #tpu.memory_space<vmem>> -> memref<256xi32, #tpu.memory_space<vmem>>
        %dma_start3A_318 = arith.constant 0 : i32
        %dma_start3A_319 = tpu.memref_slice %arg12[%dma_start3A_318] : memref<55040xf32, #tpu.memory_space<vmem_shared>> -> memref<55040xf32, #tpu.memory_space<vmem_shared>>
        tpu.enqueue_indirect_dma source(%arg8 : memref<256xf32, #tpu.memory_space<vmem>>) target(%dma_start3A_319 : memref<55040xf32, #tpu.memory_space<vmem_shared>>) offsets(%dma_start3A_317 : memref<256xi32, #tpu.memory_space<vmem>>) semaphore(%run_scoped3A_314 : memref<!tpu.dma_semaphore, #tpu.memory_space<semaphore_mem>>) {add = true}
        %dma_wait3A_320 = arith.constant 0 : i32
        %dma_wait3A_321 = tpu.memref_slice %arg6[%run_scoped3A_312, %dma_wait3A_320] : memref<2x256xi32, #tpu.memory_space<vmem>> -> memref<1x256xi32, #tpu.memory_space<vmem>>
        %dma_wait3A_322 = tpu.memref_squeeze %dma_wait3A_321 : memref<1x256xi32, #tpu.memory_space<vmem>> -> memref<256xi32, #tpu.memory_space<vmem>>
        %dma_wait3A_323 = arith.constant 0 : i32
        %dma_wait3A_324 = tpu.memref_slice %arg12[%dma_wait3A_323] : memref<55040xf32, #tpu.memory_space<vmem_shared>> -> memref<55040xf32, #tpu.memory_space<vmem_shared>>
        tpu.wait_indirect_dma semaphore(%run_scoped3A_314 : memref<!tpu.dma_semaphore, #tpu.memory_space<semaphore_mem>>) src(%arg8 : memref<256xf32, #tpu.memory_space<vmem>>) dst(%dma_wait3A_324 : memref<55040xf32, #tpu.memory_space<vmem_shared>>)
        tpu.yield
      }) : () -> ()
      %scan3A_313 = arith.constant 0 : i32
      scf.yield %scan3A_313 : i32
    }
    %scan3A_96 = arith.constant 80 : i32
    %dma_wait3A_97 = arith.constant 0 : i32
    %dma_wait3A_98 = arith.constant 0 : i32
    %dma_wait3A_99 = arith.constant 0 : i32
    %dma_wait3A_100 = arith.constant 0 : i32
    %dma_wait3A_101 = arith.constant 0 : i32
    %dma_wait3A_102 = tpu.memref_slice %arg7[%dma_wait3A_99, %dma_wait3A_100, %dma_wait3A_101] : memref<2x256x16xf32, #tpu.memory_space<vmem>> -> memref<1x256x16xf32, #tpu.memory_space<vmem>>
    %dma_wait3A_103 = tpu.memref_squeeze %dma_wait3A_102 : memref<1x256x16xf32, #tpu.memory_space<vmem>> -> memref<256x16xf32, #tpu.memory_space<vmem>>
    %dma_wait3A_104 = arith.constant 0 : i32
    %dma_wait3A_105 = tpu.memref_slice %arg5[%dma_wait3A_97, %dma_wait3A_98, %dma_wait3A_104] : memref<2x2x256xi32, #tpu.memory_space<vmem>> -> memref<1x1x256xi32, #tpu.memory_space<vmem>>
    %dma_wait3A_106 = tpu.memref_squeeze %dma_wait3A_105 : memref<1x1x256xi32, #tpu.memory_space<vmem>> -> memref<256xi32, #tpu.memory_space<vmem>>
    %dma_wait3A_107 = arith.constant 0 : i32
    %dma_wait3A_108 = arith.constant 0 : i32
    %dma_wait3A_109 = tpu.memref_slice %arg3[%dma_wait3A_107, %dma_wait3A_108] : memref<110000x16xf32, #tpu.memory_space<hbm>> -> memref<110000x16xf32, #tpu.memory_space<hbm>>
    tpu.wait_indirect_dma semaphore(%arg15 : memref<!tpu.dma_semaphore, #tpu.memory_space<semaphore_mem>>) src(%dma_wait3A_109 : memref<110000x16xf32, #tpu.memory_space<hbm>>) dst(%dma_wait3A_103 : memref<256x16xf32, #tpu.memory_space<vmem>>)
    %add3A_110 = arith.constant 160 : i32
    %add3A_111 = arith.addi %mul3A_26, %add3A_110 : i32
    %add3A_112 = arith.constant 1 : i32
    %add3A_113 = arith.addi %add3A_111, %add3A_112 : i32
    %dma_wait3A_114 = arith.constant 1 : i32
    %dma_wait3A_115 = arith.constant 0 : i32
    %dma_wait3A_116 = arith.constant 0 : i32
    %dma_wait3A_117 = tpu.memref_slice %arg5[%dma_wait3A_114, %dma_wait3A_115, %dma_wait3A_116] : memref<2x2x256xi32, #tpu.memory_space<vmem>> -> memref<1x2x256xi32, #tpu.memory_space<vmem>>
    %dma_wait3A_118 = tpu.memref_squeeze %dma_wait3A_117 : memref<1x2x256xi32, #tpu.memory_space<vmem>> -> memref<2x256xi32, #tpu.memory_space<vmem>>
    %dma_wait3A_119 = arith.constant 0 : i32
    %dma_wait3A_120 = arith.constant 0 : i32
    %dma_wait3A_121 = tpu.memref_slice %arg2[%add3A_113, %dma_wait3A_119, %dma_wait3A_120] : memref<2562x2x256xi32, #tpu.memory_space<hbm>> -> memref<1x2x256xi32, #tpu.memory_space<hbm>>
    %dma_wait3A_122 = tpu.memref_squeeze %dma_wait3A_121 : memref<1x2x256xi32, #tpu.memory_space<hbm>> -> memref<2x256xi32, #tpu.memory_space<hbm>>
    %dma_wait3A_123 = arith.constant 0 : i32
    %dma_wait3A_124 = arith.constant 0 : i32
    %dma_wait3A_125 = tpu.memref_slice %arg5[%dma_wait3A_114, %dma_wait3A_123, %dma_wait3A_124] : memref<2x2x256xi32, #tpu.memory_space<vmem>> -> memref<1x2x256xi32, #tpu.memory_space<vmem>>
    %dma_wait3A_126 = tpu.memref_squeeze %dma_wait3A_125 : memref<1x2x256xi32, #tpu.memory_space<vmem>> -> memref<2x256xi32, #tpu.memory_space<vmem>>
    %dma_wait3A_127 = arith.constant 0 : i32
    %dma_wait3A_128 = arith.constant 0 : i32
    %dma_wait3A_129 = tpu.memref_slice %arg2[%add3A_113, %dma_wait3A_127, %dma_wait3A_128] : memref<2562x2x256xi32, #tpu.memory_space<hbm>> -> memref<1x2x256xi32, #tpu.memory_space<hbm>>
    %dma_wait3A_130 = tpu.memref_squeeze %dma_wait3A_129 : memref<1x2x256xi32, #tpu.memory_space<hbm>> -> memref<2x256xi32, #tpu.memory_space<hbm>>
    tpu.wait_dma2 semaphore(%arg14 : memref<!tpu.dma_semaphore, #tpu.memory_space<semaphore_mem>>) src(%dma_wait3A_130 : memref<2x256xi32, #tpu.memory_space<hbm>>) dst(%dma_wait3A_126 : memref<2x256xi32, #tpu.memory_space<vmem>>)
    %barrier3A_131 = arith.constant 0 : index
    tpu.barrier barrier_id(%barrier3A_131)
    %mul3A_132 = arith.constant 3440 : i32
    %mul3A_133 = arith.muli %arg1, %mul3A_132 : i32
    "tpu.region"() ({
      %run_scoped3A = tpu.sem_alloc : memref<!tpu.dma_semaphore, #tpu.memory_space<semaphore_mem>>
      %dma_start3A_154 = arith.constant 0 : i32
      %dma_start3A_155 = tpu.memref_slice %arg11[%mul3A_133, %dma_start3A_154] : memref<55040x16xf32, #tpu.memory_space<vmem_shared>> -> memref<3440x16xf32, #tpu.memory_space<vmem_shared>>
      %dma_start3A_156 = arith.constant 0 : i32
      %dma_start3A_157 = tpu.memref_slice %arg11[%mul3A_133, %dma_start3A_156] : memref<55040x16xf32, #tpu.memory_space<vmem_shared>> -> memref<3440x16xf32, #tpu.memory_space<vmem_shared>>
      tpu.enqueue_dma source(%dma_start3A_157 : memref<3440x16xf32, #tpu.memory_space<vmem_shared>>) target(%arg9 : memref<3440x16xf32, #tpu.memory_space<vmem>>) target_semaphore(%run_scoped3A : memref<!tpu.dma_semaphore, #tpu.memory_space<semaphore_mem>>)
      %dma_wait3A_158 = arith.constant 0 : i32
      %dma_wait3A_159 = tpu.memref_slice %arg11[%mul3A_133, %dma_wait3A_158] : memref<55040x16xf32, #tpu.memory_space<vmem_shared>> -> memref<3440x16xf32, #tpu.memory_space<vmem_shared>>
      %dma_wait3A_160 = arith.constant 0 : i32
      %dma_wait3A_161 = tpu.memref_slice %arg11[%mul3A_133, %dma_wait3A_160] : memref<55040x16xf32, #tpu.memory_space<vmem_shared>> -> memref<3440x16xf32, #tpu.memory_space<vmem_shared>>
      tpu.wait_dma2 semaphore(%run_scoped3A : memref<!tpu.dma_semaphore, #tpu.memory_space<semaphore_mem>>) src(%dma_wait3A_161 : memref<3440x16xf32, #tpu.memory_space<vmem_shared>>) dst(%arg9 : memref<3440x16xf32, #tpu.memory_space<vmem>>)
      tpu.yield
    }) : () -> ()
    %mul3A_134 = arith.constant 3440 : i32
    %mul3A_135 = arith.muli %arg1, %mul3A_134 : i32
    "tpu.region"() ({
      %run_scoped3A = tpu.sem_alloc : memref<!tpu.dma_semaphore, #tpu.memory_space<semaphore_mem>>
      %dma_start3A_154 = tpu.memref_slice %arg12[%mul3A_135] : memref<55040xf32, #tpu.memory_space<vmem_shared>> -> memref<3440xf32, #tpu.memory_space<vmem_shared>>
      %dma_start3A_155 = tpu.memref_slice %arg12[%mul3A_135] : memref<55040xf32, #tpu.memory_space<vmem_shared>> -> memref<3440xf32, #tpu.memory_space<vmem_shared>>
      tpu.enqueue_dma source(%dma_start3A_155 : memref<3440xf32, #tpu.memory_space<vmem_shared>>) target(%arg10 : memref<3440xf32, #tpu.memory_space<vmem>>) target_semaphore(%run_scoped3A : memref<!tpu.dma_semaphore, #tpu.memory_space<semaphore_mem>>)
      %dma_wait3A_156 = tpu.memref_slice %arg12[%mul3A_135] : memref<55040xf32, #tpu.memory_space<vmem_shared>> -> memref<3440xf32, #tpu.memory_space<vmem_shared>>
      %dma_wait3A_157 = tpu.memref_slice %arg12[%mul3A_135] : memref<55040xf32, #tpu.memory_space<vmem_shared>> -> memref<3440xf32, #tpu.memory_space<vmem_shared>>
      tpu.wait_dma2 semaphore(%run_scoped3A : memref<!tpu.dma_semaphore, #tpu.memory_space<semaphore_mem>>) src(%dma_wait3A_157 : memref<3440xf32, #tpu.memory_space<vmem_shared>>) dst(%arg10 : memref<3440xf32, #tpu.memory_space<vmem>>)
      tpu.yield
    }) : () -> ()
    %scan3A_136 = arith.constant 0 : i32
    %scan3A_137 = arith.constant 0 : i32
    %scan3A_138 = arith.constant 215 : i32
    %scan3A_139 = arith.addi %scan3A_137, %scan3A_138 : i32
    %scan3A_140 = arith.constant 1 : i32
    %scan3A_141 = scf.for %scan3A_154 = %scan3A_137 to %scan3A_139 step %scan3A_140 iter_args(%scan3A_155 = %scan3A_136) -> (i32)  : i32 {
      %mul3A_156 = arith.constant 16 : i32
      %mul3A_157 = arith.muli %scan3A_154, %mul3A_156 : i32
      %get3A = arith.index_cast %mul3A_157 : i32 to index
      %get3A_158 = tpu.vector_load %arg10[%get3A] {strides = array<i32>} : memref<3440xf32, #tpu.memory_space<vmem>>, vector<16xf32>,
      %max3A = arith.constant 1.000000e+00 : f32
      %max3A_159 = vector.broadcast %max3A : f32 to vector<16xf32>
      %max3A_160 = arith.maximumf %get3A_158, %max3A_159 : vector<16xf32>
      %div3A = arith.constant 1.000000e+00 : f32
      %div3A_161 = vector.broadcast %div3A : f32 to vector<16xf32>
      %div3A_162 = arith.divf %div3A_161, %max3A_160 : vector<16xf32>
      %mul3A_163 = arith.constant 16 : i32
      %mul3A_164 = arith.muli %scan3A_154, %mul3A_163 : i32
      %add3A_165 = arith.constant 0 : i32
      %add3A_166 = arith.addi %mul3A_164, %add3A_165 : i32
      %get3A_167 = arith.index_cast %add3A_166 : i32 to index
      %get3A_168 = arith.constant 0 : index
      %get3A_169 = tpu.vector_load %arg9[%get3A_167, %get3A_168] {strides = array<i32>} : memref<3440x16xf32, #tpu.memory_space<vmem>>, vector<16xf32>,
      %slice3A = vector.extract_strided_slice %div3A_162 {offsets = [0], sizes = [1], strides = [1]} : vector<16xf32> to vector<1xf32>
      %squeeze3A = vector.extract %slice3A[0] : f32 from vector<1xf32>
      %mul3A_170 = vector.broadcast %squeeze3A : f32 to vector<16xf32>
      %mul3A_171 = arith.mulf %get3A_169, %mul3A_170 : vector<16xf32>
      %swap3A = arith.index_cast %add3A_166 : i32 to index
      %swap3A_172 = arith.constant 0 : index
      %swap3A_173 = tpu.vector_load %arg9[%swap3A, %swap3A_172] {strides = array<i32>} : memref<3440x16xf32, #tpu.memory_space<vmem>>, vector<16xf32>,
      tpu.vector_store %arg9[%swap3A, %swap3A_172], %mul3A_171 {strides = array<i32>} : memref<3440x16xf32, #tpu.memory_space<vmem>>, vector<16xf32>,
      %mul3A_174 = arith.constant 16 : i32
      %mul3A_175 = arith.muli %scan3A_154, %mul3A_174 : i32
      %add3A_176 = arith.constant 1 : i32
      %add3A_177 = arith.addi %mul3A_175, %add3A_176 : i32
      %get3A_178 = arith.index_cast %add3A_177 : i32 to index
      %get3A_179 = arith.constant 0 : index
      %get3A_180 = tpu.vector_load %arg9[%get3A_178, %get3A_179] {strides = array<i32>} : memref<3440x16xf32, #tpu.memory_space<vmem>>, vector<16xf32>,
      %slice3A_181 = vector.extract_strided_slice %div3A_162 {offsets = [1], sizes = [1], strides = [1]} : vector<16xf32> to vector<1xf32>
      %squeeze3A_182 = vector.extract %slice3A_181[0] : f32 from vector<1xf32>
      %mul3A_183 = vector.broadcast %squeeze3A_182 : f32 to vector<16xf32>
      %mul3A_184 = arith.mulf %get3A_180, %mul3A_183 : vector<16xf32>
      %swap3A_185 = arith.index_cast %add3A_177 : i32 to index
      %swap3A_186 = arith.constant 0 : index
      %swap3A_187 = tpu.vector_load %arg9[%swap3A_185, %swap3A_186] {strides = array<i32>} : memref<3440x16xf32, #tpu.memory_space<vmem>>, vector<16xf32>,
      tpu.vector_store %arg9[%swap3A_185, %swap3A_186], %mul3A_184 {strides = array<i32>} : memref<3440x16xf32, #tpu.memory_space<vmem>>, vector<16xf32>,
      %mul3A_188 = arith.constant 16 : i32
      %mul3A_189 = arith.muli %scan3A_154, %mul3A_188 : i32
      %add3A_190 = arith.constant 2 : i32
      %add3A_191 = arith.addi %mul3A_189, %add3A_190 : i32
      %get3A_192 = arith.index_cast %add3A_191 : i32 to index
      %get3A_193 = arith.constant 0 : index
      %get3A_194 = tpu.vector_load %arg9[%get3A_192, %get3A_193] {strides = array<i32>} : memref<3440x16xf32, #tpu.memory_space<vmem>>, vector<16xf32>,
      %slice3A_195 = vector.extract_strided_slice %div3A_162 {offsets = [2], sizes = [1], strides = [1]} : vector<16xf32> to vector<1xf32>
      %squeeze3A_196 = vector.extract %slice3A_195[0] : f32 from vector<1xf32>
      %mul3A_197 = vector.broadcast %squeeze3A_196 : f32 to vector<16xf32>
      %mul3A_198 = arith.mulf %get3A_194, %mul3A_197 : vector<16xf32>
      %swap3A_199 = arith.index_cast %add3A_191 : i32 to index
      %swap3A_200 = arith.constant 0 : index
      %swap3A_201 = tpu.vector_load %arg9[%swap3A_199, %swap3A_200] {strides = array<i32>} : memref<3440x16xf32, #tpu.memory_space<vmem>>, vector<16xf32>,
      tpu.vector_store %arg9[%swap3A_199, %swap3A_200], %mul3A_198 {strides = array<i32>} : memref<3440x16xf32, #tpu.memory_space<vmem>>, vector<16xf32>,
      %mul3A_202 = arith.constant 16 : i32
      %mul3A_203 = arith.muli %scan3A_154, %mul3A_202 : i32
      %add3A_204 = arith.constant 3 : i32
      %add3A_205 = arith.addi %mul3A_203, %add3A_204 : i32
      %get3A_206 = arith.index_cast %add3A_205 : i32 to index
      %get3A_207 = arith.constant 0 : index
      %get3A_208 = tpu.vector_load %arg9[%get3A_206, %get3A_207] {strides = array<i32>} : memref<3440x16xf32, #tpu.memory_space<vmem>>, vector<16xf32>,
      %slice3A_209 = vector.extract_strided_slice %div3A_162 {offsets = [3], sizes = [1], strides = [1]} : vector<16xf32> to vector<1xf32>
      %squeeze3A_210 = vector.extract %slice3A_209[0] : f32 from vector<1xf32>
      %mul3A_211 = vector.broadcast %squeeze3A_210 : f32 to vector<16xf32>
      %mul3A_212 = arith.mulf %get3A_208, %mul3A_211 : vector<16xf32>
      %swap3A_213 = arith.index_cast %add3A_205 : i32 to index
      %swap3A_214 = arith.constant 0 : index
      %swap3A_215 = tpu.vector_load %arg9[%swap3A_213, %swap3A_214] {strides = array<i32>} : memref<3440x16xf32, #tpu.memory_space<vmem>>, vector<16xf32>,
      tpu.vector_store %arg9[%swap3A_213, %swap3A_214], %mul3A_212 {strides = array<i32>} : memref<3440x16xf32, #tpu.memory_space<vmem>>, vector<16xf32>,
      %mul3A_216 = arith.constant 16 : i32
      %mul3A_217 = arith.muli %scan3A_154, %mul3A_216 : i32
      %add3A_218 = arith.constant 4 : i32
      %add3A_219 = arith.addi %mul3A_217, %add3A_218 : i32
      %get3A_220 = arith.index_cast %add3A_219 : i32 to index
      %get3A_221 = arith.constant 0 : index
      %get3A_222 = tpu.vector_load %arg9[%get3A_220, %get3A_221] {strides = array<i32>} : memref<3440x16xf32, #tpu.memory_space<vmem>>, vector<16xf32>,
      %slice3A_223 = vector.extract_strided_slice %div3A_162 {offsets = [4], sizes = [1], strides = [1]} : vector<16xf32> to vector<1xf32>
      %squeeze3A_224 = vector.extract %slice3A_223[0] : f32 from vector<1xf32>
      %mul3A_225 = vector.broadcast %squeeze3A_224 : f32 to vector<16xf32>
      %mul3A_226 = arith.mulf %get3A_222, %mul3A_225 : vector<16xf32>
      %swap3A_227 = arith.index_cast %add3A_219 : i32 to index
      %swap3A_228 = arith.constant 0 : index
      %swap3A_229 = tpu.vector_load %arg9[%swap3A_227, %swap3A_228] {strides = array<i32>} : memref<3440x16xf32, #tpu.memory_space<vmem>>, vector<16xf32>,
      tpu.vector_store %arg9[%swap3A_227, %swap3A_228], %mul3A_226 {strides = array<i32>} : memref<3440x16xf32, #tpu.memory_space<vmem>>, vector<16xf32>,
      %mul3A_230 = arith.constant 16 : i32
      %mul3A_231 = arith.muli %scan3A_154, %mul3A_230 : i32
      %add3A_232 = arith.constant 5 : i32
      %add3A_233 = arith.addi %mul3A_231, %add3A_232 : i32
      %get3A_234 = arith.index_cast %add3A_233 : i32 to index
      %get3A_235 = arith.constant 0 : index
      %get3A_236 = tpu.vector_load %arg9[%get3A_234, %get3A_235] {strides = array<i32>} : memref<3440x16xf32, #tpu.memory_space<vmem>>, vector<16xf32>,
      %slice3A_237 = vector.extract_strided_slice %div3A_162 {offsets = [5], sizes = [1], strides = [1]} : vector<16xf32> to vector<1xf32>
      %squeeze3A_238 = vector.extract %slice3A_237[0] : f32 from vector<1xf32>
      %mul3A_239 = vector.broadcast %squeeze3A_238 : f32 to vector<16xf32>
      %mul3A_240 = arith.mulf %get3A_236, %mul3A_239 : vector<16xf32>
      %swap3A_241 = arith.index_cast %add3A_233 : i32 to index
      %swap3A_242 = arith.constant 0 : index
      %swap3A_243 = tpu.vector_load %arg9[%swap3A_241, %swap3A_242] {strides = array<i32>} : memref<3440x16xf32, #tpu.memory_space<vmem>>, vector<16xf32>,
      tpu.vector_store %arg9[%swap3A_241, %swap3A_242], %mul3A_240 {strides = array<i32>} : memref<3440x16xf32, #tpu.memory_space<vmem>>, vector<16xf32>,
      %mul3A_244 = arith.constant 16 : i32
      %mul3A_245 = arith.muli %scan3A_154, %mul3A_244 : i32
      %add3A_246 = arith.constant 6 : i32
      %add3A_247 = arith.addi %mul3A_245, %add3A_246 : i32
      %get3A_248 = arith.index_cast %add3A_247 : i32 to index
      %get3A_249 = arith.constant 0 : index
      %get3A_250 = tpu.vector_load %arg9[%get3A_248, %get3A_249] {strides = array<i32>} : memref<3440x16xf32, #tpu.memory_space<vmem>>, vector<16xf32>,
      %slice3A_251 = vector.extract_strided_slice %div3A_162 {offsets = [6], sizes = [1], strides = [1]} : vector<16xf32> to vector<1xf32>
      %squeeze3A_252 = vector.extract %slice3A_251[0] : f32 from vector<1xf32>
      %mul3A_253 = vector.broadcast %squeeze3A_252 : f32 to vector<16xf32>
      %mul3A_254 = arith.mulf %get3A_250, %mul3A_253 : vector<16xf32>
      %swap3A_255 = arith.index_cast %add3A_247 : i32 to index
      %swap3A_256 = arith.constant 0 : index
      %swap3A_257 = tpu.vector_load %arg9[%swap3A_255, %swap3A_256] {strides = array<i32>} : memref<3440x16xf32, #tpu.memory_space<vmem>>, vector<16xf32>,
      tpu.vector_store %arg9[%swap3A_255, %swap3A_256], %mul3A_254 {strides = array<i32>} : memref<3440x16xf32, #tpu.memory_space<vmem>>, vector<16xf32>,
      %mul3A_258 = arith.constant 16 : i32
      %mul3A_259 = arith.muli %scan3A_154, %mul3A_258 : i32
      %add3A_260 = arith.constant 7 : i32
      %add3A_261 = arith.addi %mul3A_259, %add3A_260 : i32
      %get3A_262 = arith.index_cast %add3A_261 : i32 to index
      %get3A_263 = arith.constant 0 : index
      %get3A_264 = tpu.vector_load %arg9[%get3A_262, %get3A_263] {strides = array<i32>} : memref<3440x16xf32, #tpu.memory_space<vmem>>, vector<16xf32>,
      %slice3A_265 = vector.extract_strided_slice %div3A_162 {offsets = [7], sizes = [1], strides = [1]} : vector<16xf32> to vector<1xf32>
      %squeeze3A_266 = vector.extract %slice3A_265[0] : f32 from vector<1xf32>
      %mul3A_267 = vector.broadcast %squeeze3A_266 : f32 to vector<16xf32>
      %mul3A_268 = arith.mulf %get3A_264, %mul3A_267 : vector<16xf32>
      %swap3A_269 = arith.index_cast %add3A_261 : i32 to index
      %swap3A_270 = arith.constant 0 : index
      %swap3A_271 = tpu.vector_load %arg9[%swap3A_269, %swap3A_270] {strides = array<i32>} : memref<3440x16xf32, #tpu.memory_space<vmem>>, vector<16xf32>,
      tpu.vector_store %arg9[%swap3A_269, %swap3A_270], %mul3A_268 {strides = array<i32>} : memref<3440x16xf32, #tpu.memory_space<vmem>>, vector<16xf32>,
      %mul3A_272 = arith.constant 16 : i32
      %mul3A_273 = arith.muli %scan3A_154, %mul3A_272 : i32
      %add3A_274 = arith.constant 8 : i32
      %add3A_275 = arith.addi %mul3A_273, %add3A_274 : i32
      %get3A_276 = arith.index_cast %add3A_275 : i32 to index
      %get3A_277 = arith.constant 0 : index
      %get3A_278 = tpu.vector_load %arg9[%get3A_276, %get3A_277] {strides = array<i32>} : memref<3440x16xf32, #tpu.memory_space<vmem>>, vector<16xf32>,
      %slice3A_279 = vector.extract_strided_slice %div3A_162 {offsets = [8], sizes = [1], strides = [1]} : vector<16xf32> to vector<1xf32>
      %squeeze3A_280 = vector.extract %slice3A_279[0] : f32 from vector<1xf32>
      %mul3A_281 = vector.broadcast %squeeze3A_280 : f32 to vector<16xf32>
      %mul3A_282 = arith.mulf %get3A_278, %mul3A_281 : vector<16xf32>
      %swap3A_283 = arith.index_cast %add3A_275 : i32 to index
      %swap3A_284 = arith.constant 0 : index
      %swap3A_285 = tpu.vector_load %arg9[%swap3A_283, %swap3A_284] {strides = array<i32>} : memref<3440x16xf32, #tpu.memory_space<vmem>>, vector<16xf32>,
      tpu.vector_store %arg9[%swap3A_283, %swap3A_284], %mul3A_282 {strides = array<i32>} : memref<3440x16xf32, #tpu.memory_space<vmem>>, vector<16xf32>,
      %mul3A_286 = arith.constant 16 : i32
      %mul3A_287 = arith.muli %scan3A_154, %mul3A_286 : i32
      %add3A_288 = arith.constant 9 : i32
      %add3A_289 = arith.addi %mul3A_287, %add3A_288 : i32
      %get3A_290 = arith.index_cast %add3A_289 : i32 to index
      %get3A_291 = arith.constant 0 : index
      %get3A_292 = tpu.vector_load %arg9[%get3A_290, %get3A_291] {strides = array<i32>} : memref<3440x16xf32, #tpu.memory_space<vmem>>, vector<16xf32>,
      %slice3A_293 = vector.extract_strided_slice %div3A_162 {offsets = [9], sizes = [1], strides = [1]} : vector<16xf32> to vector<1xf32>
      %squeeze3A_294 = vector.extract %slice3A_293[0] : f32 from vector<1xf32>
      %mul3A_295 = vector.broadcast %squeeze3A_294 : f32 to vector<16xf32>
      %mul3A_296 = arith.mulf %get3A_292, %mul3A_295 : vector<16xf32>
      %swap3A_297 = arith.index_cast %add3A_289 : i32 to index
      %swap3A_298 = arith.constant 0 : index
      %swap3A_299 = tpu.vector_load %arg9[%swap3A_297, %swap3A_298] {strides = array<i32>} : memref<3440x16xf32, #tpu.memory_space<vmem>>, vector<16xf32>,
      tpu.vector_store %arg9[%swap3A_297, %swap3A_298], %mul3A_296 {strides = array<i32>} : memref<3440x16xf32, #tpu.memory_space<vmem>>, vector<16xf32>,
      %mul3A_300 = arith.constant 16 : i32
      %mul3A_301 = arith.muli %scan3A_154, %mul3A_300 : i32
      %add3A_302 = arith.constant 10 : i32
      %add3A_303 = arith.addi %mul3A_301, %add3A_302 : i32
      %get3A_304 = arith.index_cast %add3A_303 : i32 to index
      %get3A_305 = arith.constant 0 : index
      %get3A_306 = tpu.vector_load %arg9[%get3A_304, %get3A_305] {strides = array<i32>} : memref<3440x16xf32, #tpu.memory_space<vmem>>, vector<16xf32>,
      %slice3A_307 = vector.extract_strided_slice %div3A_162 {offsets = [10], sizes = [1], strides = [1]} : vector<16xf32> to vector<1xf32>
      %squeeze3A_308 = vector.extract %slice3A_307[0] : f32 from vector<1xf32>
      %mul3A_309 = vector.broadcast %squeeze3A_308 : f32 to vector<16xf32>
      %mul3A_310 = arith.mulf %get3A_306, %mul3A_309 : vector<16xf32>
      %swap3A_311 = arith.index_cast %add3A_303 : i32 to index
      %swap3A_312 = arith.constant 0 : index
      %swap3A_313 = tpu.vector_load %arg9[%swap3A_311, %swap3A_312] {strides = array<i32>} : memref<3440x16xf32, #tpu.memory_space<vmem>>, vector<16xf32>,
      tpu.vector_store %arg9[%swap3A_311, %swap3A_312], %mul3A_310 {strides = array<i32>} : memref<3440x16xf32, #tpu.memory_space<vmem>>, vector<16xf32>,
      %mul3A_314 = arith.constant 16 : i32
      %mul3A_315 = arith.muli %scan3A_154, %mul3A_314 : i32
      %add3A_316 = arith.constant 11 : i32
      %add3A_317 = arith.addi %mul3A_315, %add3A_316 : i32
      %get3A_318 = arith.index_cast %add3A_317 : i32 to index
      %get3A_319 = arith.constant 0 : index
      %get3A_320 = tpu.vector_load %arg9[%get3A_318, %get3A_319] {strides = array<i32>} : memref<3440x16xf32, #tpu.memory_space<vmem>>, vector<16xf32>,
      %slice3A_321 = vector.extract_strided_slice %div3A_162 {offsets = [11], sizes = [1], strides = [1]} : vector<16xf32> to vector<1xf32>
      %squeeze3A_322 = vector.extract %slice3A_321[0] : f32 from vector<1xf32>
      %mul3A_323 = vector.broadcast %squeeze3A_322 : f32 to vector<16xf32>
      %mul3A_324 = arith.mulf %get3A_320, %mul3A_323 : vector<16xf32>
      %swap3A_325 = arith.index_cast %add3A_317 : i32 to index
      %swap3A_326 = arith.constant 0 : index
      %swap3A_327 = tpu.vector_load %arg9[%swap3A_325, %swap3A_326] {strides = array<i32>} : memref<3440x16xf32, #tpu.memory_space<vmem>>, vector<16xf32>,
      tpu.vector_store %arg9[%swap3A_325, %swap3A_326], %mul3A_324 {strides = array<i32>} : memref<3440x16xf32, #tpu.memory_space<vmem>>, vector<16xf32>,
      %mul3A_328 = arith.constant 16 : i32
      %mul3A_329 = arith.muli %scan3A_154, %mul3A_328 : i32
      %add3A_330 = arith.constant 12 : i32
      %add3A_331 = arith.addi %mul3A_329, %add3A_330 : i32
      %get3A_332 = arith.index_cast %add3A_331 : i32 to index
      %get3A_333 = arith.constant 0 : index
      %get3A_334 = tpu.vector_load %arg9[%get3A_332, %get3A_333] {strides = array<i32>} : memref<3440x16xf32, #tpu.memory_space<vmem>>, vector<16xf32>,
      %slice3A_335 = vector.extract_strided_slice %div3A_162 {offsets = [12], sizes = [1], strides = [1]} : vector<16xf32> to vector<1xf32>
      %squeeze3A_336 = vector.extract %slice3A_335[0] : f32 from vector<1xf32>
      %mul3A_337 = vector.broadcast %squeeze3A_336 : f32 to vector<16xf32>
      %mul3A_338 = arith.mulf %get3A_334, %mul3A_337 : vector<16xf32>
      %swap3A_339 = arith.index_cast %add3A_331 : i32 to index
      %swap3A_340 = arith.constant 0 : index
      %swap3A_341 = tpu.vector_load %arg9[%swap3A_339, %swap3A_340] {strides = array<i32>} : memref<3440x16xf32, #tpu.memory_space<vmem>>, vector<16xf32>,
      tpu.vector_store %arg9[%swap3A_339, %swap3A_340], %mul3A_338 {strides = array<i32>} : memref<3440x16xf32, #tpu.memory_space<vmem>>, vector<16xf32>,
      %mul3A_342 = arith.constant 16 : i32
      %mul3A_343 = arith.muli %scan3A_154, %mul3A_342 : i32
      %add3A_344 = arith.constant 13 : i32
      %add3A_345 = arith.addi %mul3A_343, %add3A_344 : i32
      %get3A_346 = arith.index_cast %add3A_345 : i32 to index
      %get3A_347 = arith.constant 0 : index
      %get3A_348 = tpu.vector_load %arg9[%get3A_346, %get3A_347] {strides = array<i32>} : memref<3440x16xf32, #tpu.memory_space<vmem>>, vector<16xf32>,
      %slice3A_349 = vector.extract_strided_slice %div3A_162 {offsets = [13], sizes = [1], strides = [1]} : vector<16xf32> to vector<1xf32>
      %squeeze3A_350 = vector.extract %slice3A_349[0] : f32 from vector<1xf32>
      %mul3A_351 = vector.broadcast %squeeze3A_350 : f32 to vector<16xf32>
      %mul3A_352 = arith.mulf %get3A_348, %mul3A_351 : vector<16xf32>
      %swap3A_353 = arith.index_cast %add3A_345 : i32 to index
      %swap3A_354 = arith.constant 0 : index
      %swap3A_355 = tpu.vector_load %arg9[%swap3A_353, %swap3A_354] {strides = array<i32>} : memref<3440x16xf32, #tpu.memory_space<vmem>>, vector<16xf32>,
      tpu.vector_store %arg9[%swap3A_353, %swap3A_354], %mul3A_352 {strides = array<i32>} : memref<3440x16xf32, #tpu.memory_space<vmem>>, vector<16xf32>,
      %mul3A_356 = arith.constant 16 : i32
      %mul3A_357 = arith.muli %scan3A_154, %mul3A_356 : i32
      %add3A_358 = arith.constant 14 : i32
      %add3A_359 = arith.addi %mul3A_357, %add3A_358 : i32
      %get3A_360 = arith.index_cast %add3A_359 : i32 to index
      %get3A_361 = arith.constant 0 : index
      %get3A_362 = tpu.vector_load %arg9[%get3A_360, %get3A_361] {strides = array<i32>} : memref<3440x16xf32, #tpu.memory_space<vmem>>, vector<16xf32>,
      %slice3A_363 = vector.extract_strided_slice %div3A_162 {offsets = [14], sizes = [1], strides = [1]} : vector<16xf32> to vector<1xf32>
      %squeeze3A_364 = vector.extract %slice3A_363[0] : f32 from vector<1xf32>
      %mul3A_365 = vector.broadcast %squeeze3A_364 : f32 to vector<16xf32>
      %mul3A_366 = arith.mulf %get3A_362, %mul3A_365 : vector<16xf32>
      %swap3A_367 = arith.index_cast %add3A_359 : i32 to index
      %swap3A_368 = arith.constant 0 : index
      %swap3A_369 = tpu.vector_load %arg9[%swap3A_367, %swap3A_368] {strides = array<i32>} : memref<3440x16xf32, #tpu.memory_space<vmem>>, vector<16xf32>,
      tpu.vector_store %arg9[%swap3A_367, %swap3A_368], %mul3A_366 {strides = array<i32>} : memref<3440x16xf32, #tpu.memory_space<vmem>>, vector<16xf32>,
      %mul3A_370 = arith.constant 16 : i32
      %mul3A_371 = arith.muli %scan3A_154, %mul3A_370 : i32
      %add3A_372 = arith.constant 15 : i32
      %add3A_373 = arith.addi %mul3A_371, %add3A_372 : i32
      %get3A_374 = arith.index_cast %add3A_373 : i32 to index
      %get3A_375 = arith.constant 0 : index
      %get3A_376 = tpu.vector_load %arg9[%get3A_374, %get3A_375] {strides = array<i32>} : memref<3440x16xf32, #tpu.memory_space<vmem>>, vector<16xf32>,
      %slice3A_377 = vector.extract_strided_slice %div3A_162 {offsets = [15], sizes = [1], strides = [1]} : vector<16xf32> to vector<1xf32>
      %squeeze3A_378 = vector.extract %slice3A_377[0] : f32 from vector<1xf32>
      %mul3A_379 = vector.broadcast %squeeze3A_378 : f32 to vector<16xf32>
      %mul3A_380 = arith.mulf %get3A_376, %mul3A_379 : vector<16xf32>
      %swap3A_381 = arith.index_cast %add3A_373 : i32 to index
      %swap3A_382 = arith.constant 0 : index
      %swap3A_383 = tpu.vector_load %arg9[%swap3A_381, %swap3A_382] {strides = array<i32>} : memref<3440x16xf32, #tpu.memory_space<vmem>>, vector<16xf32>,
      tpu.vector_store %arg9[%swap3A_381, %swap3A_382], %mul3A_380 {strides = array<i32>} : memref<3440x16xf32, #tpu.memory_space<vmem>>, vector<16xf32>,
      %scan3A_384 = arith.constant 0 : i32
      scf.yield %scan3A_384 : i32
    }
    %scan3A_142 = arith.constant 215 : i32
    %mul3A_143 = arith.constant 55000 : i32
    %mul3A_144 = arith.muli %arg0, %mul3A_143 : i32
    %mul3A_145 = arith.constant 3440 : i32
    %mul3A_146 = arith.muli %arg1, %mul3A_145 : i32
    %add3A_147 = arith.addi %mul3A_144, %mul3A_146 : i32
    %lt3A = arith.constant 15 : i32
    %lt3A_148 = arith.cmpi slt, %arg1, %lt3A : i32
    %convert_element_type3A = arith.extui %lt3A_148 : i1 to i32
    %cond3A = arith.constant 0 : i32
    %cond3A_149 = arith.cmpi ne, %convert_element_type3A, %cond3A : i32
    scf.if %cond3A_149 {
      "tpu.region"() ({
        %run_scoped3A = tpu.sem_alloc : memref<!tpu.dma_semaphore, #tpu.memory_space<semaphore_mem>>
        %dma_start3A_154 = arith.constant 0 : i32
        %dma_start3A_155 = tpu.memref_slice %arg4[%add3A_147, %dma_start3A_154] : memref<110000x16xf32, #tpu.memory_space<hbm>> -> memref<3440x16xf32, #tpu.memory_space<hbm>>
        %dma_start3A_156 = arith.constant 0 : i32
        %dma_start3A_157 = tpu.memref_slice %arg4[%add3A_147, %dma_start3A_156] : memref<110000x16xf32, #tpu.memory_space<hbm>> -> memref<3440x16xf32, #tpu.memory_space<hbm>>
        tpu.enqueue_dma source(%arg9 : memref<3440x16xf32, #tpu.memory_space<vmem>>) target(%dma_start3A_157 : memref<3440x16xf32, #tpu.memory_space<hbm>>) target_semaphore(%run_scoped3A : memref<!tpu.dma_semaphore, #tpu.memory_space<semaphore_mem>>)
        %dma_wait3A_158 = arith.constant 0 : i32
        %dma_wait3A_159 = tpu.memref_slice %arg4[%add3A_147, %dma_wait3A_158] : memref<110000x16xf32, #tpu.memory_space<hbm>> -> memref<3440x16xf32, #tpu.memory_space<hbm>>
        %dma_wait3A_160 = arith.constant 0 : i32
        %dma_wait3A_161 = tpu.memref_slice %arg4[%add3A_147, %dma_wait3A_160] : memref<110000x16xf32, #tpu.memory_space<hbm>> -> memref<3440x16xf32, #tpu.memory_space<hbm>>
        tpu.wait_dma2 semaphore(%run_scoped3A : memref<!tpu.dma_semaphore, #tpu.memory_space<semaphore_mem>>) src(%arg9 : memref<3440x16xf32, #tpu.memory_space<vmem>>) dst(%dma_wait3A_161 : memref<3440x16xf32, #tpu.memory_space<hbm>>)
        tpu.yield
      }) : () -> ()
    } else {
    }
    %eq3A = arith.constant 15 : i32
    %eq3A_150 = arith.cmpi eq, %arg1, %eq3A : i32
    %convert_element_type3A_151 = arith.extui %eq3A_150 : i1 to i32
    %cond3A_152 = arith.constant 0 : i32
    %cond3A_153 = arith.cmpi ne, %convert_element_type3A_151, %cond3A_152 : i32
    scf.if %cond3A_153 {
      "tpu.region"() ({
        %run_scoped3A = tpu.sem_alloc : memref<!tpu.dma_semaphore, #tpu.memory_space<semaphore_mem>>
        %dma_start3A_154 = arith.constant 0 : i32
        %dma_start3A_155 = arith.constant 0 : i32
        %dma_start3A_156 = tpu.memref_slice %arg9[%dma_start3A_154, %dma_start3A_155] : memref<3440x16xf32, #tpu.memory_space<vmem>> -> memref<3400x16xf32, #tpu.memory_space<vmem>>
        %dma_start3A_157 = arith.constant 0 : i32
        %dma_start3A_158 = tpu.memref_slice %arg4[%add3A_147, %dma_start3A_157] : memref<110000x16xf32, #tpu.memory_space<hbm>> -> memref<3400x16xf32, #tpu.memory_space<hbm>>
        %dma_start3A_159 = arith.constant 0 : i32
        %dma_start3A_160 = tpu.memref_slice %arg4[%add3A_147, %dma_start3A_159] : memref<110000x16xf32, #tpu.memory_space<hbm>> -> memref<3400x16xf32, #tpu.memory_space<hbm>>
        %dma_start3A_161 = arith.constant 0 : i32
        %dma_start3A_162 = arith.constant 0 : i32
        %dma_start3A_163 = tpu.memref_slice %arg9[%dma_start3A_161, %dma_start3A_162] : memref<3440x16xf32, #tpu.memory_space<vmem>> -> memref<3400x16xf32, #tpu.memory_space<vmem>>
        tpu.enqueue_dma source(%dma_start3A_163 : memref<3400x16xf32, #tpu.memory_space<vmem>>) target(%dma_start3A_160 : memref<3400x16xf32, #tpu.memory_space<hbm>>) target_semaphore(%run_scoped3A : memref<!tpu.dma_semaphore, #tpu.memory_space<semaphore_mem>>)
        %dma_wait3A_164 = arith.constant 0 : i32
        %dma_wait3A_165 = arith.constant 0 : i32
        %dma_wait3A_166 = tpu.memref_slice %arg9[%dma_wait3A_164, %dma_wait3A_165] : memref<3440x16xf32, #tpu.memory_space<vmem>> -> memref<3400x16xf32, #tpu.memory_space<vmem>>
        %dma_wait3A_167 = arith.constant 0 : i32
        %dma_wait3A_168 = tpu.memref_slice %arg4[%add3A_147, %dma_wait3A_167] : memref<110000x16xf32, #tpu.memory_space<hbm>> -> memref<3400x16xf32, #tpu.memory_space<hbm>>
        %dma_wait3A_169 = arith.constant 0 : i32
        %dma_wait3A_170 = tpu.memref_slice %arg4[%add3A_147, %dma_wait3A_169] : memref<110000x16xf32, #tpu.memory_space<hbm>> -> memref<3400x16xf32, #tpu.memory_space<hbm>>
        %dma_wait3A_171 = arith.constant 0 : i32
        %dma_wait3A_172 = arith.constant 0 : i32
        %dma_wait3A_173 = tpu.memref_slice %arg9[%dma_wait3A_171, %dma_wait3A_172] : memref<3440x16xf32, #tpu.memory_space<vmem>> -> memref<3400x16xf32, #tpu.memory_space<vmem>>
        tpu.wait_dma2 semaphore(%run_scoped3A : memref<!tpu.dma_semaphore, #tpu.memory_space<semaphore_mem>>) src(%dma_wait3A_173 : memref<3400x16xf32, #tpu.memory_space<vmem>>) dst(%dma_wait3A_170 : memref<3400x16xf32, #tpu.memory_space<hbm>>)
        tpu.yield
      }) : () -> ()
    } else {
    }
    return
  }
}

module attributes {stable_mosaic.version = 14 : i64} {
  func.func @_proj_body(%arg0: i32, %arg1: memref<1250x1024xf32, #tpu.memory_space<vmem>>, %arg2: memref<1x1024x128xf32, #tpu.memory_space<vmem>>, %arg3: memref<1x1250x128xf32, #tpu.memory_space<vmem>>) attributes {dimension_semantics = [#tpu.dimension_semantics<arbitrary>], iteration_bounds = array<i64: 11>, scalar_prefetch = 0 : i64, scratch_operands = 0 : i64, tpu.core_type = #tpu.core_type<tc>, window_params = [{pipeline_mode = #tpu.pipeline_mode<synchronous>, transform_indices = @transform_0, window_bounds = array<i64: 1250, 1024>}, {transform_indices = @transform_1, window_bounds = array<i64: 1, 1024, 128>}, {transform_indices = @transform_2, window_bounds = array<i64: 1, 1250, 128>}]} {
    %get3A = arith.constant 0 : index
    %get3A_0 = arith.constant 0 : index
    %get3A_1 = vector.load %arg1[%get3A, %get3A_0] : memref<1250x1024xf32, #tpu.memory_space<vmem>>, vector<1250x1024xf32>
    %get3A_2 = arith.constant 0 : index
    %get3A_3 = arith.constant 0 : index
    %get3A_4 = arith.constant 0 : index
    %get3A_5 = vector.load %arg2[%get3A_2, %get3A_3, %get3A_4] : memref<1x1024x128xf32, #tpu.memory_space<vmem>>, vector<1x1024x128xf32>
    %get3A_6 = vector.shape_cast %get3A_5 : vector<1x1024x128xf32> to vector<1024x128xf32>
    %dot_general3A = arith.constant dense<0.000000e+00> : vector<1250x128xf32>
    %dot_general3A_7 = tpu.matmul %get3A_1, %get3A_6, %dot_general3A {dimension_numbers = #tpu.dot_dimension_numbers<[1], [0], [0], [1], [0, 0, 1, 1], [], []>, transpose_lhs_hint = false} : vector<1250x1024xf32>, vector<1024x128xf32>, vector<1250x128xf32> -> vector<1250x128xf32>
    %broadcast_in_dim3A = vector.shape_cast %dot_general3A_7 : vector<1250x128xf32> to vector<1x1250x128xf32>
    %swap3A = arith.constant 0 : index
    %swap3A_8 = arith.constant 0 : index
    %swap3A_9 = arith.constant 0 : index
    %swap3A_10 = vector.load %arg3[%swap3A, %swap3A_8, %swap3A_9] : memref<1x1250x128xf32, #tpu.memory_space<vmem>>, vector<1x1250x128xf32>
    tpu.vector_store %arg3[%swap3A, %swap3A_8, %swap3A_9], %broadcast_in_dim3A {strides = array<i32>} : memref<1x1250x128xf32, #tpu.memory_space<vmem>>, vector<1x1250x128xf32>,
    return
  }
  func.func @transform_0(%arg0: i32) -> (i32, i32) {
    %c0_i32 = arith.constant 0 : i32
    %c0_i32_0 = arith.constant 0 : i32
    %c0_i32_1 = arith.constant 0 : i32
    return %c0_i32, %c0_i32_0 : i32, i32
  }
  func.func @transform_1(%arg0: i32) -> (i32, i32, i32) {
    %c0_i32 = arith.constant 0 : i32
    %c0_i32_0 = arith.constant 0 : i32
    %c0_i32_1 = arith.constant 0 : i32
    return %arg0, %c0_i32, %c0_i32_0 : i32, i32, i32
  }
  func.func @transform_2(%arg0: i32) -> (i32, i32, i32) {
    %c0_i32 = arith.constant 0 : i32
    %c0_i32_0 = arith.constant 0 : i32
    %c0_i32_1 = arith.constant 0 : i32
    return %arg0, %c0_i32, %c0_i32_0 : i32, i32, i32
  }
}

module attributes {stable_mosaic.version = 14 : i64} {
  func.func @_mid_body2(%arg0: i32, %arg1: memref<11x1250x128xf32, #tpu.memory_space<vmem>>, %arg2: memref<1x128xf32, #tpu.memory_space<vmem>>, %arg3: memref<11x128x128xf32, #tpu.memory_space<vmem>>, %arg4: memref<11x1250x128xf32, #tpu.memory_space<vmem>>) attributes {dimension_semantics = [#tpu.dimension_semantics<arbitrary>], iteration_bounds = array<i64: 1>, scalar_prefetch = 0 : i64, scratch_operands = 0 : i64, tpu.core_type = #tpu.core_type<tc>, window_params = [{pipeline_mode = #tpu.pipeline_mode<synchronous>, transform_indices = @transform_0, window_bounds = array<i64: 11, 1250, 128>}, {pipeline_mode = #tpu.pipeline_mode<synchronous>, transform_indices = @transform_1, window_bounds = array<i64: 1, 128>}, {pipeline_mode = #tpu.pipeline_mode<synchronous>, transform_indices = @transform_2, window_bounds = array<i64: 11, 128, 128>}, {pipeline_mode = #tpu.pipeline_mode<synchronous>, transform_indices = @transform_3, window_bounds = array<i64: 11, 1250, 128>}]} {
    %get3A = arith.constant 0 : index
    %get3A_0 = arith.constant 0 : index
    %get3A_1 = arith.constant 0 : index
    %get3A_2 = vector.load %arg1[%get3A, %get3A_0, %get3A_1] : memref<11x1250x128xf32, #tpu.memory_space<vmem>>, vector<11x1250x128xf32>
    %reduce_sum3A = arith.constant dense<0.000000e+00> : vector<1250x128xf32>
    %reduce_sum3A_3 = vector.multi_reduction <add>, %get3A_2, %reduce_sum3A [0] : vector<11x1250x128xf32> to vector<1250x128xf32>
    %get3A_4 = arith.constant 0 : index
    %get3A_5 = arith.constant 0 : index
    %get3A_6 = vector.load %arg2[%get3A_4, %get3A_5] : memref<1x128xf32, #tpu.memory_space<vmem>>, vector<1x128xf32>
    %add3A = vector.broadcast %get3A_6 : vector<1x128xf32> to vector<1250x128xf32>
    %add3A_7 = arith.addf %reduce_sum3A_3, %add3A : vector<1250x128xf32>
    %max3A = arith.constant 0.000000e+00 : f32
    %max3A_8 = vector.broadcast %max3A : f32 to vector<1250x128xf32>
    %max3A_9 = arith.maximumf %add3A_7, %max3A_8 : vector<1250x128xf32>
    %get3A_10 = arith.constant 0 : index
    %get3A_11 = arith.constant 0 : index
    %get3A_12 = arith.constant 0 : index
    %get3A_13 = vector.load %arg3[%get3A_10, %get3A_11, %get3A_12] : memref<11x128x128xf32, #tpu.memory_space<vmem>>, vector<11x128x128xf32>
    "tpu.trace_start"() <{level = 10 : i32, message = "nk,rkl->rnl"}> : () -> ()
    %dot_general3A = arith.constant dense<0.000000e+00> : vector<11x128x1250xf32>
    %dot_general3A_14 = tpu.matmul %get3A_13, %max3A_9, %dot_general3A {dimension_numbers = #tpu.dot_dimension_numbers<[1], [1], [0, 2], [0], [0, 0, 0, 2, 1, 0], [], []>, transpose_lhs_hint = false} : vector<11x128x128xf32>, vector<1250x128xf32>, vector<11x128x1250xf32> -> vector<11x128x1250xf32>
    %transpose3A = tpu.transpose %dot_general3A_14, [0, 2, 1] : vector<11x128x1250xf32> -> vector<11x1250x128xf32>
    "tpu.trace_stop"() : () -> ()
    %swap3A = arith.constant 0 : index
    %swap3A_15 = arith.constant 0 : index
    %swap3A_16 = arith.constant 0 : index
    %swap3A_17 = vector.load %arg4[%swap3A, %swap3A_15, %swap3A_16] : memref<11x1250x128xf32, #tpu.memory_space<vmem>>, vector<11x1250x128xf32>
    tpu.vector_store %arg4[%swap3A, %swap3A_15, %swap3A_16], %transpose3A {strides = array<i32>} : memref<11x1250x128xf32, #tpu.memory_space<vmem>>, vector<11x1250x128xf32>,
    return
  }
  func.func @transform_0(%arg0: i32) -> (i32, i32, i32) {
    %c0_i32 = arith.constant 0 : i32
    %c0_i32_0 = arith.constant 0 : i32
    %c0_i32_1 = arith.constant 0 : i32
    %c0_i32_2 = arith.constant 0 : i32
    return %c0_i32, %c0_i32_0, %c0_i32_1 : i32, i32, i32
  }
  func.func @transform_1(%arg0: i32) -> (i32, i32) {
    %c0_i32 = arith.constant 0 : i32
    %c0_i32_0 = arith.constant 0 : i32
    %c0_i32_1 = arith.constant 0 : i32
    return %c0_i32, %c0_i32_0 : i32, i32
  }
  func.func @transform_2(%arg0: i32) -> (i32, i32, i32) {
    %c0_i32 = arith.constant 0 : i32
    %c0_i32_0 = arith.constant 0 : i32
    %c0_i32_1 = arith.constant 0 : i32
    %c0_i32_2 = arith.constant 0 : i32
    return %c0_i32, %c0_i32_0, %c0_i32_1 : i32, i32, i32
  }
  func.func @transform_3(%arg0: i32) -> (i32, i32, i32) {
    %c0_i32 = arith.constant 0 : i32
    %c0_i32_0 = arith.constant 0 : i32
    %c0_i32_1 = arith.constant 0 : i32
    %c0_i32_2 = arith.constant 0 : i32
    return %c0_i32, %c0_i32_0, %c0_i32_1 : i32, i32, i32
  }
}

module attributes {stable_mosaic.version = 14 : i64} {
  func.func @_final_body(%arg0: i32, %arg1: memref<11x1250x128xf32, #tpu.memory_space<vmem>>, %arg2: memref<1x128xf32, #tpu.memory_space<vmem>>, %arg3: memref<1250x128xf32, #tpu.memory_space<vmem>>) attributes {dimension_semantics = [#tpu.dimension_semantics<arbitrary>], iteration_bounds = array<i64: 1>, scalar_prefetch = 0 : i64, scratch_operands = 0 : i64, tpu.core_type = #tpu.core_type<tc>, window_params = [{pipeline_mode = #tpu.pipeline_mode<synchronous>, transform_indices = @transform_0, window_bounds = array<i64: 11, 1250, 128>}, {pipeline_mode = #tpu.pipeline_mode<synchronous>, transform_indices = @transform_1, window_bounds = array<i64: 1, 128>}, {pipeline_mode = #tpu.pipeline_mode<synchronous>, transform_indices = @transform_2, window_bounds = array<i64: 1250, 128>}]} {
    %get3A = arith.constant 0 : index
    %get3A_0 = arith.constant 0 : index
    %get3A_1 = arith.constant 0 : index
    %get3A_2 = vector.load %arg1[%get3A, %get3A_0, %get3A_1] : memref<11x1250x128xf32, #tpu.memory_space<vmem>>, vector<11x1250x128xf32>
    %reduce_sum3A = arith.constant dense<0.000000e+00> : vector<1250x128xf32>
    %reduce_sum3A_3 = vector.multi_reduction <add>, %get3A_2, %reduce_sum3A [0] : vector<11x1250x128xf32> to vector<1250x128xf32>
    %get3A_4 = arith.constant 0 : index
    %get3A_5 = arith.constant 0 : index
    %get3A_6 = vector.load %arg2[%get3A_4, %get3A_5] : memref<1x128xf32, #tpu.memory_space<vmem>>, vector<1x128xf32>
    %add3A = vector.broadcast %get3A_6 : vector<1x128xf32> to vector<1250x128xf32>
    %add3A_7 = arith.addf %reduce_sum3A_3, %add3A : vector<1250x128xf32>
    %swap3A = arith.constant 0 : index
    %swap3A_8 = arith.constant 0 : index
    %swap3A_9 = vector.load %arg3[%swap3A, %swap3A_8] : memref<1250x128xf32, #tpu.memory_space<vmem>>, vector<1250x128xf32>
    tpu.vector_store %arg3[%swap3A, %swap3A_8], %add3A_7 {strides = array<i32>} : memref<1250x128xf32, #tpu.memory_space<vmem>>, vector<1250x128xf32>,
    return
  }
  func.func @transform_0(%arg0: i32) -> (i32, i32, i32) {
    %c0_i32 = arith.constant 0 : i32
    %c0_i32_0 = arith.constant 0 : i32
    %c0_i32_1 = arith.constant 0 : i32
    %c0_i32_2 = arith.constant 0 : i32
    return %c0_i32, %c0_i32_0, %c0_i32_1 : i32, i32, i32
  }
  func.func @transform_1(%arg0: i32) -> (i32, i32) {
    %c0_i32 = arith.constant 0 : i32
    %c0_i32_0 = arith.constant 0 : i32
    %c0_i32_1 = arith.constant 0 : i32
    return %c0_i32, %c0_i32_0 : i32, i32
  }
  func.func @transform_2(%arg0: i32) -> (i32, i32) {
    %c0_i32 = arith.constant 0 : i32
    %c0_i32_0 = arith.constant 0 : i32
    %c0_i32_1 = arith.constant 0 : i32
    return %c0_i32, %c0_i32_0 : i32, i32
  }
}

</mosaic_0001>

<sc_bundles>
// kernel: sc_edge_agg.4.cloned.1.call-start
scs
__scs_entry_jumppad:
0x0: {  	(pc) =	sbr.rel $0x88, $3  }
0x1: {  	(tag) =	ssettag $0x0;
	lr =	simm.s32 $0x1  }
0x2: {  	[smem:$0x3F99] =	sst lr;
	_ =	strace $0xD0000000  }
0x3: {  	_ = 	snop  }
0x4: {  	_ = 	snop  }
0x5: {  	_ = 	snop  }
0x6: {  	_ = 	snop  }
0x7: {  	_ = 	snop  }
__scs_overlays_trampoline_lowered:
0x8: {  	[smem:$0x3FA8] =	sst s0  }
0x9: {  	[smem:$0x3FA9] =	sst s1  }
0xa: {  	[smem:$0x3FAA] =	sst s2  }
0xb: {  	[smem:$0x3FAB] =	sst s3  }
0xc: {  	[smem:$0x3FAC] =	sst s4  }
0xd: {  	[smem:$0x3FAD] =	sst s5  }
0xe: {  	[smem:$0x3FAE] =	sst s6  }
0xf: {  	[smem:$0x3FAF] =	sst s7  }
0x10: {  	[smem:$0x3FB0] =	sst s8  }
0x11: {  	[smem:$0x3FB1] =	sst s9;
	s0 =	simm.s32 @!p0 $0x0  }
0x12: {  	s1 =	sld [smem:$0x3F97];
	s0 =	simm.s32 @p0 $0x1  }
0x13: {  	[smem:$0x3FB2] =	sst s0;
	s0 =	simm.s32 @!p1 $0x0  }
0x14: {  	s2 =	sld [smem:$0x3F96];
	s0 =	simm.s32 @p1 $0x1  }
0x15: {  	[smem:$0x3FB3] =	sst s0;
	s0 =	simm.s32 @!p2 $0x0  }
0x16: {  	s3 =	sld [smem:$0x3FDB];
	s0 =	simm.s32 @p2 $0x1  }
0x17: {  	s4 =	simm.s32 $0x1BF5;
	[smem:$0x3FB5] =	sst s0  }
0x18: {  	s0 =	sld [smem:$0x3F98];
	_ =	swait.ge [sflag:s4], $0x0  }
0x19: {  	s7 =	sld [smem:$0x3F99]  }
0x1a: {  	s8 =	sadd.s32 $0xFFFFE003, lr  }
0x1b: {  	s9 =	sadd.s32 $0xFFFFFEF7, lr;
	s5 =	simm.s32 $0xFFFFFFFF;
	p2 =	slt.u32 s8, $0xFFFFF086  }
0x1c: {  	p1 =	slt.u32 s9, $0xF7A;
	s5 =	simm.s32 @!p2 $0x0  }
0x1d: {  	s5 =	simm.s32 @p1 $0x1;
	p0 =	seq.s32 s7, s2  }
0x1e: {  	s7 =	smul.u32 @!p0 $0xF7A, s2;
	p2 =	seq.s32 @!p0 s5, $0x0  }
0x1f: {  	s9 =	smul.u32 $0xF7A, s1;
	s8 =	simm.s32 @!p0 $0x1BF5;
	p2 =	por !p2, p0  }
0x20: {  	[sflag:s8] =	ssyncset.s32 @!p0 $0xFFFFF086;
	s6 =	sadd.s32 @!p0 s3, s7;
	s7 =	simm.s32 @!p0 $0x108  }
0x21: {  	s3 =	sadd.s32 s3, s9;
	s6 =	sadd.s32 @!p0 $0x88, s6;
	s7 =	simm.s32 @p2 $0x1082  }
0x22: {  	[simem:s7], [sflag:s8] =	dma.local @!p0 [hbm:s6], $0xF7A  }
0x23: {  	s9 =	sor.u32 $0xD0000000, s2;
	s6 =	simm.s32 $0x108;
	_ =	swait.ge @!p0 [sflag:s8], $0x0  }
0x24: {  	s3 =	sadd.s32 $0x88, s3;
	s6 =	simm.s32 @!p1 $0x1082;
	[sflag:s4] =	ssyncset.s32 $0xFFFFF086  }
0x25: {  	[simem:s6], [sflag:s4] =	dma.local [hbm:s3], $0xF7A  }
0x26: {  	[smem:$0x3F99] =	sst s1;
	(tag) =	ssettag s2;
	_ =	strace s9  }
0x27: {  	s1 =	sld [smem:$0x3FA9]  }
0x28: {  	s2 =	sld [smem:$0x3FAA]  }
0x29: {  	s4 =	sld [smem:$0x3FAC]  }
0x2a: {  	p0 =	seq.s32 s5, $0x0;
	s5 =	sld [smem:$0x3FAD]  }
0x2b: {  	s6 =	sld [smem:$0x3FAE]  }
0x2c: {  	s7 =	sld [smem:$0x3FAF]  }
0x2d: {  	s3 =	simm.s32 $0x108;
	s8 =	sld [smem:$0x3FB0]  }
0x2e: {  	s3 =	simm.s32 @!p0 $0x1082;
	s9 =	sld [smem:$0x3FB1]  }
0x2f: {  	lr =	sadd.s32 s0, s3;
	s0 =	sld [smem:$0x3FA8]  }
0x30: {  	s3 =	sld [smem:$0x3FAB]  }
0x31: {  	[smem:$0x3FB4] =	sst s10  }
0x32: {  	s10 =	sld [smem:$0x3FB2];
	_ =	sdelay $0x3  }
0x33: {  	p0 =	seq.s32 s10, $0x1;
	s10 =	sld [smem:$0x3FB4];
	_ =	sdelay $0x3  }
0x34: {  	[smem:$0x3FB4] =	sst s10  }
0x35: {  	s10 =	sld [smem:$0x3FB3];
	_ =	sdelay $0x3  }
0x36: {  	p1 =	seq.s32 s10, $0x1;
	s10 =	sld [smem:$0x3FB4];
	_ =	sdelay $0x3  }
0x37: {  	[smem:$0x3FB4] =	sst s10  }
0x38: {  	s10 =	sld [smem:$0x3FB5]  }
0x39: {  	_ = 	snop;
	(pc) =	sbr.ind lr, $3  }
0x3a: {  	_ = 	snop  }
0x3b: {  	_ = 	snop  }
0x3c: {  	p2 =	seq.s32 s10, $0x1;
	s10 =	sld [smem:$0x3FB4]  }
0x3d: {  	_ =	shalt  }
0x3e: {  	_ =	shalt  }
0x3f: {  	_ =	shalt  }
0x40: {  	_ =	shalt  }
0x41: {  	_ =	shalt  }
0x42: {  	_ =	shalt  }
0x43: {  	_ =	shalt  }
0x44: {  	_ =	shalt  }
0x45: {  	_ =	shalt  }
0x46: {  	_ =	shalt  }
0x47: {  	_ =	shalt  }
0x48: {  	_ =	shalt  }
0x49: {  	_ =	shalt  }
0x4a: {  	_ =	shalt  }
0x4b: {  	_ =	shalt  }
0x4c: {  	_ =	shalt  }
0x4d: {  	_ =	shalt  }
0x4e: {  	_ =	shalt  }
0x4f: {  	_ =	shalt  }
0x50: {  	_ =	shalt  }
0x51: {  	_ =	shalt  }
0x52: {  	_ =	shalt  }
0x53: {  	_ =	shalt  }
0x54: {  	_ =	shalt  }
0x55: {  	_ =	shalt  }
0x56: {  	_ =	shalt  }
0x57: {  	_ =	shalt  }
0x58: {  	_ =	shalt  }
0x59: {  	_ =	shalt  }
0x5a: {  	_ =	shalt  }
0x5b: {  	_ =	shalt  }
0x5c: {  	_ =	shalt  }
0x5d: {  	_ =	shalt  }
0x5e: {  	_ =	shalt  }
0x5f: {  	_ =	shalt  }
0x60: {  	_ =	shalt  }
0x61: {  	_ =	shalt  }
0x62: {  	_ =	shalt  }
0x63: {  	_ =	shalt  }
0x64: {  	_ =	shalt  }
0x65: {  	_ =	shalt  }
0x66: {  	_ =	shalt  }
0x67: {  	_ =	shalt  }
0x68: {  	_ =	shalt  }
0x69: {  	_ =	shalt  }
0x6a: {  	_ =	shalt  }
0x6b: {  	_ =	shalt  }
0x6c: {  	_ =	shalt  }
0x6d: {  	_ =	shalt  }
0x6e: {  	_ =	shalt  }
0x6f: {  	_ =	shalt  }
0x70: {  	_ =	shalt  }
0x71: {  	_ =	shalt  }
0x72: {  	_ =	shalt  }
0x73: {  	_ =	shalt  }
0x74: {  	_ =	shalt  }
0x75: {  	_ =	shalt  }
0x76: {  	_ =	shalt  }
0x77: {  	_ =	shalt  }
0x78: {  	_ =	shalt  }
0x79: {  	_ =	shalt  }
0x7a: {  	_ =	shalt  }
0x7b: {  	_ =	shalt  }
0x7c: {  	_ =	shalt  }
0x7d: {  	_ =	shalt  }
0x7e: {  	_ =	shalt  }
0x7f: {  	_ =	shalt  }
0x80: {  	_ =	shalt  }
0x81: {  	_ =	shalt  }
0x82: {  	_ =	shalt  }
0x83: {  	_ =	shalt  }
0x84: {  	_ =	shalt  }
0x85: {  	_ =	shalt  }
0x86: {  	_ =	shalt  }
0x87: {  	_ =	shalt  }
.Lfunc_end0:
.L_simem_size_0:
called_computation_lowered:
.L_overlay_start_0:
0x88: {  	s2 =	sld [smem:$0x3FD9]  }
0x89: {  	s3 =	sld [smem:$0x3FFE];
	_ =	sdelay $0x1  }
0x8a: {  	s1 =	srdreg.scid  }
0x8b: {  	s0 =	sand.u32 $0x1, s1  }
0x8c: {  	s16 =	sshll.u32 s0, $0xA;
	s2 =	sadd.s32 s3, s2  }
0x8d: {  	s2 =	sadd.s32 s2, s16  }
0x8e: {  	[smem:$0x3FC0] =	sst s2  }
0x8f: {  	_ = 	snop  }
0x90: {  	(tm) =	ssettm $0x1  }
0x91: {  	s17 =	sld [smem:$0x3FFB];
	_ =	sdelay $0x3  }
0x92: {  	_ =	strace s17  }
0x93: {  	s2 =	sld [smem:$0x3FFC];
	_ =	sdelay $0x3  }
0x94: {  	_ =	strace s2  }
0x95: {  	s2 =	sld [smem:$0x3FFD];
	_ =	sdelay $0x3  }
0x96: {  	_ =	strace s2  }
0x97: {  	_ =	strace $0x8FFFFFFF  }
0x98: {  	s18 =	sld [smem:$0x3FDB];
	_ =	sdelay $0x1  }
0x99: {  	s19 =	simm.s32 $_scs_section_size  }
0x9a: {  	s4 =	simm.s32 $_size__tile_overlayer_lowered;
	s5 =	simm.s32 $_tile_overlayer_lowered  }
0x9b: {  	s22 =	simm.s32 $0x1BFF;
	s21 =	sshll.u32 s5, $0x1;
	s2 =	sadd.s32 s19, s18  }
0x9c: {  	s6 =	simm.s32 $0x0;
	s20 =	sshll.u32 s4, $0x1;
	s4 =	sadd.s32 s21, s2  }
0x9d: {  	[timem:s6], [sflag:s22] =	dma.local [hbm:s4], s20  }
0x9e: {  	_ =	swait.ge [sflag:s22], s20  }
0x9f: {  	s3 =	ssub.s32 $0x0, s20;
	[sflag:s22] =	ssyncset.done $0x0  }
0xa0: {  	[sflag:s22] =	ssyncadd.s32 s3;
	_ =	sdelay $0x1  }
0xa1: {  	s23 =	simm.s32 $0x1B8B  }
0xa2: {  	_ =	swait.ge [sflag:s23], $0x1  }
0xa3: {  	[sflag:s23] =	ssyncset.done $0x0  }
0xa4: {  	s25 =	simm.s32 $0x1B8E;
	s24 =	sld [smem:$0x3FFE];
	[sflag:s23] =	ssyncadd.s32 $0xFFFFFFFF  }
0xa5: {  	s26 =	simm.s32 $execute0_lowered;
	[smem:$0x3FD2] =	sst s25  }
0xa6: {  	s4 =	sshll.u32 s26, $0x1;
	_ =	strace $0x80000046;
	[dreg:$0x1] =	wrdreg $0xFFFFFFFF  }
0xa7: {  	s28 =	simm.s32 $_size_execute0_lowered;
	s2 =	sadd.s32 s2, s4;
	[dreg:$0x0] =	wrdreg $0x0  }
0xa8: {  	s4 =	sshll.u32 s28, $0x1;
	[dreg:$0x2] =	wrdreg s2  }
0xa9: {  	[dreg:$0x3] =	wrdreg s4  }
0xaa: {  	[dreg:$0x4] =	wrdreg $0xC0  }
0xab: {  	_ =	task [dreg:s6], $0x5FFFF  }
0xac: {  	[dreg:$0x1] =	wrdreg $0xFFFFFFFF  }
0xad: {  	[dreg:$0x0] =	wrdreg $0x60  }
0xae: {  	[dreg:$0x2] =	wrdreg s24  }
0xaf: {  	[dreg:$0x3] =	wrdreg $0x10B700  }
0xb0: {  	[dreg:$0x4] =	wrdreg $0x1E2700  }
0xb1: {  	[dreg:$0x5] =	wrdreg $0x9  }
0xb2: {  	_ =	task.clear_ibuf [dreg:s6], $0x6FFFF;
	_ =	strace $0x90000046  }
0xb3: {  	s29 =	simm.s32 $0x9;
	_ =	strace $0x80000048  }
0xb4: {  	_ =	swait.ge [sflag:s29], $0x1  }
0xb5: {  	[sflag:s29] =	ssyncadd.s32 $0xFFFFFFFF  }
0xb6: {  	_ =	strace $0x90000048  }
0xb7: {  	_ =	sfence  }
0xb8: {  	s30 =	sld [smem:$0x0];
	_ =	sdelay $0x2  }
0xb9: {  	s31 =	sshll.u32 s1, $0xD;
	s1 =	sshrl.u32 s1, $0x2  }
0xba: {  	s3 =	sand.u32 $0x4000, s31;
	s1 =	sadd.s32 s1, s30  }
0xbb: {  	s0 =	sor.u32 s3, s0;
	s1 =	sshll.u32 s1, $0x11  }
0xbc: {  	s0 =	sor.u32 s1, s0  }
0xbd: {  	s0 =	sadd.s32 $0x8F2B, s0  }
0xbe: {  	[sflag:s0] =	ssyncadd.remote.s32 $0x1  }
0xbf: {  	_ =	sfence.sel $0xFFFF  }
0xc0: {  	[dreg:$0x0] =	wrdreg $0xFFFFFFFF;
	(pc) =	sbr.abs _section_cstart, $3  }
0xc1: {  	[dreg:$0x1] =	wrdreg $0xFFFFFFFF  }
0xc2: {  	_ =	task.clear_ibuf [dreg:s6], $0x2FFFF;
	_ =	strace $0x9FFFFFFF  }
0xc3: {  	(tm) =	ssettm $0x7FFFFFFF  }
tec
execute0_lowered:
.L_overlay_start_1:
0x0: {  	(tag) =	ssettag $0x1  }
0x1: {  	s6 =	rddreg [dreg:$0x0]  }
0x2: {  	s2 =	rddreg [dreg:$0x1]  }
0x3: {  	s3 =	rddreg [dreg:$0x2]  }
0x4: {  	s0 =	rddreg [dreg:$0x3]  }
0x5: {  	s1 =	stileid.u32;
	s7 =	srdreg.scid  }
0x6: {  	s4 =	simm.s32 $0x0;
	s13 =	simm.s32 $0x5;
	s14 =	simm.s32 $0xFE00  }
0x7: {  	s15 =	simm.s32 $0x200;
	s16 =	simm.s32 $0x1;
	s17 =	simm.s32 $0x100  }
0x8: {  	s18 =	simm.s32 $0x600;
	s19 =	simm.s32 $0x3;
	s20 =	simm.s32 $0x2  }
0x9: {  	s21 =	simm.s32 $0x1600;
	s23 =	simm.s32 $0x2600;
	s5 =	smul.u32 $0x2800, s1  }
0xa: {  	s24 =	simm.s32 $0x4;
	s25 =	simm.s32 $0x500;
	s8 =	smul.u32 $0xD70, s1  }
0xb: {  	s26 =	simm.s32 $0x0;
	s7 =	sand.u32 $0x1, s7;
	s10 =	smul.u32 $0x35C00, s1  }
0xc: {  	[smem:$0x7FF] =	sst s4;
	p0 =	seq.s32 s1, $0xF;
	s22 =	smul.u32 $0xD6D8, s7  }
0xd: {  	_ =	strace $0x80000047;
	s7 =	ssub.s32 $0x2, s7;
	s9 =	sadd.s32 s5, s6  }
0xe: {  	s5 =	sadd.s32 $0x29C00, s6;
	s12 =	sshrl.u32 s7, $0x1;
	s10 =	sshrl.u32 s10, $0x2  }
0xf: {  	s11 =	sadd.s32 s8, s22;
	s12 =	ssub.s32 s7, s12;
	s7 =	sadd.s32 s8, s3  }
0x10: {  	s8 =	sadd.s32 $0x1A00, s9;
	s9 =	sadd.s32 $0x1A40, s9;
	s11 =	sshll.u32 s11, $0x1  }
0x11: {  	v3 =	vlaneseq.u32;
	v0 =	vmov s22;
	s22 =	simm.s32 $0x400;
	s11 =	sadd.s32 s11, s6;
	s6 =	sadd.s32 s10, s2  }
0x12: {  	v1 =	vimm.f32 $0.0e+00;
	v2 =	vimm.f32 $1.000000000e+00;
	v3 =	vadd.s32 $0xD6D8, v3;
	s10 =	sadd.s32 $0x5F800, s11;
	s11 =	smax.u32 s12, $0x1;
	s12 =	simm.s32 $0x2700  }
.LBB2_1:
0x13: {  	s28 =	simm.s32 $0x0  }
.LBB2_2:
0x14: {  	p1 =	sne.s32 s28, $0x35BC0  }
.Ltmp0:
0x15: {  	_ = 	snop;
	(pc) =	sbr.rel @p1 .LBB2_2-.Ltmp0, $3  }
0x16: {  	_ =	sdelay $0x1  }
0x17: {  	s29 =	sshra.s32 s28, $0x2  }
0x18: {  	s28 =	sadd.s32 $0x40, s28;
	[tilespmem:s29+$0x2700] =	vst v1  }
0x19: {  	s28 =	simm.s32 $0x40;
	s29 =	simm.s32 $0x0  }
.LBB2_4:
0x1a: {  	p1 =	sne.s32 s28, $0x3580;
	[tilespmem:s29+$0xFE00] =	vst v1;
	s29 =	smov.u32 s28;
	s28 =	sadd.s32 $0x40, s28  }
.Ltmp1:
0x1b: {  	(pc) =	sbr.rel @p1 .LBB2_4-.Ltmp1, $2  }
0x1c: {  	_ =	sdelay $0x2  }
0x1d: {  	s29 =	sshra.s32 s29, $0x2  }
0x1e: {  	[tilespmem:s29+$0xFE00] =	vst v1  }
0x1f: {  	[tilespmem:$0x2600] =	vst v2  }
0x20: {  	[tilespmem:$0x2610] =	vst v2  }
0x21: {  	[tilespmem:$0x2620] =	vst v2  }
0x22: {  	[tilespmem:$0x2630] =	vst v2  }
0x23: {  	[tilespmem:$0x2640] =	vst v2  }
0x24: {  	[tilespmem:$0x2650] =	vst v2  }
0x25: {  	[tilespmem:$0x2660] =	vst v2  }
0x26: {  	[tilespmem:$0x2670] =	vst v2  }
0x27: {  	[tilespmem:$0x2680] =	vst v2  }
0x28: {  	[tilespmem:$0x2690] =	vst v2  }
0x29: {  	[tilespmem:$0x26A0] =	vst v2  }
0x2a: {  	[tilespmem:$0x26B0] =	vst v2  }
0x2b: {  	[tilespmem:$0x26C0] =	vst v2  }
0x2c: {  	[tilespmem:$0x26D0] =	vst v2  }
0x2d: {  	[tilespmem:$0x26E0] =	vst v2  }
0x2e: {  	[tilespmem:$0x26F0] =	vst v2  }
0x2f: {  	[spmem:s6] =	stream.linear.scatter [tilespmem:s12], [sflag:$0x5], $0xD700, $0x38;
	[tilespmem:$0x1EFE0] =	vst v63  }
0x30: {  	_ =	swait.ge [sflag:s13], $0xD700  }
0x31: {  	[sflag:s13] =	ssyncset.done $0x0  }
0x32: {  	[sflag:s13] =	ssyncadd.s32 $0xFFFF2900  }
0x33: {  	[spmem:s7] =	stream.linear.scatter [tilespmem:s14], [sflag:$0x5], $0xD70, $0x38;
	[tilespmem:$0x1EFE0] =	vst v63  }
0x34: {  	_ =	swait.ge [sflag:s13], $0xD70  }
0x35: {  	[sflag:s13] =	ssyncset.done $0x0  }
0x36: {  	[sflag:s13] =	ssyncadd.s32 $0xFFFFF290  }
0x37: {  	[bflag:$0x0] =	sbarrier.arrive $0xFFFF  }
0x38: {  	[tilespmem:s4], [sflag:$0x1] =	stream.linear.gather [hbm4b:s8+s4], $0x200, $0x38;
	[tilespmem:$0x1EFE0] =	vst v63  }
0x39: {  	_ = 	snop  }
0x3a: {  	[tilespmem:s15], [sflag:$0x2] =	stream.linear.gather [hbm4b:s9+s4], $0x200, $0x38;
	[tilespmem:$0x1EFE0] =	vst v63  }
0x3b: {  	_ =	swait.ge [sflag:s16], $0x200  }
0x3c: {  	[sflag:s16] =	ssyncset.done $0x0  }
0x3d: {  	s28 =	simm.s32 $0xFFFFD800;
	[sflag:s16] =	ssyncadd.s32 $0xFFFFFE00  }
0x3e: {  	[tilespmem:s18], [sflag:$0x3] =	stream.indirect.gather [hbm4b:s5+s17], $0x10, s4, s17, $0xb8;
	[tilespmem:$0x1EFE0] =	vst v63  }
.LBB2_6:
0x3f: {  	_ =	swait.ge [sflag:s19], $0x1000  }
0x40: {  	[sflag:s19] =	ssyncset.done $0x0  }
0x41: {  	[sflag:s19] =	ssyncadd.s32 $0xFFFFF000  }
0x42: {  	v4 =	vld [tilespmem:$0x100]  }
0x43: {  	v5 =	vld [tilespmem:$0x110]  }
0x44: {  	v6 =	vld [tilespmem:$0x120]  }
0x45: {  	v7 =	vld [tilespmem:$0x130]  }
0x46: {  	v8 =	vld [tilespmem:$0x140]  }
0x47: {  	v9 =	vld [tilespmem:$0x150];
	v4 =	vsub.s32 v4, v0  }
0x48: {  	v10 =	vld [tilespmem:$0x160];
	v5 =	vsub.s32 v5, v0;
	vm0 =	vlt.u32 v4, $0xD6D8  }
0x49: {  	v11 =	vld [tilespmem:$0x170];
	v6 =	vsub.s32 v6, v0;
	vm9 =	vlt.u32 v5, $0xD6D8;
	v4 =	vsel vm0, v4, v3  }
0x4a: {  	v30 =	vld [tilespmem:$0x180];
	vm10 =	vlt.u32 v6, $0xD6D8;
	[tilespmem:$0x400] =	vst v4;
	v4 =	vsel vm9, v5, v3;
	v5 =	vsub.s32 v7, v0  }
0x4b: {  	v32 =	vld [tilespmem:$0x190];
	v31 =	vsub.s32 v8, v0;
	[tilespmem:$0x410] =	vst v4;
	v4 =	vsel vm10, v6, v3;
	vm11 =	vlt.u32 v5, $0xD6D8  }
0x4c: {  	v33 =	vld [tilespmem:$0x1A0];
	vm12 =	vlt.u32 v31, $0xD6D8;
	[tilespmem:$0x420] =	vst v4;
	v4 =	vsel vm11, v5, v3;
	v5 =	vsub.s32 v9, v0  }
0x4d: {  	v35 =	vld [tilespmem:$0x1B0];
	v34 =	vsub.s32 v10, v0;
	[tilespmem:$0x430] =	vst v4;
	v4 =	vsel vm12, v31, v3;
	vm13 =	vlt.u32 v5, $0xD6D8  }
0x4e: {  	v36 =	vld [tilespmem:$0x1C0];
	vm14 =	vlt.u32 v34, $0xD6D8;
	[tilespmem:$0x440] =	vst v4;
	v4 =	vsel vm13, v5, v3;
	v5 =	vsub.s32 v11, v0  }
0x4f: {  	v38 =	vld [tilespmem:$0x1D0];
	v37 =	vsub.s32 v30, v0;
	[tilespmem:$0x450] =	vst v4;
	v4 =	vsel vm14, v34, v3;
	vm15 =	vlt.u32 v5, $0xD6D8  }
0x50: {  	v39 =	vld [tilespmem:$0x1E0];
	vm4 =	vlt.u32 v37, $0xD6D8;
	[tilespmem:$0x460] =	vst v4;
	v4 =	vsel vm15, v5, v3;
	v5 =	vsub.s32 v32, v0  }
0x51: {  	v41 =	vld [tilespmem:$0x1F0];
	v40 =	vsub.s32 v33, v0;
	[tilespmem:$0x470] =	vst v4;
	v4 =	vsel vm4, v37, v3;
	vm5 =	vlt.u32 v5, $0xD6D8  }
0x52: {  	vm6 =	vlt.u32 v40, $0xD6D8;
	[tilespmem:$0x480] =	vst v4;
	v4 =	vsel vm5, v5, v3;
	v5 =	vsub.s32 v35, v0  }
0x53: {  	v42 =	vsub.s32 v36, v0;
	[tilespmem:$0x490] =	vst v4;
	v4 =	vsel vm6, v40, v3;
	vm7 =	vlt.u32 v5, $0xD6D8  }
0x54: {  	vm8 =	vlt.u32 v42, $0xD6D8;
	[tilespmem:$0x4A0] =	vst v4;
	v4 =	vsel vm7, v5, v3;
	v5 =	vsub.s32 v38, v0  }
0x55: {  	v43 =	vsub.s32 v39, v0;
	[tilespmem:$0x4B0] =	vst v4;
	v4 =	vsel vm8, v42, v3;
	vm9 =	vlt.u32 v5, $0xD6D8  }
0x56: {  	vm10 =	vlt.u32 v43, $0xD6D8;
	[tilespmem:$0x4C0] =	vst v4;
	v4 =	vsel vm9, v5, v3;
	v5 =	vsub.s32 v41, v0  }
0x57: {  	[tilespmem:$0x4D0] =	vst v4;
	v4 =	vsel vm10, v43, v3;
	vm11 =	vlt.u32 v5, $0xD6D8  }
0x58: {  	s29 =	sadd.s32 s28, s8;
	[tilespmem:$0x4E0] =	vst v4;
	v4 =	vsel vm11, v5, v3  }
0x59: {  	s30 =	sadd.s32 $0x2880, s29;
	[tilespmem:$0x4F0] =	vst v4  }
0x5a: {  	[tilespmem:s4], [sflag:$0x1] =	stream.linear.gather [hbm4b:s30+s4], $0x200, $0x38;
	[tilespmem:$0x1EFE0] =	vst v63  }
0x5b: {  	_ =	swait.ge [sflag:s20], $0x200  }
0x5c: {  	[sflag:s20] =	ssyncset.done $0x0  }
0x5d: {  	[sflag:s20] =	ssyncadd.s32 $0xFFFFFE00  }
0x5e: {  	[tilespmem:s21], [sflag:$0x4] =	stream.indirect.gather [hbm4b:s5+s17], $0x10, s15, s17, $0xb8;
	[tilespmem:$0x1EFE0] =	vst v63  }
0x5f: {  	_ = 	snop  }
0x60: {  	[spmem:s2] =	stream.indirect.scatter.add.f32 [tilespmem:s18], [sflag:$0x5], $0x10, s22, s17, $0xb8;
	[tilespmem:$0x1EFE0] =	vst v63  }
0x61: {  	_ =	swait.ge [sflag:s13], $0x1000  }
0x62: {  	[sflag:s13] =	ssyncset.done $0x0  }
0x63: {  	[sflag:s13] =	ssyncadd.s32 $0xFFFFF000  }
0x64: {  	[spmem:s3] =	stream.indirect.scatter.add.f32 [tilespmem:s23], [sflag:$0x5], $0x1, s22, s17, $0xb8;
	[tilespmem:$0x1EFE0] =	vst v63  }
0x65: {  	_ =	swait.ge [sflag:s13], $0x100  }
0x66: {  	[sflag:s13] =	ssyncset.done $0x0  }
0x67: {  	[sflag:s13] =	ssyncadd.s32 $0xFFFFFF00  }
0x68: {  	_ =	swait.ge [sflag:s24], $0x1000  }
0x69: {  	[sflag:s24] =	ssyncset.done $0x0  }
0x6a: {  	[sflag:s24] =	ssyncadd.s32 $0xFFFFF000  }
0x6b: {  	v4 =	vld [tilespmem:$0x300]  }
0x6c: {  	v5 =	vld [tilespmem:$0x310]  }
0x6d: {  	v44 =	vld [tilespmem:$0x320]  }
0x6e: {  	v45 =	vld [tilespmem:$0x330]  }
0x6f: {  	v46 =	vld [tilespmem:$0x340]  }
0x70: {  	v47 =	vld [tilespmem:$0x350];
	v4 =	vsub.s32 v4, v0  }
0x71: {  	v48 =	vld [tilespmem:$0x360];
	v5 =	vsub.s32 v5, v0;
	vm12 =	vlt.u32 v4, $0xD6D8  }
0x72: {  	v49 =	vld [tilespmem:$0x370];
	v6 =	vsub.s32 v44, v0;
	vm13 =	vlt.u32 v5, $0xD6D8;
	v4 =	vsel vm12, v4, v3  }
0x73: {  	v50 =	vld [tilespmem:$0x380];
	vm14 =	vlt.u32 v6, $0xD6D8;
	[tilespmem:$0x500] =	vst v4;
	v4 =	vsel vm13, v5, v3;
	v5 =	vsub.s32 v45, v0  }
0x74: {  	v52 =	vld [tilespmem:$0x390];
	v51 =	vsub.s32 v46, v0;
	[tilespmem:$0x510] =	vst v4;
	v4 =	vsel vm14, v6, v3;
	vm15 =	vlt.u32 v5, $0xD6D8  }
0x75: {  	v53 =	vld [tilespmem:$0x3A0];
	vm4 =	vlt.u32 v51, $0xD6D8;
	[tilespmem:$0x520] =	vst v4;
	v4 =	vsel vm15, v5, v3;
	v5 =	vsub.s32 v47, v0  }
0x76: {  	v55 =	vld [tilespmem:$0x3B0];
	v54 =	vsub.s32 v48, v0;
	[tilespmem:$0x530] =	vst v4;
	v4 =	vsel vm4, v51, v3;
	vm5 =	vlt.u32 v5, $0xD6D8  }
0x77: {  	v56 =	vld [tilespmem:$0x3C0];
	vm6 =	vlt.u32 v54, $0xD6D8;
	[tilespmem:$0x540] =	vst v4;
	v4 =	vsel vm5, v5, v3;
	v5 =	vsub.s32 v49, v0  }
0x78: {  	v58 =	vld [tilespmem:$0x3D0];
	v57 =	vsub.s32 v50, v0;
	[tilespmem:$0x550] =	vst v4;
	v4 =	vsel vm6, v54, v3;
	vm7 =	vlt.u32 v5, $0xD6D8  }
0x79: {  	v59 =	vld [tilespmem:$0x3E0];
	vm8 =	vlt.u32 v57, $0xD6D8;
	[tilespmem:$0x560] =	vst v4;
	v4 =	vsel vm7, v5, v3;
	v5 =	vsub.s32 v52, v0  }
0x7a: {  	v61 =	vld [tilespmem:$0x3F0];
	v60 =	vsub.s32 v53, v0;
	[tilespmem:$0x570] =	vst v4;
	v4 =	vsel vm8, v57, v3;
	vm9 =	vlt.u32 v5, $0xD6D8  }
0x7b: {  	vm10 =	vlt.u32 v60, $0xD6D8;
	[tilespmem:$0x580] =	vst v4;
	v4 =	vsel vm9, v5, v3;
	v5 =	vsub.s32 v55, v0  }
0x7c: {  	v62 =	vsub.s32 v56, v0;
	[tilespmem:$0x590] =	vst v4;
	v4 =	vsel vm10, v60, v3;
	vm11 =	vlt.u32 v5, $0xD6D8  }
0x7d: {  	vm12 =	vlt.u32 v62, $0xD6D8;
	[tilespmem:$0x5A0] =	vst v4;
	v4 =	vsel vm11, v5, v3;
	v5 =	vsub.s32 v58, v0  }
0x7e: {  	v63 =	vsub.s32 v59, v0;
	[tilespmem:$0x5B0] =	vst v4;
	v4 =	vsel vm12, v62, v3;
	vm13 =	vlt.u32 v5, $0xD6D8  }
0x7f: {  	vm14 =	vlt.u32 v63, $0xD6D8;
	[tilespmem:$0x5C0] =	vst v4;
	v4 =	vsel vm13, v5, v3;
	v5 =	vsub.s32 v61, v0  }
0x80: {  	[tilespmem:$0x5D0] =	vst v4;
	v4 =	vsel vm14, v63, v3;
	vm15 =	vlt.u32 v5, $0xD6D8  }
0x81: {  	[tilespmem:$0x5E0] =	vst v4;
	v4 =	vsel vm15, v5, v3  }
0x82: {  	s29 =	sadd.s32 $0x28C0, s29;
	[tilespmem:$0x5F0] =	vst v4  }
0x83: {  	[tilespmem:s15], [sflag:$0x2] =	stream.linear.gather [hbm4b:s29+s4], $0x200, $0x38;
	[tilespmem:$0x1EFE0] =	vst v63  }
0x84: {  	_ =	swait.ge [sflag:s16], $0x200  }
0x85: {  	[sflag:s16] =	ssyncset.done $0x0  }
0x86: {  	[sflag:s16] =	ssyncadd.s32 $0xFFFFFE00  }
0x87: {  	[tilespmem:s18], [sflag:$0x3] =	stream.indirect.gather [hbm4b:s5+s17], $0x10, s4, s17, $0xb8;
	[tilespmem:$0x1EFE0] =	vst v63  }
0x88: {  	_ = 	snop  }
0x89: {  	[spmem:s2] =	stream.indirect.scatter.add.f32 [tilespmem:s21], [sflag:$0x5], $0x10, s25, s17, $0xb8;
	[tilespmem:$0x1EFE0] =	vst v63  }
0x8a: {  	_ =	swait.ge [sflag:s13], $0x1000  }
0x8b: {  	p1 =	sne.s32 s28, $0xFFFFFF80;
	[sflag:s13] =	ssyncset.done $0x0  }
.Ltmp2:
0x8c: {  	[sflag:s13] =	ssyncadd.s32 $0xFFFFF000;
	(pc) =	sbr.rel @p1 .LBB2_6-.Ltmp2, $4  }
0x8d: {  	[spmem:s3] =	stream.indirect.scatter.add.f32 [tilespmem:s23], [sflag:$0x5], $0x1, s25, s17, $0xb8;
	[tilespmem:$0x1EFE0] =	vst v63  }
0x8e: {  	_ =	swait.ge [sflag:s13], $0x100  }
0x8f: {  	[sflag:s13] =	ssyncset.done $0x0  }
0x90: {  	s28 =	sadd.s32 $0x80, s28;
	[sflag:s13] =	ssyncadd.s32 $0xFFFFFF00  }
0x91: {  	_ =	swait.ge [sflag:s19], $0x1000  }
0x92: {  	[sflag:s19] =	ssyncset.done $0x0  }
0x93: {  	[sflag:s19] =	ssyncadd.s32 $0xFFFFF000  }
0x94: {  	_ =	swait.ge [sflag:s20], $0x200  }
0x95: {  	[sflag:s20] =	ssyncset.done $0x0  }
0x96: {  	[sflag:s20] =	ssyncadd.s32 $0xFFFFFE00  }
0x97: {  	[bflag:$0x0] =	sbarrier.arrive $0xFFFF  }
0x98: {  	[tilespmem:s12], [sflag:$0x5] =	stream.linear.gather [spmem:s6], $0xD700, $0x38;
	[tilespmem:$0x1EFE0] =	vst v63  }
0x99: {  	_ =	swait.ge [sflag:s13], $0xD700  }
0x9a: {  	[sflag:s13] =	ssyncset.done $0x0  }
0x9b: {  	[sflag:s13] =	ssyncadd.s32 $0xFFFF2900  }
0x9c: {  	[tilespmem:s14], [sflag:$0x5] =	stream.linear.gather [spmem:s7], $0xD70, $0x38;
	[tilespmem:$0x1EFE0] =	vst v63  }
0x9d: {  	_ =	swait.ge [sflag:s13], $0xD70  }
0x9e: {  	[sflag:s13] =	ssyncset.done $0x0  }
0x9f: {  	s28 =	simm.s32 $0x0;
	[sflag:s13] =	ssyncadd.s32 $0xFFFFF290  }
0xa0: {  	v4 =	vld [tilespmem:s28+$0xFE00];
	_ =	sdelay $0x4  }
0xa1: {  	v4 =	vmax.f32 v4, $1.000000000e+00  }
0xa2: {  	(erf) = vrcp.f32 v4;
	_ =	sdelay $0x5  }
0xa3: {  	s28 =	simm.s32 $0x2780  }
0xa4: {  	v4 =	vld [tilespmem:s28+$0xFFFFFF80]  }
0xa5: {  	v5 =	vld [tilespmem:s28+$0xFFFFFF90]  }
0xa6: {  	v6 =	vld [tilespmem:s28+$0xFFFFFFA0];
	v7 =	vpop (erf)  }
0xa7: {  	v8 =	vld [tilespmem:s28+$0xFFFFFFB0];
	v9 =	vbroadcast v7, $0x0  }
0xa8: {  	v12 =	vld [tilespmem:s28+$0xFFFFFFD0];
	v10 =	vbroadcast v7, $0x1  }
0xa9: {  	v11 =	vld [tilespmem:s28+$0xFFFFFFC0];
	v13 =	vbroadcast v7, $0x2;
	v4 =	vmul.f32 v9, v4  }
0xaa: {  	v49 =	vld [tilespmem:s28+$0xFFFFFFE0];
	v48 =	vbroadcast v7, $0x3;
	v5 =	vmul.f32 v10, v5  }
0xab: {  	v51 =	vld [tilespmem:s28+$0x10];
	v50 =	vbroadcast v7, $0x5;
	v6 =	vmul.f32 v6, v13;
	[tilespmem:s28+$0xFFFFFF80] =	vst v4  }
0xac: {  	v14 =	vld [tilespmem:s28+$0xFFFFFFF0];
	v8 =	vmul.f32 v8, v48;
	v4 =	vbroadcast v7, $0x4;
	[tilespmem:s28+$0xFFFFFF90] =	vst v5  }
0xad: {  	v15 =	vbroadcast v7, $0x6;
	v9 =	vmul.f32 v12, v50;
	v5 =	vld [tilespmem:s28+$0x0];
	[tilespmem:s28+$0xFFFFFFA0] =	vst v6  }
0xae: {  	v57 =	vld [tilespmem:s28+$0x50];
	v55 =	vbroadcast v7, $0x9;
	[tilespmem:s28+$0xFFFFFFB0] =	vst v8;
	v4 =	vmul.f32 v11, v4  }
0xaf: {  	v53 =	vld [tilespmem:s28+$0x20];
	v52 =	vbroadcast v7, $0x7;
	v10 =	vmul.f32 v49, v15;
	[tilespmem:s28+$0xFFFFFFD0] =	vst v9  }
0xb0: {  	v54 =	vld [tilespmem:s28+$0x30];
	v59 =	vmul.f32 v51, v55;
	[tilespmem:s28+$0xFFFFFFC0] =	vst v4;
	v4 =	vbroadcast v7, $0x8  }
0xb1: {  	v56 =	vld [tilespmem:s28+$0x40];
	v62 =	vbroadcast v7, $0xD;
	v6 =	vmul.f32 v14, v52;
	[tilespmem:s28+$0xFFFFFFE0] =	vst v10  }
0xb2: {  	v60 =	vld [tilespmem:s28+$0x60];
	v58 =	vbroadcast v7, $0xA;
	[tilespmem:s28+$0x10] =	vst v59;
	v4 =	vmul.f32 v5, v4  }
0xb3: {  	v61 =	vld [tilespmem:s28+$0x70];
	v8 =	vmul.f32 v57, v62;
	[tilespmem:s28+$0xFFFFFFF0] =	vst v6;
	v5 =	vbroadcast v7, $0xB  }
0xb4: {  	v11 =	vmul.f32 v53, v58;
	[tilespmem:s28+$0x0] =	vst v4;
	v4 =	vbroadcast v7, $0xC  }
0xb5: {  	v63 =	vbroadcast v7, $0xE;
	[tilespmem:s28+$0x50] =	vst v8;
	v5 =	vmul.f32 v54, v5  }
0xb6: {  	[tilespmem:s28+$0x20] =	vst v11;
	v7 =	vbroadcast v7, $0xF;
	v4 =	vmul.f32 v56, v4  }
0xb7: {  	[tilespmem:s28+$0x30] =	vst v5;
	v5 =	vmul.f32 v60, v63  }
0xb8: {  	[tilespmem:s28+$0x40] =	vst v4;
	v4 =	vmul.f32 v61, v7  }
0xb9: {  	[tilespmem:s28+$0x60] =	vst v5  }
0xba: {  	s30 =	simm.s32 $0x10;
	s29 =	simm.s32 $0x80;
	[tilespmem:s28+$0x70] =	vst v4  }
.LBB2_8:
0xbb: {  	p1 =	sne.s32 s29, $0x3580;
	v4 =	vld [tilespmem:s30+$0xFE00];
	_ =	sdelay $0x4  }
0xbc: {  	v4 =	vmax.f32 v4, $1.000000000e+00  }
0xbd: {  	(erf) = vrcp.f32 v4;
	_ =	sdelay $0x3  }
0xbe: {  	s28 =	sadd.s32 $0x100, s28  }
0xbf: {  	v4 =	vld [tilespmem:s28+$0xFFFFFFB0]  }
0xc0: {  	v5 =	vld [tilespmem:s28+$0xFFFFFF90]  }
0xc1: {  	v6 =	vld [tilespmem:s28+$0xFFFFFF80]  }
0xc2: {  	v7 =	vld [tilespmem:s28+$0xFFFFFFA0]  }
0xc3: {  	v8 =	vld [tilespmem:s28+$0xFFFFFFF0];
	v9 =	vpop (erf)  }
0xc4: {  	v10 =	vbroadcast v9, $0x0;
	v11 =	vbroadcast v9, $0x1;
	v12 =	vld [tilespmem:s28+$0xFFFFFFD0]  }
0xc5: {  	v13 =	vbroadcast v9, $0x2;
	v14 =	vbroadcast v9, $0x3;
	v15 =	vld [tilespmem:s28+$0xFFFFFFC0]  }
0xc6: {  	v6 =	vmul.f32 v10, v6;
	v5 =	vmul.f32 v11, v5;
	v10 =	vld [tilespmem:s28+$0xFFFFFFE0]  }
0xc7: {  	v4 =	vmul.f32 v4, v14;
	v7 =	vmul.f32 v7, v13;
	v11 =	vld [tilespmem:s28+$0x30]  }
0xc8: {  	v13 =	vbroadcast v9, $0x5;
	[tilespmem:s28+$0xFFFFFF80] =	vst v6;
	v6 =	vbroadcast v9, $0x4;
	v14 =	vld [tilespmem:s28+$0x10]  }
0xc9: {  	v16 =	vbroadcast v9, $0x7;
	[tilespmem:s28+$0xFFFFFF90] =	vst v5;
	v5 =	vbroadcast v9, $0x6;
	v17 =	vld [tilespmem:s28+$0x0]  }
0xca: {  	[tilespmem:s28+$0xFFFFFFA0] =	vst v7;
	v6 =	vmul.f32 v15, v6;
	v7 =	vmul.f32 v12, v13;
	v12 =	vld [tilespmem:s28+$0x20]  }
0xcb: {  	[tilespmem:s28+$0xFFFFFFB0] =	vst v4;
	v4 =	vmul.f32 v10, v5;
	v5 =	vmul.f32 v8, v16;
	v8 =	vld [tilespmem:s28+$0x70]  }
0xcc: {  	v10 =	vbroadcast v9, $0x9;
	[tilespmem:s28+$0xFFFFFFC0] =	vst v6;
	v6 =	vbroadcast v9, $0x8;
	v13 =	vld [tilespmem:s28+$0x50]  }
0xcd: {  	v15 =	vbroadcast v9, $0xB;
	[tilespmem:s28+$0xFFFFFFD0] =	vst v7;
	v7 =	vbroadcast v9, $0xA;
	v16 =	vld [tilespmem:s28+$0x40]  }
0xce: {  	[tilespmem:s28+$0xFFFFFFE0] =	vst v4;
	v4 =	vmul.f32 v17, v6;
	v6 =	vmul.f32 v14, v10;
	v10 =	vld [tilespmem:s28+$0x60]  }
0xcf: {  	[tilespmem:s28+$0xFFFFFFF0] =	vst v5;
	v5 =	vmul.f32 v12, v7;
	v7 =	vmul.f32 v11, v15  }
0xd0: {  	v11 =	vbroadcast v9, $0xD;
	[tilespmem:s28+$0x0] =	vst v4;
	v4 =	vbroadcast v9, $0xC  }
0xd1: {  	[tilespmem:s28+$0x10] =	vst v6;
	v6 =	vbroadcast v9, $0xE;
	v9 =	vbroadcast v9, $0xF  }
0xd2: {  	[tilespmem:s28+$0x20] =	vst v5;
	v4 =	vmul.f32 v16, v4;
	v5 =	vmul.f32 v13, v11  }
.Ltmp3:
0xd3: {  	[tilespmem:s28+$0x30] =	vst v7;
	v6 =	vmul.f32 v10, v6;
	v7 =	vmul.f32 v8, v9;
	(pc) =	sbr.rel @p1 .LBB2_8-.Ltmp3, $4  }
0xd4: {  	[tilespmem:s28+$0x40] =	vst v4  }
0xd5: {  	[tilespmem:s28+$0x50] =	vst v5  }
0xd6: {  	[tilespmem:s28+$0x60] =	vst v6  }
0xd7: {  	s30 =	sshra.s32 s29, $0x2;
	s29 =	sadd.s32 $0x40, s29;
	[tilespmem:s28+$0x70] =	vst v7  }
0xd8: {  	v4 =	vld [tilespmem:s30+$0xFE00];
	_ =	sdelay $0x4  }
0xd9: {  	v4 =	vmax.f32 v4, $1.000000000e+00  }
0xda: {  	(erf) = vrcp.f32 v4;
	_ =	sdelay $0x5  }
0xdb: {  	s28 =	sadd.s32 $0x100, s28  }
0xdc: {  	v4 =	vld [tilespmem:s28+$0xFFFFFF80]  }
0xdd: {  	v5 =	vld [tilespmem:s28+$0xFFFFFF90]  }
0xde: {  	v6 =	vld [tilespmem:s28+$0xFFFFFFA0];
	v7 =	vpop (erf)  }
0xdf: {  	v8 =	vld [tilespmem:s28+$0xFFFFFFB0];
	v9 =	vbroadcast v7, $0x0  }
0xe0: {  	v12 =	vld [tilespmem:s28+$0xFFFFFFD0];
	v10 =	vbroadcast v7, $0x1  }
0xe1: {  	v11 =	vld [tilespmem:s28+$0xFFFFFFC0];
	v13 =	vbroadcast v7, $0x2;
	v4 =	vmul.f32 v9, v4  }
0xe2: {  	v49 =	vld [tilespmem:s28+$0xFFFFFFE0];
	v48 =	vbroadcast v7, $0x3;
	v5 =	vmul.f32 v10, v5  }
0xe3: {  	v51 =	vld [tilespmem:s28+$0x10];
	v50 =	vbroadcast v7, $0x5;
	v6 =	vmul.f32 v6, v13;
	[tilespmem:s28+$0xFFFFFF80] =	vst v4  }
0xe4: {  	v14 =	vld [tilespmem:s28+$0xFFFFFFF0];
	v8 =	vmul.f32 v8, v48;
	v4 =	vbroadcast v7, $0x4;
	[tilespmem:s28+$0xFFFFFF90] =	vst v5  }
0xe5: {  	v15 =	vbroadcast v7, $0x6;
	v9 =	vmul.f32 v12, v50;
	v5 =	vld [tilespmem:s28+$0x0];
	[tilespmem:s28+$0xFFFFFFA0] =	vst v6  }
0xe6: {  	v57 =	vld [tilespmem:s28+$0x50];
	v55 =	vbroadcast v7, $0x9;
	[tilespmem:s28+$0xFFFFFFB0] =	vst v8;
	v4 =	vmul.f32 v11, v4  }
0xe7: {  	v53 =	vld [tilespmem:s28+$0x20];
	v52 =	vbroadcast v7, $0x7;
	v10 =	vmul.f32 v49, v15;
	[tilespmem:s28+$0xFFFFFFD0] =	vst v9  }
0xe8: {  	v54 =	vld [tilespmem:s28+$0x30];
	v59 =	vmul.f32 v51, v55;
	[tilespmem:s28+$0xFFFFFFC0] =	vst v4;
	v4 =	vbroadcast v7, $0x8  }
0xe9: {  	v56 =	vld [tilespmem:s28+$0x40];
	v62 =	vbroadcast v7, $0xD;
	v6 =	vmul.f32 v14, v52;
	[tilespmem:s28+$0xFFFFFFE0] =	vst v10  }
0xea: {  	v60 =	vld [tilespmem:s28+$0x60];
	v58 =	vbroadcast v7, $0xA;
	[tilespmem:s28+$0x10] =	vst v59;
	v4 =	vmul.f32 v5, v4  }
0xeb: {  	v61 =	vld [tilespmem:s28+$0x70];
	v8 =	vmul.f32 v57, v62;
	[tilespmem:s28+$0xFFFFFFF0] =	vst v6;
	v5 =	vbroadcast v7, $0xB  }
0xec: {  	v11 =	vmul.f32 v53, v58;
	[tilespmem:s28+$0x0] =	vst v4;
	v4 =	vbroadcast v7, $0xC  }
0xed: {  	v63 =	vbroadcast v7, $0xE;
	[tilespmem:s28+$0x50] =	vst v8;
	v5 =	vmul.f32 v54, v5  }
0xee: {  	[tilespmem:s28+$0x20] =	vst v11;
	v7 =	vbroadcast v7, $0xF;
	v4 =	vmul.f32 v56, v4  }
0xef: {  	[tilespmem:s28+$0x30] =	vst v5;
	v5 =	vmul.f32 v60, v63  }
0xf0: {  	[tilespmem:s28+$0x40] =	vst v4;
	v4 =	vmul.f32 v61, v7  }
0xf1: {  	[tilespmem:s28+$0x60] =	vst v5  }
0xf2: {  	s29 =	simm.s32 @p0 $0x2700;
	[tilespmem:s28+$0x70] =	vst v4;
	s28 =	simm.s32 @p0 $0x0  }
0xf3: {  	[hbm4b:s10+s28] =	stream.linear.scatter @p0 [tilespmem:s29], [sflag:$0x5], $0xD480, $0x38;
	[tilespmem:$0x1EFE0] =	vst v63  }
0xf4: {  	s28 =	simm.s32 @p0 $0x5  }
0xf5: {  	s26 =	sadd.s32 $0x1, s26;
	_ =	swait.ge @p0 [sflag:s28], $0xD480  }
0xf6: {  	p1 =	sne.s32 s26, s11;
	[sflag:s28] =	ssyncset.done @p0 $0x0  }
0xf7: {  	s29 =	simm.s32 @!p0 $0x2700;
	[sflag:s28] =	ssyncadd.s32 @p0 $0xFFFF2B80;
	s28 =	simm.s32 @!p0 $0x0  }
0xf8: {  	[hbm4b:s10+s28] =	stream.linear.scatter @!p0 [tilespmem:s29], [sflag:$0x5], $0xD700, $0x38;
	[tilespmem:$0x1EFE0] =	vst v63  }
.Ltmp4:
0xf9: {  	_ = 	snop;
	(pc) =	sbr.rel @p1 .LBB2_1-.Ltmp4, $4  }
0xfa: {  	s28 =	simm.s32 @!p0 $0x5  }
0xfb: {  	_ =	swait.ge @!p0 [sflag:s28], $0xD700  }
0xfc: {  	[sflag:s28] =	ssyncset.done @!p0 $0x0  }
0xfd: {  	[sflag:s28] =	ssyncadd.s32 @!p0 $0xFFFF2900  }
0xfe: {  	_ =	sfence.sel $0x180000  }
0xff: {  	[bflag:$0x0] =	sbarrier.arrive $0xFFFF  }
0x100: {  	p0 =	sne.s32 s1, $0x0;
	_ =	strace $0x90000047  }
0x101: {  	s0 =	sadd.s32 @!p0 $0x100000, s0;
	[bflag:$0x2] =	sbarrier.arrive $0xFFFF  }
0x102: {  	[sflag:s0] =	ssyncadd.tile.s32 @!p0 $0x1;
	_ =	shalt  }
.Lfunc_end2:
_tile_overlayer_lowered:
.L_overlay_start_2:
0x103: {  	(tag) =	ssettag $0x2  }
0x104: {  	s0 =	rddreg [dreg:$0x0];
	s2 =	stileid.u32  }
0x105: {  	s1 =	rddreg [dreg:$0x1];
	p0 =	sne.s32 s2, $0x0  }
0x106: {  	s3 =	rddreg [dreg:$0x2];
	[bflag:$0x3] =	sbarrier.arrive $0xFFFF;
	s2 =	simm.s32 @!p0 $0x1C05  }
0x107: {  	[timem:s3], [sflag:s2] =	dma.local @!p0 [hbm:s0], s1  }
0x108: {  	s0 =	simm.s32 @!p0 $0x5  }
0x109: {  	_ =	swait.ge @!p0 [sflag:s0], s1  }
0x10a: {  	s1 =	ssub.s32 @!p0 $0x0, s1;
	[sflag:s0] =	ssyncset.done @!p0 $0x0  }
0x10b: {  	[sflag:s0] =	ssyncadd.s32 @!p0 s1  }
0x10c: {  	[bflag:$0x3] =	sbarrier.arrive $0xFFFF  }
0x10d: {  	_ =	shalt  }

// kernel: sc_edge_agg.7.cloned.1.call-start
scs
__scs_entry_jumppad:
0x0: {  	(pc) =	sbr.rel $0x88, $3  }
0x1: {  	(tag) =	ssettag $0x0;
	lr =	simm.s32 $0x1  }
0x2: {  	[smem:$0x3F99] =	sst lr;
	_ =	strace $0xD0000000  }
0x3: {  	_ = 	snop  }
0x4: {  	_ = 	snop  }
0x5: {  	_ = 	snop  }
0x6: {  	_ = 	snop  }
0x7: {  	_ = 	snop  }
__scs_overlays_trampoline_lowered:
0x8: {  	[smem:$0x3FA8] =	sst s0  }
0x9: {  	[smem:$0x3FA9] =	sst s1  }
0xa: {  	[smem:$0x3FAA] =	sst s2  }
0xb: {  	[smem:$0x3FAB] =	sst s3  }
0xc: {  	[smem:$0x3FAC] =	sst s4  }
0xd: {  	[smem:$0x3FAD] =	sst s5  }
0xe: {  	[smem:$0x3FAE] =	sst s6  }
0xf: {  	[smem:$0x3FAF] =	sst s7  }
0x10: {  	[smem:$0x3FB0] =	sst s8  }
0x11: {  	[smem:$0x3FB1] =	sst s9;
	s0 =	simm.s32 @!p0 $0x0  }
0x12: {  	s1 =	sld [smem:$0x3F97];
	s0 =	simm.s32 @p0 $0x1  }
0x13: {  	[smem:$0x3FB2] =	sst s0;
	s0 =	simm.s32 @!p1 $0x0  }
0x14: {  	s2 =	sld [smem:$0x3F96];
	s0 =	simm.s32 @p1 $0x1  }
0x15: {  	[smem:$0x3FB3] =	sst s0;
	s0 =	simm.s32 @!p2 $0x0  }
0x16: {  	s3 =	sld [smem:$0x3FDB];
	s0 =	simm.s32 @p2 $0x1  }
0x17: {  	s4 =	simm.s32 $0x1BF5;
	[smem:$0x3FB5] =	sst s0  }
0x18: {  	s0 =	sld [smem:$0x3F98];
	_ =	swait.ge [sflag:s4], $0x0  }
0x19: {  	s7 =	sld [smem:$0x3F99]  }
0x1a: {  	s8 =	sadd.s32 $0xFFFFE003, lr  }
0x1b: {  	s9 =	sadd.s32 $0xFFFFFEF7, lr;
	s5 =	simm.s32 $0xFFFFFFFF;
	p2 =	slt.u32 s8, $0xFFFFF086  }
0x1c: {  	p1 =	slt.u32 s9, $0xF7A;
	s5 =	simm.s32 @!p2 $0x0  }
0x1d: {  	s5 =	simm.s32 @p1 $0x1;
	p0 =	seq.s32 s7, s2  }
0x1e: {  	s7 =	smul.u32 @!p0 $0xF7A, s2;
	p2 =	seq.s32 @!p0 s5, $0x0  }
0x1f: {  	s9 =	smul.u32 $0xF7A, s1;
	s8 =	simm.s32 @!p0 $0x1BF5;
	p2 =	por !p2, p0  }
0x20: {  	[sflag:s8] =	ssyncset.s32 @!p0 $0xFFFFF086;
	s6 =	sadd.s32 @!p0 s3, s7;
	s7 =	simm.s32 @!p0 $0x108  }
0x21: {  	s3 =	sadd.s32 s3, s9;
	s6 =	sadd.s32 @!p0 $0x88, s6;
	s7 =	simm.s32 @p2 $0x1082  }
0x22: {  	[simem:s7], [sflag:s8] =	dma.local @!p0 [hbm:s6], $0xF7A  }
0x23: {  	s9 =	sor.u32 $0xD0000000, s2;
	s6 =	simm.s32 $0x108;
	_ =	swait.ge @!p0 [sflag:s8], $0x0  }
0x24: {  	s3 =	sadd.s32 $0x88, s3;
	s6 =	simm.s32 @!p1 $0x1082;
	[sflag:s4] =	ssyncset.s32 $0xFFFFF086  }
0x25: {  	[simem:s6], [sflag:s4] =	dma.local [hbm:s3], $0xF7A  }
0x26: {  	[smem:$0x3F99] =	sst s1;
	(tag) =	ssettag s2;
	_ =	strace s9  }
0x27: {  	s1 =	sld [smem:$0x3FA9]  }
0x28: {  	s2 =	sld [smem:$0x3FAA]  }
0x29: {  	s4 =	sld [smem:$0x3FAC]  }
0x2a: {  	p0 =	seq.s32 s5, $0x0;
	s5 =	sld [smem:$0x3FAD]  }
0x2b: {  	s6 =	sld [smem:$0x3FAE]  }
0x2c: {  	s7 =	sld [smem:$0x3FAF]  }
0x2d: {  	s3 =	simm.s32 $0x108;
	s8 =	sld [smem:$0x3FB0]  }
0x2e: {  	s3 =	simm.s32 @!p0 $0x1082;
	s9 =	sld [smem:$0x3FB1]  }
0x2f: {  	lr =	sadd.s32 s0, s3;
	s0 =	sld [smem:$0x3FA8]  }
0x30: {  	s3 =	sld [smem:$0x3FAB]  }
0x31: {  	[smem:$0x3FB4] =	sst s10  }
0x32: {  	s10 =	sld [smem:$0x3FB2];
	_ =	sdelay $0x3  }
0x33: {  	p0 =	seq.s32 s10, $0x1;
	s10 =	sld [smem:$0x3FB4];
	_ =	sdelay $0x3  }
0x34: {  	[smem:$0x3FB4] =	sst s10  }
0x35: {  	s10 =	sld [smem:$0x3FB3];
	_ =	sdelay $0x3  }
0x36: {  	p1 =	seq.s32 s10, $0x1;
	s10 =	sld [smem:$0x3FB4];
	_ =	sdelay $0x3  }
0x37: {  	[smem:$0x3FB4] =	sst s10  }
0x38: {  	s10 =	sld [smem:$0x3FB5]  }
0x39: {  	_ = 	snop;
	(pc) =	sbr.ind lr, $3  }
0x3a: {  	_ = 	snop  }
0x3b: {  	_ = 	snop  }
0x3c: {  	p2 =	seq.s32 s10, $0x1;
	s10 =	sld [smem:$0x3FB4]  }
0x3d: {  	_ =	shalt  }
0x3e: {  	_ =	shalt  }
0x3f: {  	_ =	shalt  }
0x40: {  	_ =	shalt  }
0x41: {  	_ =	shalt  }
0x42: {  	_ =	shalt  }
0x43: {  	_ =	shalt  }
0x44: {  	_ =	shalt  }
0x45: {  	_ =	shalt  }
0x46: {  	_ =	shalt  }
0x47: {  	_ =	shalt  }
0x48: {  	_ =	shalt  }
0x49: {  	_ =	shalt  }
0x4a: {  	_ =	shalt  }
0x4b: {  	_ =	shalt  }
0x4c: {  	_ =	shalt  }
0x4d: {  	_ =	shalt  }
0x4e: {  	_ =	shalt  }
0x4f: {  	_ =	shalt  }
0x50: {  	_ =	shalt  }
0x51: {  	_ =	shalt  }
0x52: {  	_ =	shalt  }
0x53: {  	_ =	shalt  }
0x54: {  	_ =	shalt  }
0x55: {  	_ =	shalt  }
0x56: {  	_ =	shalt  }
0x57: {  	_ =	shalt  }
0x58: {  	_ =	shalt  }
0x59: {  	_ =	shalt  }
0x5a: {  	_ =	shalt  }
0x5b: {  	_ =	shalt  }
0x5c: {  	_ =	shalt  }
0x5d: {  	_ =	shalt  }
0x5e: {  	_ =	shalt  }
0x5f: {  	_ =	shalt  }
0x60: {  	_ =	shalt  }
0x61: {  	_ =	shalt  }
0x62: {  	_ =	shalt  }
0x63: {  	_ =	shalt  }
0x64: {  	_ =	shalt  }
0x65: {  	_ =	shalt  }
0x66: {  	_ =	shalt  }
0x67: {  	_ =	shalt  }
0x68: {  	_ =	shalt  }
0x69: {  	_ =	shalt  }
0x6a: {  	_ =	shalt  }
0x6b: {  	_ =	shalt  }
0x6c: {  	_ =	shalt  }
0x6d: {  	_ =	shalt  }
0x6e: {  	_ =	shalt  }
0x6f: {  	_ =	shalt  }
0x70: {  	_ =	shalt  }
0x71: {  	_ =	shalt  }
0x72: {  	_ =	shalt  }
0x73: {  	_ =	shalt  }
0x74: {  	_ =	shalt  }
0x75: {  	_ =	shalt  }
0x76: {  	_ =	shalt  }
0x77: {  	_ =	shalt  }
0x78: {  	_ =	shalt  }
0x79: {  	_ =	shalt  }
0x7a: {  	_ =	shalt  }
0x7b: {  	_ =	shalt  }
0x7c: {  	_ =	shalt  }
0x7d: {  	_ =	shalt  }
0x7e: {  	_ =	shalt  }
0x7f: {  	_ =	shalt  }
0x80: {  	_ =	shalt  }
0x81: {  	_ =	shalt  }
0x82: {  	_ =	shalt  }
0x83: {  	_ =	shalt  }
0x84: {  	_ =	shalt  }
0x85: {  	_ =	shalt  }
0x86: {  	_ =	shalt  }
0x87: {  	_ =	shalt  }
.Lfunc_end0:
.L_simem_size_0:
called_computation.1_lowered:
.L_overlay_start_0:
0x88: {  	s2 =	sld [smem:$0x3FD9]  }
0x89: {  	s3 =	sld [smem:$0x3FFE];
	_ =	sdelay $0x1  }
0x8a: {  	s1 =	srdreg.scid  }
0x8b: {  	s0 =	sand.u32 $0x1, s1  }
0x8c: {  	s16 =	sshll.u32 s0, $0xA;
	s2 =	sadd.s32 s3, s2  }
0x8d: {  	s2 =	sadd.s32 s2, s16  }
0x8e: {  	[smem:$0x3FC0] =	sst s2  }
0x8f: {  	_ = 	snop  }
0x90: {  	(tm) =	ssettm $0x1  }
0x91: {  	s17 =	sld [smem:$0x3FFB];
	_ =	sdelay $0x3  }
0x92: {  	_ =	strace s17  }
0x93: {  	s2 =	sld [smem:$0x3FFC];
	_ =	sdelay $0x3  }
0x94: {  	_ =	strace s2  }
0x95: {  	s2 =	sld [smem:$0x3FFD];
	_ =	sdelay $0x3  }
0x96: {  	_ =	strace s2  }
0x97: {  	_ =	strace $0x8FFFFFFF  }
0x98: {  	s18 =	sld [smem:$0x3FDB];
	_ =	sdelay $0x1  }
0x99: {  	s19 =	simm.s32 $_scs_section_size  }
0x9a: {  	s4 =	simm.s32 $_size__tile_overlayer_lowered;
	s5 =	simm.s32 $_tile_overlayer_lowered  }
0x9b: {  	s22 =	simm.s32 $0x1BFF;
	s21 =	sshll.u32 s5, $0x1;
	s2 =	sadd.s32 s19, s18  }
0x9c: {  	s6 =	simm.s32 $0x0;
	s20 =	sshll.u32 s4, $0x1;
	s4 =	sadd.s32 s21, s2  }
0x9d: {  	[timem:s6], [sflag:s22] =	dma.local [hbm:s4], s20  }
0x9e: {  	_ =	swait.ge [sflag:s22], s20  }
0x9f: {  	s3 =	ssub.s32 $0x0, s20;
	[sflag:s22] =	ssyncset.done $0x0  }
0xa0: {  	[sflag:s22] =	ssyncadd.s32 s3;
	_ =	sdelay $0x1  }
0xa1: {  	s23 =	simm.s32 $0x1B8B  }
0xa2: {  	_ =	swait.ge [sflag:s23], $0x1  }
0xa3: {  	[sflag:s23] =	ssyncset.done $0x0  }
0xa4: {  	s25 =	simm.s32 $0x1B8E;
	s24 =	sld [smem:$0x3FFE];
	[sflag:s23] =	ssyncadd.s32 $0xFFFFFFFF  }
0xa5: {  	s26 =	simm.s32 $execute0_lowered;
	[smem:$0x3FD2] =	sst s25  }
0xa6: {  	s4 =	sshll.u32 s26, $0x1;
	_ =	strace $0x80000049;
	[dreg:$0x1] =	wrdreg $0xFFFFFFFF  }
0xa7: {  	s28 =	simm.s32 $_size_execute0_lowered;
	s2 =	sadd.s32 s2, s4;
	[dreg:$0x0] =	wrdreg $0x0  }
0xa8: {  	s4 =	sshll.u32 s28, $0x1;
	[dreg:$0x2] =	wrdreg s2  }
0xa9: {  	[dreg:$0x3] =	wrdreg s4  }
0xaa: {  	[dreg:$0x4] =	wrdreg $0xC0  }
0xab: {  	_ =	task [dreg:s6], $0x5FFFF  }
0xac: {  	[dreg:$0x1] =	wrdreg $0xFFFFFFFF  }
0xad: {  	[dreg:$0x0] =	wrdreg $0x60  }
0xae: {  	[dreg:$0x2] =	wrdreg s24  }
0xaf: {  	[dreg:$0x3] =	wrdreg $0x10B700  }
0xb0: {  	[dreg:$0x4] =	wrdreg $0x1E2700  }
0xb1: {  	[dreg:$0x5] =	wrdreg $0x9  }
0xb2: {  	_ =	task.clear_ibuf [dreg:s6], $0x6FFFF;
	_ =	strace $0x90000049  }
0xb3: {  	s29 =	simm.s32 $0x9;
	_ =	strace $0x8000004B  }
0xb4: {  	_ =	swait.ge [sflag:s29], $0x1  }
0xb5: {  	[sflag:s29] =	ssyncadd.s32 $0xFFFFFFFF  }
0xb6: {  	_ =	strace $0x9000004B  }
0xb7: {  	_ =	sfence  }
0xb8: {  	s30 =	sld [smem:$0x0];
	_ =	sdelay $0x2  }
0xb9: {  	s31 =	sshll.u32 s1, $0xD;
	s1 =	sshrl.u32 s1, $0x2  }
0xba: {  	s3 =	sand.u32 $0x4000, s31;
	s1 =	sadd.s32 s1, s30  }
0xbb: {  	s0 =	sor.u32 s3, s0;
	s1 =	sshll.u32 s1, $0x11  }
0xbc: {  	s0 =	sor.u32 s1, s0  }
0xbd: {  	s0 =	sadd.s32 $0x8F2B, s0  }
0xbe: {  	[sflag:s0] =	ssyncadd.remote.s32 $0x1  }
0xbf: {  	_ =	sfence.sel $0xFFFF  }
0xc0: {  	[dreg:$0x0] =	wrdreg $0xFFFFFFFF;
	(pc) =	sbr.abs _section_cstart, $3  }
0xc1: {  	[dreg:$0x1] =	wrdreg $0xFFFFFFFF  }
0xc2: {  	_ =	task.clear_ibuf [dreg:s6], $0x2FFFF;
	_ =	strace $0x9FFFFFFF  }
0xc3: {  	(tm) =	ssettm $0x7FFFFFFF  }
tec
execute0_lowered:
.L_overlay_start_1:
0x0: {  	(tag) =	ssettag $0x1  }
0x1: {  	s6 =	rddreg [dreg:$0x0]  }
0x2: {  	s2 =	rddreg [dreg:$0x1]  }
0x3: {  	s3 =	rddreg [dreg:$0x2]  }
0x4: {  	s0 =	rddreg [dreg:$0x3]  }
0x5: {  	s1 =	stileid.u32;
	s7 =	srdreg.scid  }
0x6: {  	s4 =	simm.s32 $0x0;
	s13 =	simm.s32 $0x5;
	s14 =	simm.s32 $0xFE00  }
0x7: {  	s15 =	simm.s32 $0x200;
	s16 =	simm.s32 $0x1;
	s17 =	simm.s32 $0x100  }
0x8: {  	s18 =	simm.s32 $0x600;
	s19 =	simm.s32 $0x3;
	s20 =	simm.s32 $0x2  }
0x9: {  	s21 =	simm.s32 $0x1600;
	s23 =	simm.s32 $0x2600;
	s5 =	smul.u32 $0x2800, s1  }
0xa: {  	s24 =	simm.s32 $0x4;
	s25 =	simm.s32 $0x500;
	s8 =	smul.u32 $0xD70, s1  }
0xb: {  	s26 =	simm.s32 $0x0;
	s7 =	sand.u32 $0x1, s7;
	s10 =	smul.u32 $0x35C00, s1  }
0xc: {  	[smem:$0x7FF] =	sst s4;
	p0 =	seq.s32 s1, $0xF;
	s22 =	smul.u32 $0xD6D8, s7  }
0xd: {  	_ =	strace $0x8000004A;
	s7 =	ssub.s32 $0x2, s7;
	s9 =	sadd.s32 s5, s6  }
0xe: {  	s5 =	sadd.s32 $0x29C00, s6;
	s12 =	sshrl.u32 s7, $0x1;
	s10 =	sshrl.u32 s10, $0x2  }
0xf: {  	s11 =	sadd.s32 s8, s22;
	s12 =	ssub.s32 s7, s12;
	s7 =	sadd.s32 s8, s3  }
0x10: {  	s8 =	sadd.s32 $0x1A00, s9;
	s9 =	sadd.s32 $0x1A40, s9;
	s11 =	sshll.u32 s11, $0x1  }
0x11: {  	v3 =	vlaneseq.u32;
	v0 =	vmov s22;
	s22 =	simm.s32 $0x400;
	s11 =	sadd.s32 s11, s6;
	s6 =	sadd.s32 s10, s2  }
0x12: {  	v1 =	vimm.f32 $0.0e+00;
	v2 =	vimm.f32 $1.000000000e+00;
	v3 =	vadd.s32 $0xD6D8, v3;
	s10 =	sadd.s32 $0x5F800, s11;
	s11 =	smax.u32 s12, $0x1;
	s12 =	simm.s32 $0x2700  }
.LBB2_1:
0x13: {  	s28 =	simm.s32 $0x0  }
.LBB2_2:
0x14: {  	p1 =	sne.s32 s28, $0x35BC0  }
.Ltmp0:
0x15: {  	_ = 	snop;
	(pc) =	sbr.rel @p1 .LBB2_2-.Ltmp0, $3  }
0x16: {  	_ =	sdelay $0x1  }
0x17: {  	s29 =	sshra.s32 s28, $0x2  }
0x18: {  	s28 =	sadd.s32 $0x40, s28;
	[tilespmem:s29+$0x2700] =	vst v1  }
0x19: {  	s28 =	simm.s32 $0x40;
	s29 =	simm.s32 $0x0  }
.LBB2_4:
0x1a: {  	p1 =	sne.s32 s28, $0x3580;
	[tilespmem:s29+$0xFE00] =	vst v1;
	s29 =	smov.u32 s28;
	s28 =	sadd.s32 $0x40, s28  }
.Ltmp1:
0x1b: {  	(pc) =	sbr.rel @p1 .LBB2_4-.Ltmp1, $2  }
0x1c: {  	_ =	sdelay $0x2  }
0x1d: {  	s29 =	sshra.s32 s29, $0x2  }
0x1e: {  	[tilespmem:s29+$0xFE00] =	vst v1  }
0x1f: {  	[tilespmem:$0x2600] =	vst v2  }
0x20: {  	[tilespmem:$0x2610] =	vst v2  }
0x21: {  	[tilespmem:$0x2620] =	vst v2  }
0x22: {  	[tilespmem:$0x2630] =	vst v2  }
0x23: {  	[tilespmem:$0x2640] =	vst v2  }
0x24: {  	[tilespmem:$0x2650] =	vst v2  }
0x25: {  	[tilespmem:$0x2660] =	vst v2  }
0x26: {  	[tilespmem:$0x2670] =	vst v2  }
0x27: {  	[tilespmem:$0x2680] =	vst v2  }
0x28: {  	[tilespmem:$0x2690] =	vst v2  }
0x29: {  	[tilespmem:$0x26A0] =	vst v2  }
0x2a: {  	[tilespmem:$0x26B0] =	vst v2  }
0x2b: {  	[tilespmem:$0x26C0] =	vst v2  }
0x2c: {  	[tilespmem:$0x26D0] =	vst v2  }
0x2d: {  	[tilespmem:$0x26E0] =	vst v2  }
0x2e: {  	[tilespmem:$0x26F0] =	vst v2  }
0x2f: {  	[spmem:s6] =	stream.linear.scatter [tilespmem:s12], [sflag:$0x5], $0xD700, $0x38;
	[tilespmem:$0x1EFE0] =	vst v63  }
0x30: {  	_ =	swait.ge [sflag:s13], $0xD700  }
0x31: {  	[sflag:s13] =	ssyncset.done $0x0  }
0x32: {  	[sflag:s13] =	ssyncadd.s32 $0xFFFF2900  }
0x33: {  	[spmem:s7] =	stream.linear.scatter [tilespmem:s14], [sflag:$0x5], $0xD70, $0x38;
	[tilespmem:$0x1EFE0] =	vst v63  }
0x34: {  	_ =	swait.ge [sflag:s13], $0xD70  }
0x35: {  	[sflag:s13] =	ssyncset.done $0x0  }
0x36: {  	[sflag:s13] =	ssyncadd.s32 $0xFFFFF290  }
0x37: {  	[bflag:$0x0] =	sbarrier.arrive $0xFFFF  }
0x38: {  	[tilespmem:s4], [sflag:$0x1] =	stream.linear.gather [hbm4b:s8+s4], $0x200, $0x38;
	[tilespmem:$0x1EFE0] =	vst v63  }
0x39: {  	_ = 	snop  }
0x3a: {  	[tilespmem:s15], [sflag:$0x2] =	stream.linear.gather [hbm4b:s9+s4], $0x200, $0x38;
	[tilespmem:$0x1EFE0] =	vst v63  }
0x3b: {  	_ =	swait.ge [sflag:s16], $0x200  }
0x3c: {  	[sflag:s16] =	ssyncset.done $0x0  }
0x3d: {  	s28 =	simm.s32 $0xFFFFD800;
	[sflag:s16] =	ssyncadd.s32 $0xFFFFFE00  }
0x3e: {  	[tilespmem:s18], [sflag:$0x3] =	stream.indirect.gather [hbm4b:s5+s17], $0x10, s4, s17, $0xb8;
	[tilespmem:$0x1EFE0] =	vst v63  }
.LBB2_6:
0x3f: {  	_ =	swait.ge [sflag:s19], $0x1000  }
0x40: {  	[sflag:s19] =	ssyncset.done $0x0  }
0x41: {  	[sflag:s19] =	ssyncadd.s32 $0xFFFFF000  }
0x42: {  	v4 =	vld [tilespmem:$0x100]  }
0x43: {  	v5 =	vld [tilespmem:$0x110]  }
0x44: {  	v6 =	vld [tilespmem:$0x120]  }
0x45: {  	v7 =	vld [tilespmem:$0x130]  }
0x46: {  	v8 =	vld [tilespmem:$0x140]  }
0x47: {  	v9 =	vld [tilespmem:$0x150];
	v4 =	vsub.s32 v4, v0  }
0x48: {  	v10 =	vld [tilespmem:$0x160];
	v5 =	vsub.s32 v5, v0;
	vm0 =	vlt.u32 v4, $0xD6D8  }
0x49: {  	v11 =	vld [tilespmem:$0x170];
	v6 =	vsub.s32 v6, v0;
	vm9 =	vlt.u32 v5, $0xD6D8;
	v4 =	vsel vm0, v4, v3  }
0x4a: {  	v30 =	vld [tilespmem:$0x180];
	vm10 =	vlt.u32 v6, $0xD6D8;
	[tilespmem:$0x400] =	vst v4;
	v4 =	vsel vm9, v5, v3;
	v5 =	vsub.s32 v7, v0  }
0x4b: {  	v32 =	vld [tilespmem:$0x190];
	v31 =	vsub.s32 v8, v0;
	[tilespmem:$0x410] =	vst v4;
	v4 =	vsel vm10, v6, v3;
	vm11 =	vlt.u32 v5, $0xD6D8  }
0x4c: {  	v33 =	vld [tilespmem:$0x1A0];
	vm12 =	vlt.u32 v31, $0xD6D8;
	[tilespmem:$0x420] =	vst v4;
	v4 =	vsel vm11, v5, v3;
	v5 =	vsub.s32 v9, v0  }
0x4d: {  	v35 =	vld [tilespmem:$0x1B0];
	v34 =	vsub.s32 v10, v0;
	[tilespmem:$0x430] =	vst v4;
	v4 =	vsel vm12, v31, v3;
	vm13 =	vlt.u32 v5, $0xD6D8  }
0x4e: {  	v36 =	vld [tilespmem:$0x1C0];
	vm14 =	vlt.u32 v34, $0xD6D8;
	[tilespmem:$0x440] =	vst v4;
	v4 =	vsel vm13, v5, v3;
	v5 =	vsub.s32 v11, v0  }
0x4f: {  	v38 =	vld [tilespmem:$0x1D0];
	v37 =	vsub.s32 v30, v0;
	[tilespmem:$0x450] =	vst v4;
	v4 =	vsel vm14, v34, v3;
	vm15 =	vlt.u32 v5, $0xD6D8  }
0x50: {  	v39 =	vld [tilespmem:$0x1E0];
	vm4 =	vlt.u32 v37, $0xD6D8;
	[tilespmem:$0x460] =	vst v4;
	v4 =	vsel vm15, v5, v3;
	v5 =	vsub.s32 v32, v0  }
0x51: {  	v41 =	vld [tilespmem:$0x1F0];
	v40 =	vsub.s32 v33, v0;
	[tilespmem:$0x470] =	vst v4;
	v4 =	vsel vm4, v37, v3;
	vm5 =	vlt.u32 v5, $0xD6D8  }
0x52: {  	vm6 =	vlt.u32 v40, $0xD6D8;
	[tilespmem:$0x480] =	vst v4;
	v4 =	vsel vm5, v5, v3;
	v5 =	vsub.s32 v35, v0  }
0x53: {  	v42 =	vsub.s32 v36, v0;
	[tilespmem:$0x490] =	vst v4;
	v4 =	vsel vm6, v40, v3;
	vm7 =	vlt.u32 v5, $0xD6D8  }
0x54: {  	vm8 =	vlt.u32 v42, $0xD6D8;
	[tilespmem:$0x4A0] =	vst v4;
	v4 =	vsel vm7, v5, v3;
	v5 =	vsub.s32 v38, v0  }
0x55: {  	v43 =	vsub.s32 v39, v0;
	[tilespmem:$0x4B0] =	vst v4;
	v4 =	vsel vm8, v42, v3;
	vm9 =	vlt.u32 v5, $0xD6D8  }
0x56: {  	vm10 =	vlt.u32 v43, $0xD6D8;
	[tilespmem:$0x4C0] =	vst v4;
	v4 =	vsel vm9, v5, v3;
	v5 =	vsub.s32 v41, v0  }
0x57: {  	[tilespmem:$0x4D0] =	vst v4;
	v4 =	vsel vm10, v43, v3;
	vm11 =	vlt.u32 v5, $0xD6D8  }
0x58: {  	s29 =	sadd.s32 s28, s8;
	[tilespmem:$0x4E0] =	vst v4;
	v4 =	vsel vm11, v5, v3  }
0x59: {  	s30 =	sadd.s32 $0x2880, s29;
	[tilespmem:$0x4F0] =	vst v4  }
0x5a: {  	[tilespmem:s4], [sflag:$0x1] =	stream.linear.gather [hbm4b:s30+s4], $0x200, $0x38;
	[tilespmem:$0x1EFE0] =	vst v63  }
0x5b: {  	_ =	swait.ge [sflag:s20], $0x200  }
0x5c: {  	[sflag:s20] =	ssyncset.done $0x0  }
0x5d: {  	[sflag:s20] =	ssyncadd.s32 $0xFFFFFE00  }
0x5e: {  	[tilespmem:s21], [sflag:$0x4] =	stream.indirect.gather [hbm4b:s5+s17], $0x10, s15, s17, $0xb8;
	[tilespmem:$0x1EFE0] =	vst v63  }
0x5f: {  	_ = 	snop  }
0x60: {  	[spmem:s2] =	stream.indirect.scatter.add.f32 [tilespmem:s18], [sflag:$0x5], $0x10, s22, s17, $0xb8;
	[tilespmem:$0x1EFE0] =	vst v63  }
0x61: {  	_ =	swait.ge [sflag:s13], $0x1000  }
0x62: {  	[sflag:s13] =	ssyncset.done $0x0  }
0x63: {  	[sflag:s13] =	ssyncadd.s32 $0xFFFFF000  }
0x64: {  	[spmem:s3] =	stream.indirect.scatter.add.f32 [tilespmem:s23], [sflag:$0x5], $0x1, s22, s17, $0xb8;
	[tilespmem:$0x1EFE0] =	vst v63  }
0x65: {  	_ =	swait.ge [sflag:s13], $0x100  }
0x66: {  	[sflag:s13] =	ssyncset.done $0x0  }
0x67: {  	[sflag:s13] =	ssyncadd.s32 $0xFFFFFF00  }
0x68: {  	_ =	swait.ge [sflag:s24], $0x1000  }
0x69: {  	[sflag:s24] =	ssyncset.done $0x0  }
0x6a: {  	[sflag:s24] =	ssyncadd.s32 $0xFFFFF000  }
0x6b: {  	v4 =	vld [tilespmem:$0x300]  }
0x6c: {  	v5 =	vld [tilespmem:$0x310]  }
0x6d: {  	v44 =	vld [tilespmem:$0x320]  }
0x6e: {  	v45 =	vld [tilespmem:$0x330]  }
0x6f: {  	v46 =	vld [tilespmem:$0x340]  }
0x70: {  	v47 =	vld [tilespmem:$0x350];
	v4 =	vsub.s32 v4, v0  }
0x71: {  	v48 =	vld [tilespmem:$0x360];
	v5 =	vsub.s32 v5, v0;
	vm12 =	vlt.u32 v4, $0xD6D8  }
0x72: {  	v49 =	vld [tilespmem:$0x370];
	v6 =	vsub.s32 v44, v0;
	vm13 =	vlt.u32 v5, $0xD6D8;
	v4 =	vsel vm12, v4, v3  }
0x73: {  	v50 =	vld [tilespmem:$0x380];
	vm14 =	vlt.u32 v6, $0xD6D8;
	[tilespmem:$0x500] =	vst v4;
	v4 =	vsel vm13, v5, v3;
	v5 =	vsub.s32 v45, v0  }
0x74: {  	v52 =	vld [tilespmem:$0x390];
	v51 =	vsub.s32 v46, v0;
	[tilespmem:$0x510] =	vst v4;
	v4 =	vsel vm14, v6, v3;
	vm15 =	vlt.u32 v5, $0xD6D8  }
0x75: {  	v53 =	vld [tilespmem:$0x3A0];
	vm4 =	vlt.u32 v51, $0xD6D8;
	[tilespmem:$0x520] =	vst v4;
	v4 =	vsel vm15, v5, v3;
	v5 =	vsub.s32 v47, v0  }
0x76: {  	v55 =	vld [tilespmem:$0x3B0];
	v54 =	vsub.s32 v48, v0;
	[tilespmem:$0x530] =	vst v4;
	v4 =	vsel vm4, v51, v3;
	vm5 =	vlt.u32 v5, $0xD6D8  }
0x77: {  	v56 =	vld [tilespmem:$0x3C0];
	vm6 =	vlt.u32 v54, $0xD6D8;
	[tilespmem:$0x540] =	vst v4;
	v4 =	vsel vm5, v5, v3;
	v5 =	vsub.s32 v49, v0  }
0x78: {  	v58 =	vld [tilespmem:$0x3D0];
	v57 =	vsub.s32 v50, v0;
	[tilespmem:$0x550] =	vst v4;
	v4 =	vsel vm6, v54, v3;
	vm7 =	vlt.u32 v5, $0xD6D8  }
0x79: {  	v59 =	vld [tilespmem:$0x3E0];
	vm8 =	vlt.u32 v57, $0xD6D8;
	[tilespmem:$0x560] =	vst v4;
	v4 =	vsel vm7, v5, v3;
	v5 =	vsub.s32 v52, v0  }
0x7a: {  	v61 =	vld [tilespmem:$0x3F0];
	v60 =	vsub.s32 v53, v0;
	[tilespmem:$0x570] =	vst v4;
	v4 =	vsel vm8, v57, v3;
	vm9 =	vlt.u32 v5, $0xD6D8  }
0x7b: {  	vm10 =	vlt.u32 v60, $0xD6D8;
	[tilespmem:$0x580] =	vst v4;
	v4 =	vsel vm9, v5, v3;
	v5 =	vsub.s32 v55, v0  }
0x7c: {  	v62 =	vsub.s32 v56, v0;
	[tilespmem:$0x590] =	vst v4;
	v4 =	vsel vm10, v60, v3;
	vm11 =	vlt.u32 v5, $0xD6D8  }
0x7d: {  	vm12 =	vlt.u32 v62, $0xD6D8;
	[tilespmem:$0x5A0] =	vst v4;
	v4 =	vsel vm11, v5, v3;
	v5 =	vsub.s32 v58, v0  }
0x7e: {  	v63 =	vsub.s32 v59, v0;
	[tilespmem:$0x5B0] =	vst v4;
	v4 =	vsel vm12, v62, v3;
	vm13 =	vlt.u32 v5, $0xD6D8  }
0x7f: {  	vm14 =	vlt.u32 v63, $0xD6D8;
	[tilespmem:$0x5C0] =	vst v4;
	v4 =	vsel vm13, v5, v3;
	v5 =	vsub.s32 v61, v0  }
0x80: {  	[tilespmem:$0x5D0] =	vst v4;
	v4 =	vsel vm14, v63, v3;
	vm15 =	vlt.u32 v5, $0xD6D8  }
0x81: {  	[tilespmem:$0x5E0] =	vst v4;
	v4 =	vsel vm15, v5, v3  }
0x82: {  	s29 =	sadd.s32 $0x28C0, s29;
	[tilespmem:$0x5F0] =	vst v4  }
0x83: {  	[tilespmem:s15], [sflag:$0x2] =	stream.linear.gather [hbm4b:s29+s4], $0x200, $0x38;
	[tilespmem:$0x1EFE0] =	vst v63  }
0x84: {  	_ =	swait.ge [sflag:s16], $0x200  }
0x85: {  	[sflag:s16] =	ssyncset.done $0x0  }
0x86: {  	[sflag:s16] =	ssyncadd.s32 $0xFFFFFE00  }
0x87: {  	[tilespmem:s18], [sflag:$0x3] =	stream.indirect.gather [hbm4b:s5+s17], $0x10, s4, s17, $0xb8;
	[tilespmem:$0x1EFE0] =	vst v63  }
0x88: {  	_ = 	snop  }
0x89: {  	[spmem:s2] =	stream.indirect.scatter.add.f32 [tilespmem:s21], [sflag:$0x5], $0x10, s25, s17, $0xb8;
	[tilespmem:$0x1EFE0] =	vst v63  }
0x8a: {  	_ =	swait.ge [sflag:s13], $0x1000  }
0x8b: {  	p1 =	sne.s32 s28, $0xFFFFFF80;
	[sflag:s13] =	ssyncset.done $0x0  }
.Ltmp2:
0x8c: {  	[sflag:s13] =	ssyncadd.s32 $0xFFFFF000;
	(pc) =	sbr.rel @p1 .LBB2_6-.Ltmp2, $4  }
0x8d: {  	[spmem:s3] =	stream.indirect.scatter.add.f32 [tilespmem:s23], [sflag:$0x5], $0x1, s25, s17, $0xb8;
	[tilespmem:$0x1EFE0] =	vst v63  }
0x8e: {  	_ =	swait.ge [sflag:s13], $0x100  }
0x8f: {  	[sflag:s13] =	ssyncset.done $0x0  }
0x90: {  	s28 =	sadd.s32 $0x80, s28;
	[sflag:s13] =	ssyncadd.s32 $0xFFFFFF00  }
0x91: {  	_ =	swait.ge [sflag:s19], $0x1000  }
0x92: {  	[sflag:s19] =	ssyncset.done $0x0  }
0x93: {  	[sflag:s19] =	ssyncadd.s32 $0xFFFFF000  }
0x94: {  	_ =	swait.ge [sflag:s20], $0x200  }
0x95: {  	[sflag:s20] =	ssyncset.done $0x0  }
0x96: {  	[sflag:s20] =	ssyncadd.s32 $0xFFFFFE00  }
0x97: {  	[bflag:$0x0] =	sbarrier.arrive $0xFFFF  }
0x98: {  	[tilespmem:s12], [sflag:$0x5] =	stream.linear.gather [spmem:s6], $0xD700, $0x38;
	[tilespmem:$0x1EFE0] =	vst v63  }
0x99: {  	_ =	swait.ge [sflag:s13], $0xD700  }
0x9a: {  	[sflag:s13] =	ssyncset.done $0x0  }
0x9b: {  	[sflag:s13] =	ssyncadd.s32 $0xFFFF2900  }
0x9c: {  	[tilespmem:s14], [sflag:$0x5] =	stream.linear.gather [spmem:s7], $0xD70, $0x38;
	[tilespmem:$0x1EFE0] =	vst v63  }
0x9d: {  	_ =	swait.ge [sflag:s13], $0xD70  }
0x9e: {  	[sflag:s13] =	ssyncset.done $0x0  }
0x9f: {  	s28 =	simm.s32 $0x0;
	[sflag:s13] =	ssyncadd.s32 $0xFFFFF290  }
0xa0: {  	v4 =	vld [tilespmem:s28+$0xFE00];
	_ =	sdelay $0x4  }
0xa1: {  	v4 =	vmax.f32 v4, $1.000000000e+00  }
0xa2: {  	(erf) = vrcp.f32 v4;
	_ =	sdelay $0x5  }
0xa3: {  	s28 =	simm.s32 $0x2780  }
0xa4: {  	v4 =	vld [tilespmem:s28+$0xFFFFFF80]  }
0xa5: {  	v5 =	vld [tilespmem:s28+$0xFFFFFF90]  }
0xa6: {  	v6 =	vld [tilespmem:s28+$0xFFFFFFA0];
	v7 =	vpop (erf)  }
0xa7: {  	v8 =	vld [tilespmem:s28+$0xFFFFFFB0];
	v9 =	vbroadcast v7, $0x0  }
0xa8: {  	v12 =	vld [tilespmem:s28+$0xFFFFFFD0];
	v10 =	vbroadcast v7, $0x1  }
0xa9: {  	v11 =	vld [tilespmem:s28+$0xFFFFFFC0];
	v13 =	vbroadcast v7, $0x2;
	v4 =	vmul.f32 v9, v4  }
0xaa: {  	v49 =	vld [tilespmem:s28+$0xFFFFFFE0];
	v48 =	vbroadcast v7, $0x3;
	v5 =	vmul.f32 v10, v5  }
0xab: {  	v51 =	vld [tilespmem:s28+$0x10];
	v50 =	vbroadcast v7, $0x5;
	v6 =	vmul.f32 v6, v13;
	[tilespmem:s28+$0xFFFFFF80] =	vst v4  }
0xac: {  	v14 =	vld [tilespmem:s28+$0xFFFFFFF0];
	v8 =	vmul.f32 v8, v48;
	v4 =	vbroadcast v7, $0x4;
	[tilespmem:s28+$0xFFFFFF90] =	vst v5  }
0xad: {  	v15 =	vbroadcast v7, $0x6;
	v9 =	vmul.f32 v12, v50;
	v5 =	vld [tilespmem:s28+$0x0];
	[tilespmem:s28+$0xFFFFFFA0] =	vst v6  }
0xae: {  	v57 =	vld [tilespmem:s28+$0x50];
	v55 =	vbroadcast v7, $0x9;
	[tilespmem:s28+$0xFFFFFFB0] =	vst v8;
	v4 =	vmul.f32 v11, v4  }
0xaf: {  	v53 =	vld [tilespmem:s28+$0x20];
	v52 =	vbroadcast v7, $0x7;
	v10 =	vmul.f32 v49, v15;
	[tilespmem:s28+$0xFFFFFFD0] =	vst v9  }
0xb0: {  	v54 =	vld [tilespmem:s28+$0x30];
	v59 =	vmul.f32 v51, v55;
	[tilespmem:s28+$0xFFFFFFC0] =	vst v4;
	v4 =	vbroadcast v7, $0x8  }
0xb1: {  	v56 =	vld [tilespmem:s28+$0x40];
	v62 =	vbroadcast v7, $0xD;
	v6 =	vmul.f32 v14, v52;
	[tilespmem:s28+$0xFFFFFFE0] =	vst v10  }
0xb2: {  	v60 =	vld [tilespmem:s28+$0x60];
	v58 =	vbroadcast v7, $0xA;
	[tilespmem:s28+$0x10] =	vst v59;
	v4 =	vmul.f32 v5, v4  }
0xb3: {  	v61 =	vld [tilespmem:s28+$0x70];
	v8 =	vmul.f32 v57, v62;
	[tilespmem:s28+$0xFFFFFFF0] =	vst v6;
	v5 =	vbroadcast v7, $0xB  }
0xb4: {  	v11 =	vmul.f32 v53, v58;
	[tilespmem:s28+$0x0] =	vst v4;
	v4 =	vbroadcast v7, $0xC  }
0xb5: {  	v63 =	vbroadcast v7, $0xE;
	[tilespmem:s28+$0x50] =	vst v8;
	v5 =	vmul.f32 v54, v5  }
0xb6: {  	[tilespmem:s28+$0x20] =	vst v11;
	v7 =	vbroadcast v7, $0xF;
	v4 =	vmul.f32 v56, v4  }
0xb7: {  	[tilespmem:s28+$0x30] =	vst v5;
	v5 =	vmul.f32 v60, v63  }
0xb8: {  	[tilespmem:s28+$0x40] =	vst v4;
	v4 =	vmul.f32 v61, v7  }
0xb9: {  	[tilespmem:s28+$0x60] =	vst v5  }
0xba: {  	s30 =	simm.s32 $0x10;
	s29 =	simm.s32 $0x80;
	[tilespmem:s28+$0x70] =	vst v4  }
.LBB2_8:
0xbb: {  	p1 =	sne.s32 s29, $0x3580;
	v4 =	vld [tilespmem:s30+$0xFE00];
	_ =	sdelay $0x4  }
0xbc: {  	v4 =	vmax.f32 v4, $1.000000000e+00  }
0xbd: {  	(erf) = vrcp.f32 v4;
	_ =	sdelay $0x3  }
0xbe: {  	s28 =	sadd.s32 $0x100, s28  }
0xbf: {  	v4 =	vld [tilespmem:s28+$0xFFFFFFB0]  }
0xc0: {  	v5 =	vld [tilespmem:s28+$0xFFFFFF90]  }
0xc1: {  	v6 =	vld [tilespmem:s28+$0xFFFFFF80]  }
0xc2: {  	v7 =	vld [tilespmem:s28+$0xFFFFFFA0]  }
0xc3: {  	v8 =	vld [tilespmem:s28+$0xFFFFFFF0];
	v9 =	vpop (erf)  }
0xc4: {  	v10 =	vbroadcast v9, $0x0;
	v11 =	vbroadcast v9, $0x1;
	v12 =	vld [tilespmem:s28+$0xFFFFFFD0]  }
0xc5: {  	v13 =	vbroadcast v9, $0x2;
	v14 =	vbroadcast v9, $0x3;
	v15 =	vld [tilespmem:s28+$0xFFFFFFC0]  }
0xc6: {  	v6 =	vmul.f32 v10, v6;
	v5 =	vmul.f32 v11, v5;
	v10 =	vld [tilespmem:s28+$0xFFFFFFE0]  }
0xc7: {  	v4 =	vmul.f32 v4, v14;
	v7 =	vmul.f32 v7, v13;
	v11 =	vld [tilespmem:s28+$0x30]  }
0xc8: {  	v13 =	vbroadcast v9, $0x5;
	[tilespmem:s28+$0xFFFFFF80] =	vst v6;
	v6 =	vbroadcast v9, $0x4;
	v14 =	vld [tilespmem:s28+$0x10]  }
0xc9: {  	v16 =	vbroadcast v9, $0x7;
	[tilespmem:s28+$0xFFFFFF90] =	vst v5;
	v5 =	vbroadcast v9, $0x6;
	v17 =	vld [tilespmem:s28+$0x0]  }
0xca: {  	[tilespmem:s28+$0xFFFFFFA0] =	vst v7;
	v6 =	vmul.f32 v15, v6;
	v7 =	vmul.f32 v12, v13;
	v12 =	vld [tilespmem:s28+$0x20]  }
0xcb: {  	[tilespmem:s28+$0xFFFFFFB0] =	vst v4;
	v4 =	vmul.f32 v10, v5;
	v5 =	vmul.f32 v8, v16;
	v8 =	vld [tilespmem:s28+$0x70]  }
0xcc: {  	v10 =	vbroadcast v9, $0x9;
	[tilespmem:s28+$0xFFFFFFC0] =	vst v6;
	v6 =	vbroadcast v9, $0x8;
	v13 =	vld [tilespmem:s28+$0x50]  }
0xcd: {  	v15 =	vbroadcast v9, $0xB;
	[tilespmem:s28+$0xFFFFFFD0] =	vst v7;
	v7 =	vbroadcast v9, $0xA;
	v16 =	vld [tilespmem:s28+$0x40]  }
0xce: {  	[tilespmem:s28+$0xFFFFFFE0] =	vst v4;
	v4 =	vmul.f32 v17, v6;
	v6 =	vmul.f32 v14, v10;
	v10 =	vld [tilespmem:s28+$0x60]  }
0xcf: {  	[tilespmem:s28+$0xFFFFFFF0] =	vst v5;
	v5 =	vmul.f32 v12, v7;
	v7 =	vmul.f32 v11, v15  }
0xd0: {  	v11 =	vbroadcast v9, $0xD;
	[tilespmem:s28+$0x0] =	vst v4;
	v4 =	vbroadcast v9, $0xC  }
0xd1: {  	[tilespmem:s28+$0x10] =	vst v6;
	v6 =	vbroadcast v9, $0xE;
	v9 =	vbroadcast v9, $0xF  }
0xd2: {  	[tilespmem:s28+$0x20] =	vst v5;
	v4 =	vmul.f32 v16, v4;
	v5 =	vmul.f32 v13, v11  }
.Ltmp3:
0xd3: {  	[tilespmem:s28+$0x30] =	vst v7;
	v6 =	vmul.f32 v10, v6;
	v7 =	vmul.f32 v8, v9;
	(pc) =	sbr.rel @p1 .LBB2_8-.Ltmp3, $4  }
0xd4: {  	[tilespmem:s28+$0x40] =	vst v4  }
0xd5: {  	[tilespmem:s28+$0x50] =	vst v5  }
0xd6: {  	[tilespmem:s28+$0x60] =	vst v6  }
0xd7: {  	s30 =	sshra.s32 s29, $0x2;
	s29 =	sadd.s32 $0x40, s29;
	[tilespmem:s28+$0x70] =	vst v7  }
0xd8: {  	v4 =	vld [tilespmem:s30+$0xFE00];
	_ =	sdelay $0x4  }
0xd9: {  	v4 =	vmax.f32 v4, $1.000000000e+00  }
0xda: {  	(erf) = vrcp.f32 v4;
	_ =	sdelay $0x5  }
0xdb: {  	s28 =	sadd.s32 $0x100, s28  }
0xdc: {  	v4 =	vld [tilespmem:s28+$0xFFFFFF80]  }
0xdd: {  	v5 =	vld [tilespmem:s28+$0xFFFFFF90]  }
0xde: {  	v6 =	vld [tilespmem:s28+$0xFFFFFFA0];
	v7 =	vpop (erf)  }
0xdf: {  	v8 =	vld [tilespmem:s28+$0xFFFFFFB0];
	v9 =	vbroadcast v7, $0x0  }
0xe0: {  	v12 =	vld [tilespmem:s28+$0xFFFFFFD0];
	v10 =	vbroadcast v7, $0x1  }
0xe1: {  	v11 =	vld [tilespmem:s28+$0xFFFFFFC0];
	v13 =	vbroadcast v7, $0x2;
	v4 =	vmul.f32 v9, v4  }
0xe2: {  	v49 =	vld [tilespmem:s28+$0xFFFFFFE0];
	v48 =	vbroadcast v7, $0x3;
	v5 =	vmul.f32 v10, v5  }
0xe3: {  	v51 =	vld [tilespmem:s28+$0x10];
	v50 =	vbroadcast v7, $0x5;
	v6 =	vmul.f32 v6, v13;
	[tilespmem:s28+$0xFFFFFF80] =	vst v4  }
0xe4: {  	v14 =	vld [tilespmem:s28+$0xFFFFFFF0];
	v8 =	vmul.f32 v8, v48;
	v4 =	vbroadcast v7, $0x4;
	[tilespmem:s28+$0xFFFFFF90] =	vst v5  }
0xe5: {  	v15 =	vbroadcast v7, $0x6;
	v9 =	vmul.f32 v12, v50;
	v5 =	vld [tilespmem:s28+$0x0];
	[tilespmem:s28+$0xFFFFFFA0] =	vst v6  }
0xe6: {  	v57 =	vld [tilespmem:s28+$0x50];
	v55 =	vbroadcast v7, $0x9;
	[tilespmem:s28+$0xFFFFFFB0] =	vst v8;
	v4 =	vmul.f32 v11, v4  }
0xe7: {  	v53 =	vld [tilespmem:s28+$0x20];
	v52 =	vbroadcast v7, $0x7;
	v10 =	vmul.f32 v49, v15;
	[tilespmem:s28+$0xFFFFFFD0] =	vst v9  }
0xe8: {  	v54 =	vld [tilespmem:s28+$0x30];
	v59 =	vmul.f32 v51, v55;
	[tilespmem:s28+$0xFFFFFFC0] =	vst v4;
	v4 =	vbroadcast v7, $0x8  }
0xe9: {  	v56 =	vld [tilespmem:s28+$0x40];
	v62 =	vbroadcast v7, $0xD;
	v6 =	vmul.f32 v14, v52;
	[tilespmem:s28+$0xFFFFFFE0] =	vst v10  }
0xea: {  	v60 =	vld [tilespmem:s28+$0x60];
	v58 =	vbroadcast v7, $0xA;
	[tilespmem:s28+$0x10] =	vst v59;
	v4 =	vmul.f32 v5, v4  }
0xeb: {  	v61 =	vld [tilespmem:s28+$0x70];
	v8 =	vmul.f32 v57, v62;
	[tilespmem:s28+$0xFFFFFFF0] =	vst v6;
	v5 =	vbroadcast v7, $0xB  }
0xec: {  	v11 =	vmul.f32 v53, v58;
	[tilespmem:s28+$0x0] =	vst v4;
	v4 =	vbroadcast v7, $0xC  }
0xed: {  	v63 =	vbroadcast v7, $0xE;
	[tilespmem:s28+$0x50] =	vst v8;
	v5 =	vmul.f32 v54, v5  }
0xee: {  	[tilespmem:s28+$0x20] =	vst v11;
	v7 =	vbroadcast v7, $0xF;
	v4 =	vmul.f32 v56, v4  }
0xef: {  	[tilespmem:s28+$0x30] =	vst v5;
	v5 =	vmul.f32 v60, v63  }
0xf0: {  	[tilespmem:s28+$0x40] =	vst v4;
	v4 =	vmul.f32 v61, v7  }
0xf1: {  	[tilespmem:s28+$0x60] =	vst v5  }
0xf2: {  	s29 =	simm.s32 @p0 $0x2700;
	[tilespmem:s28+$0x70] =	vst v4;
	s28 =	simm.s32 @p0 $0x0  }
0xf3: {  	[hbm4b:s10+s28] =	stream.linear.scatter @p0 [tilespmem:s29], [sflag:$0x5], $0xD480, $0x38;
	[tilespmem:$0x1EFE0] =	vst v63  }
0xf4: {  	s28 =	simm.s32 @p0 $0x5  }
0xf5: {  	s26 =	sadd.s32 $0x1, s26;
	_ =	swait.ge @p0 [sflag:s28], $0xD480  }
0xf6: {  	p1 =	sne.s32 s26, s11;
	[sflag:s28] =	ssyncset.done @p0 $0x0  }
0xf7: {  	s29 =	simm.s32 @!p0 $0x2700;
	[sflag:s28] =	ssyncadd.s32 @p0 $0xFFFF2B80;
	s28 =	simm.s32 @!p0 $0x0  }
0xf8: {  	[hbm4b:s10+s28] =	stream.linear.scatter @!p0 [tilespmem:s29], [sflag:$0x5], $0xD700, $0x38;
	[tilespmem:$0x1EFE0] =	vst v63  }
.Ltmp4:
0xf9: {  	_ = 	snop;
	(pc) =	sbr.rel @p1 .LBB2_1-.Ltmp4, $4  }
0xfa: {  	s28 =	simm.s32 @!p0 $0x5  }
0xfb: {  	_ =	swait.ge @!p0 [sflag:s28], $0xD700  }
0xfc: {  	[sflag:s28] =	ssyncset.done @!p0 $0x0  }
0xfd: {  	[sflag:s28] =	ssyncadd.s32 @!p0 $0xFFFF2900  }
0xfe: {  	_ =	sfence.sel $0x180000  }
0xff: {  	[bflag:$0x0] =	sbarrier.arrive $0xFFFF  }
0x100: {  	p0 =	sne.s32 s1, $0x0;
	_ =	strace $0x9000004A  }
0x101: {  	s0 =	sadd.s32 @!p0 $0x100000, s0;
	[bflag:$0x2] =	sbarrier.arrive $0xFFFF  }
0x102: {  	[sflag:s0] =	ssyncadd.tile.s32 @!p0 $0x1;
	_ =	shalt  }
.Lfunc_end2:
_tile_overlayer_lowered:
.L_overlay_start_2:
0x103: {  	(tag) =	ssettag $0x2  }
0x104: {  	s0 =	rddreg [dreg:$0x0];
	s2 =	stileid.u32  }
0x105: {  	s1 =	rddreg [dreg:$0x1];
	p0 =	sne.s32 s2, $0x0  }
0x106: {  	s3 =	rddreg [dreg:$0x2];
	[bflag:$0x3] =	sbarrier.arrive $0xFFFF;
	s2 =	simm.s32 @!p0 $0x1C05  }
0x107: {  	[timem:s3], [sflag:s2] =	dma.local @!p0 [hbm:s0], s1  }
0x108: {  	s0 =	simm.s32 @!p0 $0x5  }
0x109: {  	_ =	swait.ge @!p0 [sflag:s0], s1  }
0x10a: {  	s1 =	ssub.s32 @!p0 $0x0, s1;
	[sflag:s0] =	ssyncset.done @!p0 $0x0  }
0x10b: {  	[sflag:s0] =	ssyncadd.s32 @!p0 s1  }
0x10c: {  	[bflag:$0x3] =	sbarrier.arrive $0xFFFF  }
0x10d: {  	_ =	shalt  }

</sc_bundles>
